<compile_context>
chip_gen: v7x
topology: tpu7x:2x2x1
jax: 0.10.2.dev20260603
libtpu: 0.0.44.dev20260713+nightly
codegen_flags: <defaults>
</compile_context>

<pallas_src>
import functools

import jax
import jax.numpy as jnp
from jax import lax
from jax.experimental import pallas as pl
from jax.experimental.pallas import tpu as pltpu
from jax.experimental.pallas import tpu_sc as plsc

_L = 16


def _gate_body(ew_hbm, sc_hbm, ei_hbm, ab_hbm, out_hbm,
               scores_v, ei0, ei1, ei2, ew0, ew1, ew2, out0, out1, ab_v,
               sin0, sin1, sin2, sout0, sout1,
               *, chunk, num_cores, n_hi, n_lo_workers):
    wid = lax.axis_index("s") * num_cores + lax.axis_index("c")
    n_w = jnp.where(wid < n_lo_workers, n_hi, n_hi - 1)
    first = wid * (n_hi - 1) + jnp.minimum(wid, n_lo_workers)
    n_groups = (n_hi - 1) // 6
    tail = n_w - 6 * n_groups

    eis = (ei0, ei1, ei2)
    ews = (ew0, ew1, ew2)
    outs = (out0, out1)
    sins = (sin0, sin1, sin2)
    souts = (sout0, sout1)

    pltpu.sync_copy(sc_hbm, scores_v)
    pltpu.sync_copy(ab_hbm, ab_v)
    na = ab_v[0]
    nb = ab_v[1]

    def in_descs(b, c):
        base = (first + c) * chunk
        return (pltpu.make_async_copy(ei_hbm.at[:, pl.ds(base, chunk)],
                                      eis[b], sins[b]),
                pltpu.make_async_copy(ew_hbm.at[pl.ds(base, chunk)],
                                     ews[b], sins[b]))

    def start_in(b, c):
        d1, d2 = in_descs(b, c)
        d1.start()
        d2.start()

    def wait_in(b, c):
        d1, d2 = in_descs(b, c)
        d1.wait()
        d2.wait()

    def out_desc(b, c):
        base = (first + c) * chunk
        return pltpu.make_async_copy(outs[b], out_hbm.at[pl.ds(base, chunk)],
                                     souts[b])

    def compute(ei_v, ew_v, out_v):
        @plsc.parallel_loop(0, chunk // _L, unroll=8)
        def _(v):
            sl = pl.ds(v * _L, _L)
            si = plsc.load_gather(scores_v, [ei_v[0, sl]])
            sj = plsc.load_gather(scores_v, [ei_v[1, sl]])
            x = na * (si + sj) + nb
            out_v[sl] = ew_v[sl] / (1.0 + jnp.exp(x))

    start_in(0, 0)
    start_in(1, 1)
    start_in(2, 2)

    def group_body(g, carry):
        c0 = 6 * g
        for k in range(6):
            c = c0 + k
            bi = k % 3
            bo = k % 2
            wait_in(bi, c)
            if k >= 2:
                out_desc(bo, c - 2).wait()
            else:
                @pl.when(g > 0)
                def _():
                    out_desc(bo, c - 2).wait()
            compute(eis[bi], ews[bi], outs[bo])
            out_desc(bo, c).start()

            @pl.when(c + 3 < n_w)
            def _():
                start_in(bi, c + 3)

        return carry

    lax.fori_loop(0, n_groups, group_body, 0)

    @pl.when(tail > 0)
    def _():
        c = 6 * n_groups
        wait_in(0, c)
        out_desc(0, c - 2).wait()
        compute(ei0, ew0, out0)
        out_desc(0, c).start()

    last0 = jnp.where(tail > 0, 6 * n_groups, 6 * n_groups - 2)
    out_desc(0, last0).wait()
    out_desc(1, 6 * n_groups - 1).wait()


def kernel(edge_weights, scores, edge_index, alpha, beta):
    E = edge_weights.shape[0]
    info = plsc.get_sparse_core_info()
    nw = info.num_cores * info.num_subcores
    chunk = 2560
    assert E % chunk == 0 and chunk % 128 == 0
    total_chunks = E // chunk
    n_hi = -(-total_chunks // nw)
    n_lo_workers = total_chunks - nw * (n_hi - 1)
    assert (n_hi - 1) % 6 == 0 or n_lo_workers == nw

    ei = edge_index.astype(jnp.int32)
    ab = jnp.stack([jnp.full((_L,), -alpha, jnp.float32),
                    jnp.full((_L,), -beta, jnp.float32)])

    mesh = plsc.VectorSubcoreMesh(core_axis_name="c", subcore_axis_name="s")
    body = functools.partial(_gate_body, chunk=chunk,
                             num_cores=info.num_cores,
                             n_hi=n_hi, n_lo_workers=n_lo_workers)
    run = pl.kernel(
        body,
        mesh=mesh,
        compiler_params=pltpu.CompilerParams(needs_layout_passes=False),
        out_type=jax.ShapeDtypeStruct((E,), jnp.float32),
        scratch_types=[
            pltpu.VMEM((scores.shape[0],), jnp.float32),
            pltpu.VMEM((2, chunk), jnp.int32),
            pltpu.VMEM((2, chunk), jnp.int32),
            pltpu.VMEM((2, chunk), jnp.int32),
            pltpu.VMEM((chunk,), jnp.float32),
            pltpu.VMEM((chunk,), jnp.float32),
            pltpu.VMEM((chunk,), jnp.float32),
            pltpu.VMEM((chunk,), jnp.float32),
            pltpu.VMEM((chunk,), jnp.float32),
            pltpu.VMEM((2, _L), jnp.float32),
            pltpu.SemaphoreType.DMA,
            pltpu.SemaphoreType.DMA,
            pltpu.SemaphoreType.DMA,
            pltpu.SemaphoreType.DMA,
            pltpu.SemaphoreType.DMA,
        ],
    )
    return run(edge_weights, scores, ei, ab)

# --- scband reference (transcript-rebuilt; emitter-appended) ---
"""Pipeline reference for scband-gating-denoising-3453153706627 (READ-ONLY COPY).

The authoritative reference and input builder live on the scoring server;
editing this copy changes nothing except your own understanding.
"""

import jax, jax.numpy as jnp
import numpy as np


def setup_inputs(seed: int = 0) -> dict:
    key = jax.random.key(seed)
    k1, k2, k3 = jax.random.split(key, 3)
    E = 6400000
    N = 100000
    edge_weights = jax.random.uniform(k1, (E,), dtype=jnp.float32)
    scores = jax.random.normal(k2, (N,), dtype=jnp.float32)
    edge_index = jax.random.randint(k3, (2, E), 0, N, dtype=jnp.int64)
    # learned parameters: alpha init 1.0, beta init 0.0
    alpha = jnp.array(1.0, dtype=jnp.float32)
    beta = jnp.array(0.0, dtype=jnp.float32)
    return {"edge_weights": edge_weights, "scores": scores, "edge_index": edge_index, "alpha": alpha, "beta": beta}


def reference(edge_weights, scores, edge_index, alpha, beta):
    i = edge_index[0]
    j = edge_index[1]
    gate = jax.nn.sigmoid(alpha * (jnp.take(scores, i, axis=0) + jnp.take(scores, j, axis=0)) + beta)
    return edge_weights * gate

if __name__ == "__main__":
    import jax
    _d = setup_inputs()
    print(jax.jit(kernel)(*tuple(_d.values())))

</pallas_src>

<mosaic_0001>
#map = affine_map<(d0, d1) -> (0)>
#map1 = affine_map<(d0, d1) -> (0, 0)>
module attributes {stable_mosaic.version = 14 : i64} {
  func.func @_gate_body(%arg0: i32, %arg1: i32, %arg2: memref<6400000xf32, #tpu.memory_space<hbm>>, %arg3: memref<100000xf32, #tpu.memory_space<hbm>>, %arg4: memref<2x6400000xi32, #tpu.memory_space<hbm>>, %arg5: memref<2x16xf32, #tpu.memory_space<hbm>>, %arg6: memref<6400000xf32, #tpu.memory_space<hbm>>, %arg7: memref<100000xf32, #tpu.memory_space<vmem>>, %arg8: memref<2x2560xi32, #tpu.memory_space<vmem>>, %arg9: memref<2x2560xi32, #tpu.memory_space<vmem>>, %arg10: memref<2x2560xi32, #tpu.memory_space<vmem>>, %arg11: memref<2560xf32, #tpu.memory_space<vmem>>, %arg12: memref<2560xf32, #tpu.memory_space<vmem>>, %arg13: memref<2560xf32, #tpu.memory_space<vmem>>, %arg14: memref<2560xf32, #tpu.memory_space<vmem>>, %arg15: memref<2560xf32, #tpu.memory_space<vmem>>, %arg16: memref<2x16xf32, #tpu.memory_space<vmem>>, %arg17: memref<!tpu.dma_semaphore, #tpu.memory_space<semaphore_mem>>, %arg18: memref<!tpu.dma_semaphore, #tpu.memory_space<semaphore_mem>>, %arg19: memref<!tpu.dma_semaphore, #tpu.memory_space<semaphore_mem>>, %arg20: memref<!tpu.dma_semaphore, #tpu.memory_space<semaphore_mem>>, %arg21: memref<!tpu.dma_semaphore, #tpu.memory_space<semaphore_mem>>) attributes {dimension_semantics = [#tpu.dimension_semantics<core_parallel>, #tpu.dimension_semantics<subcore_parallel>], iteration_bounds = array<i64: 2, 16>, scalar_prefetch = 0 : i64, scratch_operands = 15 : i64, tpu.core_type = #tpu.core_type<sc_vector_subcore>, window_params = [{transform_indices = #map}, {transform_indices = #map}, {transform_indices = #map1}, {transform_indices = #map1}, {transform_indices = #map}]} {
    %mul3A = arith.constant 2 : i32
    %mul3A_0 = arith.muli %arg1, %mul3A : i32
    %add3A = arith.addi %mul3A_0, %arg0 : i32
    %lt3A = arith.constant 4 : i32
    %lt3A_1 = arith.cmpi slt, %add3A, %lt3A : i32
    %jit3A = arith.constant 79 : i32
    %jit3A_2 = arith.constant 78 : i32
    %select_n3A = arith.select %lt3A_1, %jit3A, %jit3A_2 : i32
    %mul3A_3 = arith.constant 78 : i32
    %mul3A_4 = arith.muli %add3A, %mul3A_3 : i32
    %min3A = arith.constant 4 : i32
    %min3A_5 = arith.minsi %add3A, %min3A : i32
    %add3A_6 = arith.addi %mul3A_4, %min3A_5 : i32
    %sub3A = arith.constant 78 : i32
    %sub3A_7 = arith.subi %select_n3A, %sub3A : i32
    "tpu.region"() ({
      %run_scoped3A = tpu.sem_alloc : memref<!tpu.dma_semaphore, #tpu.memory_space<semaphore_mem>>
      tpu.enqueue_dma source(%arg3 : memref<100000xf32, #tpu.memory_space<hbm>>) target(%arg7 : memref<100000xf32, #tpu.memory_space<vmem>>) target_semaphore(%run_scoped3A : memref<!tpu.dma_semaphore, #tpu.memory_space<semaphore_mem>>)
      tpu.wait_dma2 semaphore(%run_scoped3A : memref<!tpu.dma_semaphore, #tpu.memory_space<semaphore_mem>>) src(%arg3 : memref<100000xf32, #tpu.memory_space<hbm>>) dst(%arg7 : memref<100000xf32, #tpu.memory_space<vmem>>)
      tpu.yield
    }) : () -> ()
    "tpu.region"() ({
      %run_scoped3A = tpu.sem_alloc : memref<!tpu.dma_semaphore, #tpu.memory_space<semaphore_mem>>
      tpu.enqueue_dma source(%arg5 : memref<2x16xf32, #tpu.memory_space<hbm>>) target(%arg16 : memref<2x16xf32, #tpu.memory_space<vmem>>) target_semaphore(%run_scoped3A : memref<!tpu.dma_semaphore, #tpu.memory_space<semaphore_mem>>)
      tpu.wait_dma2 semaphore(%run_scoped3A : memref<!tpu.dma_semaphore, #tpu.memory_space<semaphore_mem>>) src(%arg5 : memref<2x16xf32, #tpu.memory_space<hbm>>) dst(%arg16 : memref<2x16xf32, #tpu.memory_space<vmem>>)
      tpu.yield
    }) : () -> ()
    %get3A = arith.constant 0 : i32
    %get3A_8 = arith.index_cast %get3A : i32 to index
    %get3A_9 = arith.constant 0 : index
    %get3A_10 = tpu.vector_load %arg16[%get3A_8, %get3A_9] {strides = array<i32>} : memref<2x16xf32, #tpu.memory_space<vmem>>, vector<16xf32>,
    %get3A_11 = arith.constant 1 : i32
    %get3A_12 = arith.index_cast %get3A_11 : i32 to index
    %get3A_13 = arith.constant 0 : index
    %get3A_14 = tpu.vector_load %arg16[%get3A_12, %get3A_13] {strides = array<i32>} : memref<2x16xf32, #tpu.memory_space<vmem>>, vector<16xf32>,
    %add3A_15 = arith.constant 0 : i32
    %add3A_16 = arith.addi %add3A_6, %add3A_15 : i32
    %mul3A_17 = arith.constant 2560 : i32
    %mul3A_18 = arith.muli %add3A_16, %mul3A_17 : i32
    %dma_start3A = arith.constant 0 : i32
    %dma_start3A_19 = tpu.memref_slice %arg4[%dma_start3A, %mul3A_18] : memref<2x6400000xi32, #tpu.memory_space<hbm>> -> memref<2x2560xi32, #tpu.memory_space<hbm>>
    %dma_start3A_20 = arith.constant 0 : i32
    %dma_start3A_21 = tpu.memref_slice %arg4[%dma_start3A_20, %mul3A_18] : memref<2x6400000xi32, #tpu.memory_space<hbm>> -> memref<2x2560xi32, #tpu.memory_space<hbm>>
    tpu.enqueue_dma source(%dma_start3A_21 : memref<2x2560xi32, #tpu.memory_space<hbm>>) target(%arg8 : memref<2x2560xi32, #tpu.memory_space<vmem>>) target_semaphore(%arg17 : memref<!tpu.dma_semaphore, #tpu.memory_space<semaphore_mem>>)
    %dma_start3A_22 = tpu.memref_slice %arg2[%mul3A_18] : memref<6400000xf32, #tpu.memory_space<hbm>> -> memref<2560xf32, #tpu.memory_space<hbm>>
    %dma_start3A_23 = tpu.memref_slice %arg2[%mul3A_18] : memref<6400000xf32, #tpu.memory_space<hbm>> -> memref<2560xf32, #tpu.memory_space<hbm>>
    tpu.enqueue_dma source(%dma_start3A_23 : memref<2560xf32, #tpu.memory_space<hbm>>) target(%arg11 : memref<2560xf32, #tpu.memory_space<vmem>>) target_semaphore(%arg17 : memref<!tpu.dma_semaphore, #tpu.memory_space<semaphore_mem>>)
    %add3A_24 = arith.constant 1 : i32
    %add3A_25 = arith.addi %add3A_6, %add3A_24 : i32
    %mul3A_26 = arith.constant 2560 : i32
    %mul3A_27 = arith.muli %add3A_25, %mul3A_26 : i32
    %dma_start3A_28 = arith.constant 0 : i32
    %dma_start3A_29 = tpu.memref_slice %arg4[%dma_start3A_28, %mul3A_27] : memref<2x6400000xi32, #tpu.memory_space<hbm>> -> memref<2x2560xi32, #tpu.memory_space<hbm>>
    %dma_start3A_30 = arith.constant 0 : i32
    %dma_start3A_31 = tpu.memref_slice %arg4[%dma_start3A_30, %mul3A_27] : memref<2x6400000xi32, #tpu.memory_space<hbm>> -> memref<2x2560xi32, #tpu.memory_space<hbm>>
    tpu.enqueue_dma source(%dma_start3A_31 : memref<2x2560xi32, #tpu.memory_space<hbm>>) target(%arg9 : memref<2x2560xi32, #tpu.memory_space<vmem>>) target_semaphore(%arg18 : memref<!tpu.dma_semaphore, #tpu.memory_space<semaphore_mem>>)
    %dma_start3A_32 = tpu.memref_slice %arg2[%mul3A_27] : memref<6400000xf32, #tpu.memory_space<hbm>> -> memref<2560xf32, #tpu.memory_space<hbm>>
    %dma_start3A_33 = tpu.memref_slice %arg2[%mul3A_27] : memref<6400000xf32, #tpu.memory_space<hbm>> -> memref<2560xf32, #tpu.memory_space<hbm>>
    tpu.enqueue_dma source(%dma_start3A_33 : memref<2560xf32, #tpu.memory_space<hbm>>) target(%arg12 : memref<2560xf32, #tpu.memory_space<vmem>>) target_semaphore(%arg18 : memref<!tpu.dma_semaphore, #tpu.memory_space<semaphore_mem>>)
    %add3A_34 = arith.constant 2 : i32
    %add3A_35 = arith.addi %add3A_6, %add3A_34 : i32
    %mul3A_36 = arith.constant 2560 : i32
    %mul3A_37 = arith.muli %add3A_35, %mul3A_36 : i32
    %dma_start3A_38 = arith.constant 0 : i32
    %dma_start3A_39 = tpu.memref_slice %arg4[%dma_start3A_38, %mul3A_37] : memref<2x6400000xi32, #tpu.memory_space<hbm>> -> memref<2x2560xi32, #tpu.memory_space<hbm>>
    %dma_start3A_40 = arith.constant 0 : i32
    %dma_start3A_41 = tpu.memref_slice %arg4[%dma_start3A_40, %mul3A_37] : memref<2x6400000xi32, #tpu.memory_space<hbm>> -> memref<2x2560xi32, #tpu.memory_space<hbm>>
    tpu.enqueue_dma source(%dma_start3A_41 : memref<2x2560xi32, #tpu.memory_space<hbm>>) target(%arg10 : memref<2x2560xi32, #tpu.memory_space<vmem>>) target_semaphore(%arg19 : memref<!tpu.dma_semaphore, #tpu.memory_space<semaphore_mem>>)
    %dma_start3A_42 = tpu.memref_slice %arg2[%mul3A_37] : memref<6400000xf32, #tpu.memory_space<hbm>> -> memref<2560xf32, #tpu.memory_space<hbm>>
    %dma_start3A_43 = tpu.memref_slice %arg2[%mul3A_37] : memref<6400000xf32, #tpu.memory_space<hbm>> -> memref<2560xf32, #tpu.memory_space<hbm>>
    tpu.enqueue_dma source(%dma_start3A_43 : memref<2560xf32, #tpu.memory_space<hbm>>) target(%arg13 : memref<2560xf32, #tpu.memory_space<vmem>>) target_semaphore(%arg19 : memref<!tpu.dma_semaphore, #tpu.memory_space<semaphore_mem>>)
    %scan3A = arith.constant 0 : i32
    %scan3A_44 = arith.constant 0 : i32
    %scan3A_45 = arith.constant 13 : i32
    %scan3A_46 = arith.addi %scan3A_44, %scan3A_45 : i32
    %scan3A_47 = arith.constant 1 : i32
    scf.for %scan3A_66 = %scan3A_44 to %scan3A_46 step %scan3A_47  : i32 {
      %mul3A_67 = arith.constant 6 : i32
      %mul3A_68 = arith.muli %mul3A_67, %scan3A_66 : i32
      %add3A_69 = arith.constant 0 : i32
      %add3A_70 = arith.addi %mul3A_68, %add3A_69 : i32
      %add3A_71 = arith.addi %add3A_6, %add3A_70 : i32
      %mul3A_72 = arith.constant 2560 : i32
      %mul3A_73 = arith.muli %add3A_71, %mul3A_72 : i32
      %dma_wait3A_74 = arith.constant 0 : i32
      %dma_wait3A_75 = tpu.memref_slice %arg4[%dma_wait3A_74, %mul3A_73] : memref<2x6400000xi32, #tpu.memory_space<hbm>> -> memref<2x2560xi32, #tpu.memory_space<hbm>>
      %dma_wait3A_76 = arith.constant 0 : i32
      %dma_wait3A_77 = tpu.memref_slice %arg4[%dma_wait3A_76, %mul3A_73] : memref<2x6400000xi32, #tpu.memory_space<hbm>> -> memref<2x2560xi32, #tpu.memory_space<hbm>>
      tpu.wait_dma2 semaphore(%arg17 : memref<!tpu.dma_semaphore, #tpu.memory_space<semaphore_mem>>) src(%dma_wait3A_77 : memref<2x2560xi32, #tpu.memory_space<hbm>>) dst(%arg8 : memref<2x2560xi32, #tpu.memory_space<vmem>>)
      %dma_wait3A_78 = tpu.memref_slice %arg2[%mul3A_73] : memref<6400000xf32, #tpu.memory_space<hbm>> -> memref<2560xf32, #tpu.memory_space<hbm>>
      %dma_wait3A_79 = tpu.memref_slice %arg2[%mul3A_73] : memref<6400000xf32, #tpu.memory_space<hbm>> -> memref<2560xf32, #tpu.memory_space<hbm>>
      tpu.wait_dma2 semaphore(%arg17 : memref<!tpu.dma_semaphore, #tpu.memory_space<semaphore_mem>>) src(%dma_wait3A_79 : memref<2560xf32, #tpu.memory_space<hbm>>) dst(%arg11 : memref<2560xf32, #tpu.memory_space<vmem>>)
      %gt3A_80 = arith.constant 0 : i32
      %gt3A_81 = arith.cmpi sgt, %scan3A_66, %gt3A_80 : i32
      %convert_element_type3A_82 = arith.extui %gt3A_81 : i1 to i32
      %cond3A_83 = arith.constant 0 : i32
      %cond3A_84 = arith.cmpi ne, %convert_element_type3A_82, %cond3A_83 : i32
      scf.if %cond3A_84 {
        %sub3A_256 = arith.constant 2 : i32
        %sub3A_257 = arith.subi %add3A_70, %sub3A_256 : i32
        %add3A_258 = arith.addi %add3A_6, %sub3A_257 : i32
        %mul3A_259 = arith.constant 2560 : i32
        %mul3A_260 = arith.muli %add3A_258, %mul3A_259 : i32
        %dma_wait3A_261 = tpu.memref_slice %arg6[%mul3A_260] : memref<6400000xf32, #tpu.memory_space<hbm>> -> memref<2560xf32, #tpu.memory_space<hbm>>
        %dma_wait3A_262 = tpu.memref_slice %arg6[%mul3A_260] : memref<6400000xf32, #tpu.memory_space<hbm>> -> memref<2560xf32, #tpu.memory_space<hbm>>
        tpu.wait_dma2 semaphore(%arg20 : memref<!tpu.dma_semaphore, #tpu.memory_space<semaphore_mem>>) src(%arg14 : memref<2560xf32, #tpu.memory_space<vmem>>) dst(%dma_wait3A_262 : memref<2560xf32, #tpu.memory_space<hbm>>)
      } else {
      }
      %parallel_loop3A = arith.constant 0 : i32
      %parallel_loop3A_85 = arith.constant 160 : i32
      %parallel_loop3A_86 = arith.constant 1 : i32
      scf.for %parallel_loop3A_256 = %parallel_loop3A to %parallel_loop3A_85 step %parallel_loop3A_86  : i32 {
        %parallel_loop3A_257 = arith.constant 16 : i32
        %parallel_loop3A_258 = arith.muli %parallel_loop3A_256, %parallel_loop3A_257 : i32
        %parallel_loop3A_259 = arith.constant 0 : i32
        %parallel_loop3A_260 = arith.index_cast %parallel_loop3A_259 : i32 to index
        %parallel_loop3A_261 = arith.index_cast %parallel_loop3A_258 : i32 to index
        %parallel_loop3A_262 = tpu.vector_load %arg8[%parallel_loop3A_260, %parallel_loop3A_261] {strides = array<i32>} : memref<2x2560xi32, #tpu.memory_space<vmem>>, vector<16xi32>,
        %parallel_loop3A_263 = tpu.vector_load_idx %arg7[%parallel_loop3A_262] : memref<100000xf32, #tpu.memory_space<vmem>>[vector<16xi32>], vector<16xf32>,
        %parallel_loop3A_264 = arith.constant 1 : i32
        %parallel_loop3A_265 = arith.index_cast %parallel_loop3A_264 : i32 to index
        %parallel_loop3A_266 = arith.index_cast %parallel_loop3A_258 : i32 to index
        %parallel_loop3A_267 = tpu.vector_load %arg8[%parallel_loop3A_265, %parallel_loop3A_266] {strides = array<i32>} : memref<2x2560xi32, #tpu.memory_space<vmem>>, vector<16xi32>,
        %parallel_loop3A_268 = tpu.vector_load_idx %arg7[%parallel_loop3A_267] : memref<100000xf32, #tpu.memory_space<vmem>>[vector<16xi32>], vector<16xf32>,
        %parallel_loop3A_269 = arith.addf %parallel_loop3A_263, %parallel_loop3A_268 : vector<16xf32>
        %parallel_loop3A_270 = arith.mulf %get3A_10, %parallel_loop3A_269 : vector<16xf32>
        %parallel_loop3A_271 = arith.addf %parallel_loop3A_270, %get3A_14 : vector<16xf32>
        %parallel_loop3A_272 = arith.index_cast %parallel_loop3A_258 : i32 to index
        %parallel_loop3A_273 = tpu.vector_load %arg11[%parallel_loop3A_272] {strides = array<i32>} : memref<2560xf32, #tpu.memory_space<vmem>>, vector<16xf32>,
        %parallel_loop3A_274 = math.exp %parallel_loop3A_271 : vector<16xf32>
        %parallel_loop3A_275 = arith.constant 1.000000e+00 : f32
        %parallel_loop3A_276 = vector.broadcast %parallel_loop3A_275 : f32 to vector<16xf32>
        %parallel_loop3A_277 = arith.addf %parallel_loop3A_276, %parallel_loop3A_274 : vector<16xf32>
        %parallel_loop3A_278 = arith.divf %parallel_loop3A_273, %parallel_loop3A_277 : vector<16xf32>
        %parallel_loop3A_279 = arith.index_cast %parallel_loop3A_258 : i32 to index
        %parallel_loop3A_280 = tpu.vector_load %arg14[%parallel_loop3A_279] {strides = array<i32>} : memref<2560xf32, #tpu.memory_space<vmem>>, vector<16xf32>,
        tpu.vector_store %arg14[%parallel_loop3A_279], %parallel_loop3A_278 {strides = array<i32>} : memref<2560xf32, #tpu.memory_space<vmem>>, vector<16xf32>,
      } {sc.loop_unroll_factor = 8 : i64, sc.parallel_access}
      %add3A_87 = arith.addi %add3A_6, %add3A_70 : i32
      %mul3A_88 = arith.constant 2560 : i32
      %mul3A_89 = arith.muli %add3A_87, %mul3A_88 : i32
      %dma_start3A_90 = tpu.memref_slice %arg6[%mul3A_89] : memref<6400000xf32, #tpu.memory_space<hbm>> -> memref<2560xf32, #tpu.memory_space<hbm>>
      %dma_start3A_91 = tpu.memref_slice %arg6[%mul3A_89] : memref<6400000xf32, #tpu.memory_space<hbm>> -> memref<2560xf32, #tpu.memory_space<hbm>>
      tpu.enqueue_dma source(%arg14 : memref<2560xf32, #tpu.memory_space<vmem>>) target(%dma_start3A_91 : memref<2560xf32, #tpu.memory_space<hbm>>) target_semaphore(%arg20 : memref<!tpu.dma_semaphore, #tpu.memory_space<semaphore_mem>>)
      %add3A_92 = arith.constant 3 : i32
      %add3A_93 = arith.addi %add3A_70, %add3A_92 : i32
      %lt3A_94 = arith.cmpi slt, %add3A_93, %select_n3A : i32
      %convert_element_type3A_95 = arith.extui %lt3A_94 : i1 to i32
      %cond3A_96 = arith.constant 0 : i32
      %cond3A_97 = arith.cmpi ne, %convert_element_type3A_95, %cond3A_96 : i32
      scf.if %cond3A_97 {
        %add3A_256 = arith.constant 3 : i32
        %add3A_257 = arith.addi %add3A_70, %add3A_256 : i32
        %add3A_258 = arith.addi %add3A_6, %add3A_257 : i32
        %mul3A_259 = arith.constant 2560 : i32
        %mul3A_260 = arith.muli %add3A_258, %mul3A_259 : i32
        %dma_start3A_261 = arith.constant 0 : i32
        %dma_start3A_262 = tpu.memref_slice %arg4[%dma_start3A_261, %mul3A_260] : memref<2x6400000xi32, #tpu.memory_space<hbm>> -> memref<2x2560xi32, #tpu.memory_space<hbm>>
        %dma_start3A_263 = arith.constant 0 : i32
        %dma_start3A_264 = tpu.memref_slice %arg4[%dma_start3A_263, %mul3A_260] : memref<2x6400000xi32, #tpu.memory_space<hbm>> -> memref<2x2560xi32, #tpu.memory_space<hbm>>
        tpu.enqueue_dma source(%dma_start3A_264 : memref<2x2560xi32, #tpu.memory_space<hbm>>) target(%arg8 : memref<2x2560xi32, #tpu.memory_space<vmem>>) target_semaphore(%arg17 : memref<!tpu.dma_semaphore, #tpu.memory_space<semaphore_mem>>)
        %dma_start3A_265 = tpu.memref_slice %arg2[%mul3A_260] : memref<6400000xf32, #tpu.memory_space<hbm>> -> memref<2560xf32, #tpu.memory_space<hbm>>
        %dma_start3A_266 = tpu.memref_slice %arg2[%mul3A_260] : memref<6400000xf32, #tpu.memory_space<hbm>> -> memref<2560xf32, #tpu.memory_space<hbm>>
        tpu.enqueue_dma source(%dma_start3A_266 : memref<2560xf32, #tpu.memory_space<hbm>>) target(%arg11 : memref<2560xf32, #tpu.memory_space<vmem>>) target_semaphore(%arg17 : memref<!tpu.dma_semaphore, #tpu.memory_space<semaphore_mem>>)
      } else {
      }
      %add3A_98 = arith.constant 1 : i32
      %add3A_99 = arith.addi %mul3A_68, %add3A_98 : i32
      %add3A_100 = arith.addi %add3A_6, %add3A_99 : i32
      %mul3A_101 = arith.constant 2560 : i32
      %mul3A_102 = arith.muli %add3A_100, %mul3A_101 : i32
      %dma_wait3A_103 = arith.constant 0 : i32
      %dma_wait3A_104 = tpu.memref_slice %arg4[%dma_wait3A_103, %mul3A_102] : memref<2x6400000xi32, #tpu.memory_space<hbm>> -> memref<2x2560xi32, #tpu.memory_space<hbm>>
      %dma_wait3A_105 = arith.constant 0 : i32
      %dma_wait3A_106 = tpu.memref_slice %arg4[%dma_wait3A_105, %mul3A_102] : memref<2x6400000xi32, #tpu.memory_space<hbm>> -> memref<2x2560xi32, #tpu.memory_space<hbm>>
      tpu.wait_dma2 semaphore(%arg18 : memref<!tpu.dma_semaphore, #tpu.memory_space<semaphore_mem>>) src(%dma_wait3A_106 : memref<2x2560xi32, #tpu.memory_space<hbm>>) dst(%arg9 : memref<2x2560xi32, #tpu.memory_space<vmem>>)
      %dma_wait3A_107 = tpu.memref_slice %arg2[%mul3A_102] : memref<6400000xf32, #tpu.memory_space<hbm>> -> memref<2560xf32, #tpu.memory_space<hbm>>
      %dma_wait3A_108 = tpu.memref_slice %arg2[%mul3A_102] : memref<6400000xf32, #tpu.memory_space<hbm>> -> memref<2560xf32, #tpu.memory_space<hbm>>
      tpu.wait_dma2 semaphore(%arg18 : memref<!tpu.dma_semaphore, #tpu.memory_space<semaphore_mem>>) src(%dma_wait3A_108 : memref<2560xf32, #tpu.memory_space<hbm>>) dst(%arg12 : memref<2560xf32, #tpu.memory_space<vmem>>)
      %gt3A_109 = arith.constant 0 : i32
      %gt3A_110 = arith.cmpi sgt, %scan3A_66, %gt3A_109 : i32
      %convert_element_type3A_111 = arith.extui %gt3A_110 : i1 to i32
      %cond3A_112 = arith.constant 0 : i32
      %cond3A_113 = arith.cmpi ne, %convert_element_type3A_111, %cond3A_112 : i32
      scf.if %cond3A_113 {
        %sub3A_256 = arith.constant 2 : i32
        %sub3A_257 = arith.subi %add3A_99, %sub3A_256 : i32
        %add3A_258 = arith.addi %add3A_6, %sub3A_257 : i32
        %mul3A_259 = arith.constant 2560 : i32
        %mul3A_260 = arith.muli %add3A_258, %mul3A_259 : i32
        %dma_wait3A_261 = tpu.memref_slice %arg6[%mul3A_260] : memref<6400000xf32, #tpu.memory_space<hbm>> -> memref<2560xf32, #tpu.memory_space<hbm>>
        %dma_wait3A_262 = tpu.memref_slice %arg6[%mul3A_260] : memref<6400000xf32, #tpu.memory_space<hbm>> -> memref<2560xf32, #tpu.memory_space<hbm>>
        tpu.wait_dma2 semaphore(%arg21 : memref<!tpu.dma_semaphore, #tpu.memory_space<semaphore_mem>>) src(%arg15 : memref<2560xf32, #tpu.memory_space<vmem>>) dst(%dma_wait3A_262 : memref<2560xf32, #tpu.memory_space<hbm>>)
      } else {
      }
      %parallel_loop3A_114 = arith.constant 0 : i32
      %parallel_loop3A_115 = arith.constant 160 : i32
      %parallel_loop3A_116 = arith.constant 1 : i32
      scf.for %parallel_loop3A_256 = %parallel_loop3A_114 to %parallel_loop3A_115 step %parallel_loop3A_116  : i32 {
        %parallel_loop3A_257 = arith.constant 16 : i32
        %parallel_loop3A_258 = arith.muli %parallel_loop3A_256, %parallel_loop3A_257 : i32
        %parallel_loop3A_259 = arith.constant 0 : i32
        %parallel_loop3A_260 = arith.index_cast %parallel_loop3A_259 : i32 to index
        %parallel_loop3A_261 = arith.index_cast %parallel_loop3A_258 : i32 to index
        %parallel_loop3A_262 = tpu.vector_load %arg9[%parallel_loop3A_260, %parallel_loop3A_261] {strides = array<i32>} : memref<2x2560xi32, #tpu.memory_space<vmem>>, vector<16xi32>,
        %parallel_loop3A_263 = tpu.vector_load_idx %arg7[%parallel_loop3A_262] : memref<100000xf32, #tpu.memory_space<vmem>>[vector<16xi32>], vector<16xf32>,
        %parallel_loop3A_264 = arith.constant 1 : i32
        %parallel_loop3A_265 = arith.index_cast %parallel_loop3A_264 : i32 to index
        %parallel_loop3A_266 = arith.index_cast %parallel_loop3A_258 : i32 to index
        %parallel_loop3A_267 = tpu.vector_load %arg9[%parallel_loop3A_265, %parallel_loop3A_266] {strides = array<i32>} : memref<2x2560xi32, #tpu.memory_space<vmem>>, vector<16xi32>,
        %parallel_loop3A_268 = tpu.vector_load_idx %arg7[%parallel_loop3A_267] : memref<100000xf32, #tpu.memory_space<vmem>>[vector<16xi32>], vector<16xf32>,
        %parallel_loop3A_269 = arith.addf %parallel_loop3A_263, %parallel_loop3A_268 : vector<16xf32>
        %parallel_loop3A_270 = arith.mulf %get3A_10, %parallel_loop3A_269 : vector<16xf32>
        %parallel_loop3A_271 = arith.addf %parallel_loop3A_270, %get3A_14 : vector<16xf32>
        %parallel_loop3A_272 = arith.index_cast %parallel_loop3A_258 : i32 to index
        %parallel_loop3A_273 = tpu.vector_load %arg12[%parallel_loop3A_272] {strides = array<i32>} : memref<2560xf32, #tpu.memory_space<vmem>>, vector<16xf32>,
        %parallel_loop3A_274 = math.exp %parallel_loop3A_271 : vector<16xf32>
        %parallel_loop3A_275 = arith.constant 1.000000e+00 : f32
        %parallel_loop3A_276 = vector.broadcast %parallel_loop3A_275 : f32 to vector<16xf32>
        %parallel_loop3A_277 = arith.addf %parallel_loop3A_276, %parallel_loop3A_274 : vector<16xf32>
        %parallel_loop3A_278 = arith.divf %parallel_loop3A_273, %parallel_loop3A_277 : vector<16xf32>
        %parallel_loop3A_279 = arith.index_cast %parallel_loop3A_258 : i32 to index
        %parallel_loop3A_280 = tpu.vector_load %arg15[%parallel_loop3A_279] {strides = array<i32>} : memref<2560xf32, #tpu.memory_space<vmem>>, vector<16xf32>,
        tpu.vector_store %arg15[%parallel_loop3A_279], %parallel_loop3A_278 {strides = array<i32>} : memref<2560xf32, #tpu.memory_space<vmem>>, vector<16xf32>,
      } {sc.loop_unroll_factor = 8 : i64, sc.parallel_access}
      %add3A_117 = arith.addi %add3A_6, %add3A_99 : i32
      %mul3A_118 = arith.constant 2560 : i32
      %mul3A_119 = arith.muli %add3A_117, %mul3A_118 : i32
      %dma_start3A_120 = tpu.memref_slice %arg6[%mul3A_119] : memref<6400000xf32, #tpu.memory_space<hbm>> -> memref<2560xf32, #tpu.memory_space<hbm>>
      %dma_start3A_121 = tpu.memref_slice %arg6[%mul3A_119] : memref<6400000xf32, #tpu.memory_space<hbm>> -> memref<2560xf32, #tpu.memory_space<hbm>>
      tpu.enqueue_dma source(%arg15 : memref<2560xf32, #tpu.memory_space<vmem>>) target(%dma_start3A_121 : memref<2560xf32, #tpu.memory_space<hbm>>) target_semaphore(%arg21 : memref<!tpu.dma_semaphore, #tpu.memory_space<semaphore_mem>>)
      %add3A_122 = arith.constant 3 : i32
      %add3A_123 = arith.addi %add3A_99, %add3A_122 : i32
      %lt3A_124 = arith.cmpi slt, %add3A_123, %select_n3A : i32
      %convert_element_type3A_125 = arith.extui %lt3A_124 : i1 to i32
      %cond3A_126 = arith.constant 0 : i32
      %cond3A_127 = arith.cmpi ne, %convert_element_type3A_125, %cond3A_126 : i32
      scf.if %cond3A_127 {
        %add3A_256 = arith.constant 3 : i32
        %add3A_257 = arith.addi %add3A_99, %add3A_256 : i32
        %add3A_258 = arith.addi %add3A_6, %add3A_257 : i32
        %mul3A_259 = arith.constant 2560 : i32
        %mul3A_260 = arith.muli %add3A_258, %mul3A_259 : i32
        %dma_start3A_261 = arith.constant 0 : i32
        %dma_start3A_262 = tpu.memref_slice %arg4[%dma_start3A_261, %mul3A_260] : memref<2x6400000xi32, #tpu.memory_space<hbm>> -> memref<2x2560xi32, #tpu.memory_space<hbm>>
        %dma_start3A_263 = arith.constant 0 : i32
        %dma_start3A_264 = tpu.memref_slice %arg4[%dma_start3A_263, %mul3A_260] : memref<2x6400000xi32, #tpu.memory_space<hbm>> -> memref<2x2560xi32, #tpu.memory_space<hbm>>
        tpu.enqueue_dma source(%dma_start3A_264 : memref<2x2560xi32, #tpu.memory_space<hbm>>) target(%arg9 : memref<2x2560xi32, #tpu.memory_space<vmem>>) target_semaphore(%arg18 : memref<!tpu.dma_semaphore, #tpu.memory_space<semaphore_mem>>)
        %dma_start3A_265 = tpu.memref_slice %arg2[%mul3A_260] : memref<6400000xf32, #tpu.memory_space<hbm>> -> memref<2560xf32, #tpu.memory_space<hbm>>
        %dma_start3A_266 = tpu.memref_slice %arg2[%mul3A_260] : memref<6400000xf32, #tpu.memory_space<hbm>> -> memref<2560xf32, #tpu.memory_space<hbm>>
        tpu.enqueue_dma source(%dma_start3A_266 : memref<2560xf32, #tpu.memory_space<hbm>>) target(%arg12 : memref<2560xf32, #tpu.memory_space<vmem>>) target_semaphore(%arg18 : memref<!tpu.dma_semaphore, #tpu.memory_space<semaphore_mem>>)
      } else {
      }
      %add3A_128 = arith.constant 2 : i32
      %add3A_129 = arith.addi %mul3A_68, %add3A_128 : i32
      %add3A_130 = arith.addi %add3A_6, %add3A_129 : i32
      %mul3A_131 = arith.constant 2560 : i32
      %mul3A_132 = arith.muli %add3A_130, %mul3A_131 : i32
      %dma_wait3A_133 = arith.constant 0 : i32
      %dma_wait3A_134 = tpu.memref_slice %arg4[%dma_wait3A_133, %mul3A_132] : memref<2x6400000xi32, #tpu.memory_space<hbm>> -> memref<2x2560xi32, #tpu.memory_space<hbm>>
      %dma_wait3A_135 = arith.constant 0 : i32
      %dma_wait3A_136 = tpu.memref_slice %arg4[%dma_wait3A_135, %mul3A_132] : memref<2x6400000xi32, #tpu.memory_space<hbm>> -> memref<2x2560xi32, #tpu.memory_space<hbm>>
      tpu.wait_dma2 semaphore(%arg19 : memref<!tpu.dma_semaphore, #tpu.memory_space<semaphore_mem>>) src(%dma_wait3A_136 : memref<2x2560xi32, #tpu.memory_space<hbm>>) dst(%arg10 : memref<2x2560xi32, #tpu.memory_space<vmem>>)
      %dma_wait3A_137 = tpu.memref_slice %arg2[%mul3A_132] : memref<6400000xf32, #tpu.memory_space<hbm>> -> memref<2560xf32, #tpu.memory_space<hbm>>
      %dma_wait3A_138 = tpu.memref_slice %arg2[%mul3A_132] : memref<6400000xf32, #tpu.memory_space<hbm>> -> memref<2560xf32, #tpu.memory_space<hbm>>
      tpu.wait_dma2 semaphore(%arg19 : memref<!tpu.dma_semaphore, #tpu.memory_space<semaphore_mem>>) src(%dma_wait3A_138 : memref<2560xf32, #tpu.memory_space<hbm>>) dst(%arg13 : memref<2560xf32, #tpu.memory_space<vmem>>)
      %sub3A_139 = arith.constant 2 : i32
      %sub3A_140 = arith.subi %add3A_129, %sub3A_139 : i32
      %add3A_141 = arith.addi %add3A_6, %sub3A_140 : i32
      %mul3A_142 = arith.constant 2560 : i32
      %mul3A_143 = arith.muli %add3A_141, %mul3A_142 : i32
      %dma_wait3A_144 = tpu.memref_slice %arg6[%mul3A_143] : memref<6400000xf32, #tpu.memory_space<hbm>> -> memref<2560xf32, #tpu.memory_space<hbm>>
      %dma_wait3A_145 = tpu.memref_slice %arg6[%mul3A_143] : memref<6400000xf32, #tpu.memory_space<hbm>> -> memref<2560xf32, #tpu.memory_space<hbm>>
      tpu.wait_dma2 semaphore(%arg20 : memref<!tpu.dma_semaphore, #tpu.memory_space<semaphore_mem>>) src(%arg14 : memref<2560xf32, #tpu.memory_space<vmem>>) dst(%dma_wait3A_145 : memref<2560xf32, #tpu.memory_space<hbm>>)
      %parallel_loop3A_146 = arith.constant 0 : i32
      %parallel_loop3A_147 = arith.constant 160 : i32
      %parallel_loop3A_148 = arith.constant 1 : i32
      scf.for %parallel_loop3A_256 = %parallel_loop3A_146 to %parallel_loop3A_147 step %parallel_loop3A_148  : i32 {
        %parallel_loop3A_257 = arith.constant 16 : i32
        %parallel_loop3A_258 = arith.muli %parallel_loop3A_256, %parallel_loop3A_257 : i32
        %parallel_loop3A_259 = arith.constant 0 : i32
        %parallel_loop3A_260 = arith.index_cast %parallel_loop3A_259 : i32 to index
        %parallel_loop3A_261 = arith.index_cast %parallel_loop3A_258 : i32 to index
        %parallel_loop3A_262 = tpu.vector_load %arg10[%parallel_loop3A_260, %parallel_loop3A_261] {strides = array<i32>} : memref<2x2560xi32, #tpu.memory_space<vmem>>, vector<16xi32>,
        %parallel_loop3A_263 = tpu.vector_load_idx %arg7[%parallel_loop3A_262] : memref<100000xf32, #tpu.memory_space<vmem>>[vector<16xi32>], vector<16xf32>,
        %parallel_loop3A_264 = arith.constant 1 : i32
        %parallel_loop3A_265 = arith.index_cast %parallel_loop3A_264 : i32 to index
        %parallel_loop3A_266 = arith.index_cast %parallel_loop3A_258 : i32 to index
        %parallel_loop3A_267 = tpu.vector_load %arg10[%parallel_loop3A_265, %parallel_loop3A_266] {strides = array<i32>} : memref<2x2560xi32, #tpu.memory_space<vmem>>, vector<16xi32>,
        %parallel_loop3A_268 = tpu.vector_load_idx %arg7[%parallel_loop3A_267] : memref<100000xf32, #tpu.memory_space<vmem>>[vector<16xi32>], vector<16xf32>,
        %parallel_loop3A_269 = arith.addf %parallel_loop3A_263, %parallel_loop3A_268 : vector<16xf32>
        %parallel_loop3A_270 = arith.mulf %get3A_10, %parallel_loop3A_269 : vector<16xf32>
        %parallel_loop3A_271 = arith.addf %parallel_loop3A_270, %get3A_14 : vector<16xf32>
        %parallel_loop3A_272 = arith.index_cast %parallel_loop3A_258 : i32 to index
        %parallel_loop3A_273 = tpu.vector_load %arg13[%parallel_loop3A_272] {strides = array<i32>} : memref<2560xf32, #tpu.memory_space<vmem>>, vector<16xf32>,
        %parallel_loop3A_274 = math.exp %parallel_loop3A_271 : vector<16xf32>
        %parallel_loop3A_275 = arith.constant 1.000000e+00 : f32
        %parallel_loop3A_276 = vector.broadcast %parallel_loop3A_275 : f32 to vector<16xf32>
        %parallel_loop3A_277 = arith.addf %parallel_loop3A_276, %parallel_loop3A_274 : vector<16xf32>
        %parallel_loop3A_278 = arith.divf %parallel_loop3A_273, %parallel_loop3A_277 : vector<16xf32>
        %parallel_loop3A_279 = arith.index_cast %parallel_loop3A_258 : i32 to index
        %parallel_loop3A_280 = tpu.vector_load %arg14[%parallel_loop3A_279] {strides = array<i32>} : memref<2560xf32, #tpu.memory_space<vmem>>, vector<16xf32>,
        tpu.vector_store %arg14[%parallel_loop3A_279], %parallel_loop3A_278 {strides = array<i32>} : memref<2560xf32, #tpu.memory_space<vmem>>, vector<16xf32>,
      } {sc.loop_unroll_factor = 8 : i64, sc.parallel_access}
      %add3A_149 = arith.addi %add3A_6, %add3A_129 : i32
      %mul3A_150 = arith.constant 2560 : i32
      %mul3A_151 = arith.muli %add3A_149, %mul3A_150 : i32
      %dma_start3A_152 = tpu.memref_slice %arg6[%mul3A_151] : memref<6400000xf32, #tpu.memory_space<hbm>> -> memref<2560xf32, #tpu.memory_space<hbm>>
      %dma_start3A_153 = tpu.memref_slice %arg6[%mul3A_151] : memref<6400000xf32, #tpu.memory_space<hbm>> -> memref<2560xf32, #tpu.memory_space<hbm>>
      tpu.enqueue_dma source(%arg14 : memref<2560xf32, #tpu.memory_space<vmem>>) target(%dma_start3A_153 : memref<2560xf32, #tpu.memory_space<hbm>>) target_semaphore(%arg20 : memref<!tpu.dma_semaphore, #tpu.memory_space<semaphore_mem>>)
      %add3A_154 = arith.constant 3 : i32
      %add3A_155 = arith.addi %add3A_129, %add3A_154 : i32
      %lt3A_156 = arith.cmpi slt, %add3A_155, %select_n3A : i32
      %convert_element_type3A_157 = arith.extui %lt3A_156 : i1 to i32
      %cond3A_158 = arith.constant 0 : i32
      %cond3A_159 = arith.cmpi ne, %convert_element_type3A_157, %cond3A_158 : i32
      scf.if %cond3A_159 {
        %add3A_256 = arith.constant 3 : i32
        %add3A_257 = arith.addi %add3A_129, %add3A_256 : i32
        %add3A_258 = arith.addi %add3A_6, %add3A_257 : i32
        %mul3A_259 = arith.constant 2560 : i32
        %mul3A_260 = arith.muli %add3A_258, %mul3A_259 : i32
        %dma_start3A_261 = arith.constant 0 : i32
        %dma_start3A_262 = tpu.memref_slice %arg4[%dma_start3A_261, %mul3A_260] : memref<2x6400000xi32, #tpu.memory_space<hbm>> -> memref<2x2560xi32, #tpu.memory_space<hbm>>
        %dma_start3A_263 = arith.constant 0 : i32
        %dma_start3A_264 = tpu.memref_slice %arg4[%dma_start3A_263, %mul3A_260] : memref<2x6400000xi32, #tpu.memory_space<hbm>> -> memref<2x2560xi32, #tpu.memory_space<hbm>>
        tpu.enqueue_dma source(%dma_start3A_264 : memref<2x2560xi32, #tpu.memory_space<hbm>>) target(%arg10 : memref<2x2560xi32, #tpu.memory_space<vmem>>) target_semaphore(%arg19 : memref<!tpu.dma_semaphore, #tpu.memory_space<semaphore_mem>>)
        %dma_start3A_265 = tpu.memref_slice %arg2[%mul3A_260] : memref<6400000xf32, #tpu.memory_space<hbm>> -> memref<2560xf32, #tpu.memory_space<hbm>>
        %dma_start3A_266 = tpu.memref_slice %arg2[%mul3A_260] : memref<6400000xf32, #tpu.memory_space<hbm>> -> memref<2560xf32, #tpu.memory_space<hbm>>
        tpu.enqueue_dma source(%dma_start3A_266 : memref<2560xf32, #tpu.memory_space<hbm>>) target(%arg13 : memref<2560xf32, #tpu.memory_space<vmem>>) target_semaphore(%arg19 : memref<!tpu.dma_semaphore, #tpu.memory_space<semaphore_mem>>)
      } else {
      }
      %add3A_160 = arith.constant 3 : i32
      %add3A_161 = arith.addi %mul3A_68, %add3A_160 : i32
      %add3A_162 = arith.addi %add3A_6, %add3A_161 : i32
      %mul3A_163 = arith.constant 2560 : i32
      %mul3A_164 = arith.muli %add3A_162, %mul3A_163 : i32
      %dma_wait3A_165 = arith.constant 0 : i32
      %dma_wait3A_166 = tpu.memref_slice %arg4[%dma_wait3A_165, %mul3A_164] : memref<2x6400000xi32, #tpu.memory_space<hbm>> -> memref<2x2560xi32, #tpu.memory_space<hbm>>
      %dma_wait3A_167 = arith.constant 0 : i32
      %dma_wait3A_168 = tpu.memref_slice %arg4[%dma_wait3A_167, %mul3A_164] : memref<2x6400000xi32, #tpu.memory_space<hbm>> -> memref<2x2560xi32, #tpu.memory_space<hbm>>
      tpu.wait_dma2 semaphore(%arg17 : memref<!tpu.dma_semaphore, #tpu.memory_space<semaphore_mem>>) src(%dma_wait3A_168 : memref<2x2560xi32, #tpu.memory_space<hbm>>) dst(%arg8 : memref<2x2560xi32, #tpu.memory_space<vmem>>)
      %dma_wait3A_169 = tpu.memref_slice %arg2[%mul3A_164] : memref<6400000xf32, #tpu.memory_space<hbm>> -> memref<2560xf32, #tpu.memory_space<hbm>>
      %dma_wait3A_170 = tpu.memref_slice %arg2[%mul3A_164] : memref<6400000xf32, #tpu.memory_space<hbm>> -> memref<2560xf32, #tpu.memory_space<hbm>>
      tpu.wait_dma2 semaphore(%arg17 : memref<!tpu.dma_semaphore, #tpu.memory_space<semaphore_mem>>) src(%dma_wait3A_170 : memref<2560xf32, #tpu.memory_space<hbm>>) dst(%arg11 : memref<2560xf32, #tpu.memory_space<vmem>>)
      %sub3A_171 = arith.constant 2 : i32
      %sub3A_172 = arith.subi %add3A_161, %sub3A_171 : i32
      %add3A_173 = arith.addi %add3A_6, %sub3A_172 : i32
      %mul3A_174 = arith.constant 2560 : i32
      %mul3A_175 = arith.muli %add3A_173, %mul3A_174 : i32
      %dma_wait3A_176 = tpu.memref_slice %arg6[%mul3A_175] : memref<6400000xf32, #tpu.memory_space<hbm>> -> memref<2560xf32, #tpu.memory_space<hbm>>
      %dma_wait3A_177 = tpu.memref_slice %arg6[%mul3A_175] : memref<6400000xf32, #tpu.memory_space<hbm>> -> memref<2560xf32, #tpu.memory_space<hbm>>
      tpu.wait_dma2 semaphore(%arg21 : memref<!tpu.dma_semaphore, #tpu.memory_space<semaphore_mem>>) src(%arg15 : memref<2560xf32, #tpu.memory_space<vmem>>) dst(%dma_wait3A_177 : memref<2560xf32, #tpu.memory_space<hbm>>)
      %parallel_loop3A_178 = arith.constant 0 : i32
      %parallel_loop3A_179 = arith.constant 160 : i32
      %parallel_loop3A_180 = arith.constant 1 : i32
      scf.for %parallel_loop3A_256 = %parallel_loop3A_178 to %parallel_loop3A_179 step %parallel_loop3A_180  : i32 {
        %parallel_loop3A_257 = arith.constant 16 : i32
        %parallel_loop3A_258 = arith.muli %parallel_loop3A_256, %parallel_loop3A_257 : i32
        %parallel_loop3A_259 = arith.constant 0 : i32
        %parallel_loop3A_260 = arith.index_cast %parallel_loop3A_259 : i32 to index
        %parallel_loop3A_261 = arith.index_cast %parallel_loop3A_258 : i32 to index
        %parallel_loop3A_262 = tpu.vector_load %arg8[%parallel_loop3A_260, %parallel_loop3A_261] {strides = array<i32>} : memref<2x2560xi32, #tpu.memory_space<vmem>>, vector<16xi32>,
        %parallel_loop3A_263 = tpu.vector_load_idx %arg7[%parallel_loop3A_262] : memref<100000xf32, #tpu.memory_space<vmem>>[vector<16xi32>], vector<16xf32>,
        %parallel_loop3A_264 = arith.constant 1 : i32
        %parallel_loop3A_265 = arith.index_cast %parallel_loop3A_264 : i32 to index
        %parallel_loop3A_266 = arith.index_cast %parallel_loop3A_258 : i32 to index
        %parallel_loop3A_267 = tpu.vector_load %arg8[%parallel_loop3A_265, %parallel_loop3A_266] {strides = array<i32>} : memref<2x2560xi32, #tpu.memory_space<vmem>>, vector<16xi32>,
        %parallel_loop3A_268 = tpu.vector_load_idx %arg7[%parallel_loop3A_267] : memref<100000xf32, #tpu.memory_space<vmem>>[vector<16xi32>], vector<16xf32>,
        %parallel_loop3A_269 = arith.addf %parallel_loop3A_263, %parallel_loop3A_268 : vector<16xf32>
        %parallel_loop3A_270 = arith.mulf %get3A_10, %parallel_loop3A_269 : vector<16xf32>
        %parallel_loop3A_271 = arith.addf %parallel_loop3A_270, %get3A_14 : vector<16xf32>
        %parallel_loop3A_272 = arith.index_cast %parallel_loop3A_258 : i32 to index
        %parallel_loop3A_273 = tpu.vector_load %arg11[%parallel_loop3A_272] {strides = array<i32>} : memref<2560xf32, #tpu.memory_space<vmem>>, vector<16xf32>,
        %parallel_loop3A_274 = math.exp %parallel_loop3A_271 : vector<16xf32>
        %parallel_loop3A_275 = arith.constant 1.000000e+00 : f32
        %parallel_loop3A_276 = vector.broadcast %parallel_loop3A_275 : f32 to vector<16xf32>
        %parallel_loop3A_277 = arith.addf %parallel_loop3A_276, %parallel_loop3A_274 : vector<16xf32>
        %parallel_loop3A_278 = arith.divf %parallel_loop3A_273, %parallel_loop3A_277 : vector<16xf32>
        %parallel_loop3A_279 = arith.index_cast %parallel_loop3A_258 : i32 to index
        %parallel_loop3A_280 = tpu.vector_load %arg15[%parallel_loop3A_279] {strides = array<i32>} : memref<2560xf32, #tpu.memory_space<vmem>>, vector<16xf32>,
        tpu.vector_store %arg15[%parallel_loop3A_279], %parallel_loop3A_278 {strides = array<i32>} : memref<2560xf32, #tpu.memory_space<vmem>>, vector<16xf32>,
      } {sc.loop_unroll_factor = 8 : i64, sc.parallel_access}
      %add3A_181 = arith.addi %add3A_6, %add3A_161 : i32
      %mul3A_182 = arith.constant 2560 : i32
      %mul3A_183 = arith.muli %add3A_181, %mul3A_182 : i32
      %dma_start3A_184 = tpu.memref_slice %arg6[%mul3A_183] : memref<6400000xf32, #tpu.memory_space<hbm>> -> memref<2560xf32, #tpu.memory_space<hbm>>
      %dma_start3A_185 = tpu.memref_slice %arg6[%mul3A_183] : memref<6400000xf32, #tpu.memory_space<hbm>> -> memref<2560xf32, #tpu.memory_space<hbm>>
      tpu.enqueue_dma source(%arg15 : memref<2560xf32, #tpu.memory_space<vmem>>) target(%dma_start3A_185 : memref<2560xf32, #tpu.memory_space<hbm>>) target_semaphore(%arg21 : memref<!tpu.dma_semaphore, #tpu.memory_space<semaphore_mem>>)
      %add3A_186 = arith.constant 3 : i32
      %add3A_187 = arith.addi %add3A_161, %add3A_186 : i32
      %lt3A_188 = arith.cmpi slt, %add3A_187, %select_n3A : i32
      %convert_element_type3A_189 = arith.extui %lt3A_188 : i1 to i32
      %cond3A_190 = arith.constant 0 : i32
      %cond3A_191 = arith.cmpi ne, %convert_element_type3A_189, %cond3A_190 : i32
      scf.if %cond3A_191 {
        %add3A_256 = arith.constant 3 : i32
        %add3A_257 = arith.addi %add3A_161, %add3A_256 : i32
        %add3A_258 = arith.addi %add3A_6, %add3A_257 : i32
        %mul3A_259 = arith.constant 2560 : i32
        %mul3A_260 = arith.muli %add3A_258, %mul3A_259 : i32
        %dma_start3A_261 = arith.constant 0 : i32
        %dma_start3A_262 = tpu.memref_slice %arg4[%dma_start3A_261, %mul3A_260] : memref<2x6400000xi32, #tpu.memory_space<hbm>> -> memref<2x2560xi32, #tpu.memory_space<hbm>>
        %dma_start3A_263 = arith.constant 0 : i32
        %dma_start3A_264 = tpu.memref_slice %arg4[%dma_start3A_263, %mul3A_260] : memref<2x6400000xi32, #tpu.memory_space<hbm>> -> memref<2x2560xi32, #tpu.memory_space<hbm>>
        tpu.enqueue_dma source(%dma_start3A_264 : memref<2x2560xi32, #tpu.memory_space<hbm>>) target(%arg8 : memref<2x2560xi32, #tpu.memory_space<vmem>>) target_semaphore(%arg17 : memref<!tpu.dma_semaphore, #tpu.memory_space<semaphore_mem>>)
        %dma_start3A_265 = tpu.memref_slice %arg2[%mul3A_260] : memref<6400000xf32, #tpu.memory_space<hbm>> -> memref<2560xf32, #tpu.memory_space<hbm>>
        %dma_start3A_266 = tpu.memref_slice %arg2[%mul3A_260] : memref<6400000xf32, #tpu.memory_space<hbm>> -> memref<2560xf32, #tpu.memory_space<hbm>>
        tpu.enqueue_dma source(%dma_start3A_266 : memref<2560xf32, #tpu.memory_space<hbm>>) target(%arg11 : memref<2560xf32, #tpu.memory_space<vmem>>) target_semaphore(%arg17 : memref<!tpu.dma_semaphore, #tpu.memory_space<semaphore_mem>>)
      } else {
      }
      %add3A_192 = arith.constant 4 : i32
      %add3A_193 = arith.addi %mul3A_68, %add3A_192 : i32
      %add3A_194 = arith.addi %add3A_6, %add3A_193 : i32
      %mul3A_195 = arith.constant 2560 : i32
      %mul3A_196 = arith.muli %add3A_194, %mul3A_195 : i32
      %dma_wait3A_197 = arith.constant 0 : i32
      %dma_wait3A_198 = tpu.memref_slice %arg4[%dma_wait3A_197, %mul3A_196] : memref<2x6400000xi32, #tpu.memory_space<hbm>> -> memref<2x2560xi32, #tpu.memory_space<hbm>>
      %dma_wait3A_199 = arith.constant 0 : i32
      %dma_wait3A_200 = tpu.memref_slice %arg4[%dma_wait3A_199, %mul3A_196] : memref<2x6400000xi32, #tpu.memory_space<hbm>> -> memref<2x2560xi32, #tpu.memory_space<hbm>>
      tpu.wait_dma2 semaphore(%arg18 : memref<!tpu.dma_semaphore, #tpu.memory_space<semaphore_mem>>) src(%dma_wait3A_200 : memref<2x2560xi32, #tpu.memory_space<hbm>>) dst(%arg9 : memref<2x2560xi32, #tpu.memory_space<vmem>>)
      %dma_wait3A_201 = tpu.memref_slice %arg2[%mul3A_196] : memref<6400000xf32, #tpu.memory_space<hbm>> -> memref<2560xf32, #tpu.memory_space<hbm>>
      %dma_wait3A_202 = tpu.memref_slice %arg2[%mul3A_196] : memref<6400000xf32, #tpu.memory_space<hbm>> -> memref<2560xf32, #tpu.memory_space<hbm>>
      tpu.wait_dma2 semaphore(%arg18 : memref<!tpu.dma_semaphore, #tpu.memory_space<semaphore_mem>>) src(%dma_wait3A_202 : memref<2560xf32, #tpu.memory_space<hbm>>) dst(%arg12 : memref<2560xf32, #tpu.memory_space<vmem>>)
      %sub3A_203 = arith.constant 2 : i32
      %sub3A_204 = arith.subi %add3A_193, %sub3A_203 : i32
      %add3A_205 = arith.addi %add3A_6, %sub3A_204 : i32
      %mul3A_206 = arith.constant 2560 : i32
      %mul3A_207 = arith.muli %add3A_205, %mul3A_206 : i32
      %dma_wait3A_208 = tpu.memref_slice %arg6[%mul3A_207] : memref<6400000xf32, #tpu.memory_space<hbm>> -> memref<2560xf32, #tpu.memory_space<hbm>>
      %dma_wait3A_209 = tpu.memref_slice %arg6[%mul3A_207] : memref<6400000xf32, #tpu.memory_space<hbm>> -> memref<2560xf32, #tpu.memory_space<hbm>>
      tpu.wait_dma2 semaphore(%arg20 : memref<!tpu.dma_semaphore, #tpu.memory_space<semaphore_mem>>) src(%arg14 : memref<2560xf32, #tpu.memory_space<vmem>>) dst(%dma_wait3A_209 : memref<2560xf32, #tpu.memory_space<hbm>>)
      %parallel_loop3A_210 = arith.constant 0 : i32
      %parallel_loop3A_211 = arith.constant 160 : i32
      %parallel_loop3A_212 = arith.constant 1 : i32
      scf.for %parallel_loop3A_256 = %parallel_loop3A_210 to %parallel_loop3A_211 step %parallel_loop3A_212  : i32 {
        %parallel_loop3A_257 = arith.constant 16 : i32
        %parallel_loop3A_258 = arith.muli %parallel_loop3A_256, %parallel_loop3A_257 : i32
        %parallel_loop3A_259 = arith.constant 0 : i32
        %parallel_loop3A_260 = arith.index_cast %parallel_loop3A_259 : i32 to index
        %parallel_loop3A_261 = arith.index_cast %parallel_loop3A_258 : i32 to index
        %parallel_loop3A_262 = tpu.vector_load %arg9[%parallel_loop3A_260, %parallel_loop3A_261] {strides = array<i32>} : memref<2x2560xi32, #tpu.memory_space<vmem>>, vector<16xi32>,
        %parallel_loop3A_263 = tpu.vector_load_idx %arg7[%parallel_loop3A_262] : memref<100000xf32, #tpu.memory_space<vmem>>[vector<16xi32>], vector<16xf32>,
        %parallel_loop3A_264 = arith.constant 1 : i32
        %parallel_loop3A_265 = arith.index_cast %parallel_loop3A_264 : i32 to index
        %parallel_loop3A_266 = arith.index_cast %parallel_loop3A_258 : i32 to index
        %parallel_loop3A_267 = tpu.vector_load %arg9[%parallel_loop3A_265, %parallel_loop3A_266] {strides = array<i32>} : memref<2x2560xi32, #tpu.memory_space<vmem>>, vector<16xi32>,
        %parallel_loop3A_268 = tpu.vector_load_idx %arg7[%parallel_loop3A_267] : memref<100000xf32, #tpu.memory_space<vmem>>[vector<16xi32>], vector<16xf32>,
        %parallel_loop3A_269 = arith.addf %parallel_loop3A_263, %parallel_loop3A_268 : vector<16xf32>
        %parallel_loop3A_270 = arith.mulf %get3A_10, %parallel_loop3A_269 : vector<16xf32>
        %parallel_loop3A_271 = arith.addf %parallel_loop3A_270, %get3A_14 : vector<16xf32>
        %parallel_loop3A_272 = arith.index_cast %parallel_loop3A_258 : i32 to index
        %parallel_loop3A_273 = tpu.vector_load %arg12[%parallel_loop3A_272] {strides = array<i32>} : memref<2560xf32, #tpu.memory_space<vmem>>, vector<16xf32>,
        %parallel_loop3A_274 = math.exp %parallel_loop3A_271 : vector<16xf32>
        %parallel_loop3A_275 = arith.constant 1.000000e+00 : f32
        %parallel_loop3A_276 = vector.broadcast %parallel_loop3A_275 : f32 to vector<16xf32>
        %parallel_loop3A_277 = arith.addf %parallel_loop3A_276, %parallel_loop3A_274 : vector<16xf32>
        %parallel_loop3A_278 = arith.divf %parallel_loop3A_273, %parallel_loop3A_277 : vector<16xf32>
        %parallel_loop3A_279 = arith.index_cast %parallel_loop3A_258 : i32 to index
        %parallel_loop3A_280 = tpu.vector_load %arg14[%parallel_loop3A_279] {strides = array<i32>} : memref<2560xf32, #tpu.memory_space<vmem>>, vector<16xf32>,
        tpu.vector_store %arg14[%parallel_loop3A_279], %parallel_loop3A_278 {strides = array<i32>} : memref<2560xf32, #tpu.memory_space<vmem>>, vector<16xf32>,
      } {sc.loop_unroll_factor = 8 : i64, sc.parallel_access}
      %add3A_213 = arith.addi %add3A_6, %add3A_193 : i32
      %mul3A_214 = arith.constant 2560 : i32
      %mul3A_215 = arith.muli %add3A_213, %mul3A_214 : i32
      %dma_start3A_216 = tpu.memref_slice %arg6[%mul3A_215] : memref<6400000xf32, #tpu.memory_space<hbm>> -> memref<2560xf32, #tpu.memory_space<hbm>>
      %dma_start3A_217 = tpu.memref_slice %arg6[%mul3A_215] : memref<6400000xf32, #tpu.memory_space<hbm>> -> memref<2560xf32, #tpu.memory_space<hbm>>
      tpu.enqueue_dma source(%arg14 : memref<2560xf32, #tpu.memory_space<vmem>>) target(%dma_start3A_217 : memref<2560xf32, #tpu.memory_space<hbm>>) target_semaphore(%arg20 : memref<!tpu.dma_semaphore, #tpu.memory_space<semaphore_mem>>)
      %add3A_218 = arith.constant 3 : i32
      %add3A_219 = arith.addi %add3A_193, %add3A_218 : i32
      %lt3A_220 = arith.cmpi slt, %add3A_219, %select_n3A : i32
      %convert_element_type3A_221 = arith.extui %lt3A_220 : i1 to i32
      %cond3A_222 = arith.constant 0 : i32
      %cond3A_223 = arith.cmpi ne, %convert_element_type3A_221, %cond3A_222 : i32
      scf.if %cond3A_223 {
        %add3A_256 = arith.constant 3 : i32
        %add3A_257 = arith.addi %add3A_193, %add3A_256 : i32
        %add3A_258 = arith.addi %add3A_6, %add3A_257 : i32
        %mul3A_259 = arith.constant 2560 : i32
        %mul3A_260 = arith.muli %add3A_258, %mul3A_259 : i32
        %dma_start3A_261 = arith.constant 0 : i32
        %dma_start3A_262 = tpu.memref_slice %arg4[%dma_start3A_261, %mul3A_260] : memref<2x6400000xi32, #tpu.memory_space<hbm>> -> memref<2x2560xi32, #tpu.memory_space<hbm>>
        %dma_start3A_263 = arith.constant 0 : i32
        %dma_start3A_264 = tpu.memref_slice %arg4[%dma_start3A_263, %mul3A_260] : memref<2x6400000xi32, #tpu.memory_space<hbm>> -> memref<2x2560xi32, #tpu.memory_space<hbm>>
        tpu.enqueue_dma source(%dma_start3A_264 : memref<2x2560xi32, #tpu.memory_space<hbm>>) target(%arg9 : memref<2x2560xi32, #tpu.memory_space<vmem>>) target_semaphore(%arg18 : memref<!tpu.dma_semaphore, #tpu.memory_space<semaphore_mem>>)
        %dma_start3A_265 = tpu.memref_slice %arg2[%mul3A_260] : memref<6400000xf32, #tpu.memory_space<hbm>> -> memref<2560xf32, #tpu.memory_space<hbm>>
        %dma_start3A_266 = tpu.memref_slice %arg2[%mul3A_260] : memref<6400000xf32, #tpu.memory_space<hbm>> -> memref<2560xf32, #tpu.memory_space<hbm>>
        tpu.enqueue_dma source(%dma_start3A_266 : memref<2560xf32, #tpu.memory_space<hbm>>) target(%arg12 : memref<2560xf32, #tpu.memory_space<vmem>>) target_semaphore(%arg18 : memref<!tpu.dma_semaphore, #tpu.memory_space<semaphore_mem>>)
      } else {
      }
      %add3A_224 = arith.constant 5 : i32
      %add3A_225 = arith.addi %mul3A_68, %add3A_224 : i32
      %add3A_226 = arith.addi %add3A_6, %add3A_225 : i32
      %mul3A_227 = arith.constant 2560 : i32
      %mul3A_228 = arith.muli %add3A_226, %mul3A_227 : i32
      %dma_wait3A_229 = arith.constant 0 : i32
      %dma_wait3A_230 = tpu.memref_slice %arg4[%dma_wait3A_229, %mul3A_228] : memref<2x6400000xi32, #tpu.memory_space<hbm>> -> memref<2x2560xi32, #tpu.memory_space<hbm>>
      %dma_wait3A_231 = arith.constant 0 : i32
      %dma_wait3A_232 = tpu.memref_slice %arg4[%dma_wait3A_231, %mul3A_228] : memref<2x6400000xi32, #tpu.memory_space<hbm>> -> memref<2x2560xi32, #tpu.memory_space<hbm>>
      tpu.wait_dma2 semaphore(%arg19 : memref<!tpu.dma_semaphore, #tpu.memory_space<semaphore_mem>>) src(%dma_wait3A_232 : memref<2x2560xi32, #tpu.memory_space<hbm>>) dst(%arg10 : memref<2x2560xi32, #tpu.memory_space<vmem>>)
      %dma_wait3A_233 = tpu.memref_slice %arg2[%mul3A_228] : memref<6400000xf32, #tpu.memory_space<hbm>> -> memref<2560xf32, #tpu.memory_space<hbm>>
      %dma_wait3A_234 = tpu.memref_slice %arg2[%mul3A_228] : memref<6400000xf32, #tpu.memory_space<hbm>> -> memref<2560xf32, #tpu.memory_space<hbm>>
      tpu.wait_dma2 semaphore(%arg19 : memref<!tpu.dma_semaphore, #tpu.memory_space<semaphore_mem>>) src(%dma_wait3A_234 : memref<2560xf32, #tpu.memory_space<hbm>>) dst(%arg13 : memref<2560xf32, #tpu.memory_space<vmem>>)
      %sub3A_235 = arith.constant 2 : i32
      %sub3A_236 = arith.subi %add3A_225, %sub3A_235 : i32
      %add3A_237 = arith.addi %add3A_6, %sub3A_236 : i32
      %mul3A_238 = arith.constant 2560 : i32
      %mul3A_239 = arith.muli %add3A_237, %mul3A_238 : i32
      %dma_wait3A_240 = tpu.memref_slice %arg6[%mul3A_239] : memref<6400000xf32, #tpu.memory_space<hbm>> -> memref<2560xf32, #tpu.memory_space<hbm>>
      %dma_wait3A_241 = tpu.memref_slice %arg6[%mul3A_239] : memref<6400000xf32, #tpu.memory_space<hbm>> -> memref<2560xf32, #tpu.memory_space<hbm>>
      tpu.wait_dma2 semaphore(%arg21 : memref<!tpu.dma_semaphore, #tpu.memory_space<semaphore_mem>>) src(%arg15 : memref<2560xf32, #tpu.memory_space<vmem>>) dst(%dma_wait3A_241 : memref<2560xf32, #tpu.memory_space<hbm>>)
      %parallel_loop3A_242 = arith.constant 0 : i32
      %parallel_loop3A_243 = arith.constant 160 : i32
      %parallel_loop3A_244 = arith.constant 1 : i32
      scf.for %parallel_loop3A_256 = %parallel_loop3A_242 to %parallel_loop3A_243 step %parallel_loop3A_244  : i32 {
        %parallel_loop3A_257 = arith.constant 16 : i32
        %parallel_loop3A_258 = arith.muli %parallel_loop3A_256, %parallel_loop3A_257 : i32
        %parallel_loop3A_259 = arith.constant 0 : i32
        %parallel_loop3A_260 = arith.index_cast %parallel_loop3A_259 : i32 to index
        %parallel_loop3A_261 = arith.index_cast %parallel_loop3A_258 : i32 to index
        %parallel_loop3A_262 = tpu.vector_load %arg10[%parallel_loop3A_260, %parallel_loop3A_261] {strides = array<i32>} : memref<2x2560xi32, #tpu.memory_space<vmem>>, vector<16xi32>,
        %parallel_loop3A_263 = tpu.vector_load_idx %arg7[%parallel_loop3A_262] : memref<100000xf32, #tpu.memory_space<vmem>>[vector<16xi32>], vector<16xf32>,
        %parallel_loop3A_264 = arith.constant 1 : i32
        %parallel_loop3A_265 = arith.index_cast %parallel_loop3A_264 : i32 to index
        %parallel_loop3A_266 = arith.index_cast %parallel_loop3A_258 : i32 to index
        %parallel_loop3A_267 = tpu.vector_load %arg10[%parallel_loop3A_265, %parallel_loop3A_266] {strides = array<i32>} : memref<2x2560xi32, #tpu.memory_space<vmem>>, vector<16xi32>,
        %parallel_loop3A_268 = tpu.vector_load_idx %arg7[%parallel_loop3A_267] : memref<100000xf32, #tpu.memory_space<vmem>>[vector<16xi32>], vector<16xf32>,
        %parallel_loop3A_269 = arith.addf %parallel_loop3A_263, %parallel_loop3A_268 : vector<16xf32>
        %parallel_loop3A_270 = arith.mulf %get3A_10, %parallel_loop3A_269 : vector<16xf32>
        %parallel_loop3A_271 = arith.addf %parallel_loop3A_270, %get3A_14 : vector<16xf32>
        %parallel_loop3A_272 = arith.index_cast %parallel_loop3A_258 : i32 to index
        %parallel_loop3A_273 = tpu.vector_load %arg13[%parallel_loop3A_272] {strides = array<i32>} : memref<2560xf32, #tpu.memory_space<vmem>>, vector<16xf32>,
        %parallel_loop3A_274 = math.exp %parallel_loop3A_271 : vector<16xf32>
        %parallel_loop3A_275 = arith.constant 1.000000e+00 : f32
        %parallel_loop3A_276 = vector.broadcast %parallel_loop3A_275 : f32 to vector<16xf32>
        %parallel_loop3A_277 = arith.addf %parallel_loop3A_276, %parallel_loop3A_274 : vector<16xf32>
        %parallel_loop3A_278 = arith.divf %parallel_loop3A_273, %parallel_loop3A_277 : vector<16xf32>
        %parallel_loop3A_279 = arith.index_cast %parallel_loop3A_258 : i32 to index
        %parallel_loop3A_280 = tpu.vector_load %arg15[%parallel_loop3A_279] {strides = array<i32>} : memref<2560xf32, #tpu.memory_space<vmem>>, vector<16xf32>,
        tpu.vector_store %arg15[%parallel_loop3A_279], %parallel_loop3A_278 {strides = array<i32>} : memref<2560xf32, #tpu.memory_space<vmem>>, vector<16xf32>,
      } {sc.loop_unroll_factor = 8 : i64, sc.parallel_access}
      %add3A_245 = arith.addi %add3A_6, %add3A_225 : i32
      %mul3A_246 = arith.constant 2560 : i32
      %mul3A_247 = arith.muli %add3A_245, %mul3A_246 : i32
      %dma_start3A_248 = tpu.memref_slice %arg6[%mul3A_247] : memref<6400000xf32, #tpu.memory_space<hbm>> -> memref<2560xf32, #tpu.memory_space<hbm>>
      %dma_start3A_249 = tpu.memref_slice %arg6[%mul3A_247] : memref<6400000xf32, #tpu.memory_space<hbm>> -> memref<2560xf32, #tpu.memory_space<hbm>>
      tpu.enqueue_dma source(%arg15 : memref<2560xf32, #tpu.memory_space<vmem>>) target(%dma_start3A_249 : memref<2560xf32, #tpu.memory_space<hbm>>) target_semaphore(%arg21 : memref<!tpu.dma_semaphore, #tpu.memory_space<semaphore_mem>>)
      %add3A_250 = arith.constant 3 : i32
      %add3A_251 = arith.addi %add3A_225, %add3A_250 : i32
      %lt3A_252 = arith.cmpi slt, %add3A_251, %select_n3A : i32
      %convert_element_type3A_253 = arith.extui %lt3A_252 : i1 to i32
      %cond3A_254 = arith.constant 0 : i32
      %cond3A_255 = arith.cmpi ne, %convert_element_type3A_253, %cond3A_254 : i32
      scf.if %cond3A_255 {
        %add3A_256 = arith.constant 3 : i32
        %add3A_257 = arith.addi %add3A_225, %add3A_256 : i32
        %add3A_258 = arith.addi %add3A_6, %add3A_257 : i32
        %mul3A_259 = arith.constant 2560 : i32
        %mul3A_260 = arith.muli %add3A_258, %mul3A_259 : i32
        %dma_start3A_261 = arith.constant 0 : i32
        %dma_start3A_262 = tpu.memref_slice %arg4[%dma_start3A_261, %mul3A_260] : memref<2x6400000xi32, #tpu.memory_space<hbm>> -> memref<2x2560xi32, #tpu.memory_space<hbm>>
        %dma_start3A_263 = arith.constant 0 : i32
        %dma_start3A_264 = tpu.memref_slice %arg4[%dma_start3A_263, %mul3A_260] : memref<2x6400000xi32, #tpu.memory_space<hbm>> -> memref<2x2560xi32, #tpu.memory_space<hbm>>
        tpu.enqueue_dma source(%dma_start3A_264 : memref<2x2560xi32, #tpu.memory_space<hbm>>) target(%arg10 : memref<2x2560xi32, #tpu.memory_space<vmem>>) target_semaphore(%arg19 : memref<!tpu.dma_semaphore, #tpu.memory_space<semaphore_mem>>)
        %dma_start3A_265 = tpu.memref_slice %arg2[%mul3A_260] : memref<6400000xf32, #tpu.memory_space<hbm>> -> memref<2560xf32, #tpu.memory_space<hbm>>
        %dma_start3A_266 = tpu.memref_slice %arg2[%mul3A_260] : memref<6400000xf32, #tpu.memory_space<hbm>> -> memref<2560xf32, #tpu.memory_space<hbm>>
        tpu.enqueue_dma source(%dma_start3A_266 : memref<2560xf32, #tpu.memory_space<hbm>>) target(%arg13 : memref<2560xf32, #tpu.memory_space<vmem>>) target_semaphore(%arg19 : memref<!tpu.dma_semaphore, #tpu.memory_space<semaphore_mem>>)
      } else {
      }
    }
    %scan3A_48 = arith.constant 13 : i32
    %gt3A = arith.constant 0 : i32
    %gt3A_49 = arith.cmpi sgt, %sub3A_7, %gt3A : i32
    %convert_element_type3A = arith.extui %gt3A_49 : i1 to i32
    %cond3A = arith.constant 0 : i32
    %cond3A_50 = arith.cmpi ne, %convert_element_type3A, %cond3A : i32
    scf.if %cond3A_50 {
      %add3A_66 = arith.constant 78 : i32
      %add3A_67 = arith.addi %add3A_6, %add3A_66 : i32
      %mul3A_68 = arith.constant 2560 : i32
      %mul3A_69 = arith.muli %add3A_67, %mul3A_68 : i32
      %dma_wait3A_70 = arith.constant 0 : i32
      %dma_wait3A_71 = tpu.memref_slice %arg4[%dma_wait3A_70, %mul3A_69] : memref<2x6400000xi32, #tpu.memory_space<hbm>> -> memref<2x2560xi32, #tpu.memory_space<hbm>>
      %dma_wait3A_72 = arith.constant 0 : i32
      %dma_wait3A_73 = tpu.memref_slice %arg4[%dma_wait3A_72, %mul3A_69] : memref<2x6400000xi32, #tpu.memory_space<hbm>> -> memref<2x2560xi32, #tpu.memory_space<hbm>>
      tpu.wait_dma2 semaphore(%arg17 : memref<!tpu.dma_semaphore, #tpu.memory_space<semaphore_mem>>) src(%dma_wait3A_73 : memref<2x2560xi32, #tpu.memory_space<hbm>>) dst(%arg8 : memref<2x2560xi32, #tpu.memory_space<vmem>>)
      %dma_wait3A_74 = tpu.memref_slice %arg2[%mul3A_69] : memref<6400000xf32, #tpu.memory_space<hbm>> -> memref<2560xf32, #tpu.memory_space<hbm>>
      %dma_wait3A_75 = tpu.memref_slice %arg2[%mul3A_69] : memref<6400000xf32, #tpu.memory_space<hbm>> -> memref<2560xf32, #tpu.memory_space<hbm>>
      tpu.wait_dma2 semaphore(%arg17 : memref<!tpu.dma_semaphore, #tpu.memory_space<semaphore_mem>>) src(%dma_wait3A_75 : memref<2560xf32, #tpu.memory_space<hbm>>) dst(%arg11 : memref<2560xf32, #tpu.memory_space<vmem>>)
      %add3A_76 = arith.constant 76 : i32
      %add3A_77 = arith.addi %add3A_6, %add3A_76 : i32
      %mul3A_78 = arith.constant 2560 : i32
      %mul3A_79 = arith.muli %add3A_77, %mul3A_78 : i32
      %dma_wait3A_80 = tpu.memref_slice %arg6[%mul3A_79] : memref<6400000xf32, #tpu.memory_space<hbm>> -> memref<2560xf32, #tpu.memory_space<hbm>>
      %dma_wait3A_81 = tpu.memref_slice %arg6[%mul3A_79] : memref<6400000xf32, #tpu.memory_space<hbm>> -> memref<2560xf32, #tpu.memory_space<hbm>>
      tpu.wait_dma2 semaphore(%arg20 : memref<!tpu.dma_semaphore, #tpu.memory_space<semaphore_mem>>) src(%arg14 : memref<2560xf32, #tpu.memory_space<vmem>>) dst(%dma_wait3A_81 : memref<2560xf32, #tpu.memory_space<hbm>>)
      %parallel_loop3A = arith.constant 0 : i32
      %parallel_loop3A_82 = arith.constant 160 : i32
      %parallel_loop3A_83 = arith.constant 1 : i32
      scf.for %parallel_loop3A_90 = %parallel_loop3A to %parallel_loop3A_82 step %parallel_loop3A_83  : i32 {
        %parallel_loop3A_91 = arith.constant 16 : i32
        %parallel_loop3A_92 = arith.muli %parallel_loop3A_90, %parallel_loop3A_91 : i32
        %parallel_loop3A_93 = arith.constant 0 : i32
        %parallel_loop3A_94 = arith.index_cast %parallel_loop3A_93 : i32 to index
        %parallel_loop3A_95 = arith.index_cast %parallel_loop3A_92 : i32 to index
        %parallel_loop3A_96 = tpu.vector_load %arg8[%parallel_loop3A_94, %parallel_loop3A_95] {strides = array<i32>} : memref<2x2560xi32, #tpu.memory_space<vmem>>, vector<16xi32>,
        %parallel_loop3A_97 = tpu.vector_load_idx %arg7[%parallel_loop3A_96] : memref<100000xf32, #tpu.memory_space<vmem>>[vector<16xi32>], vector<16xf32>,
        %parallel_loop3A_98 = arith.constant 1 : i32
        %parallel_loop3A_99 = arith.index_cast %parallel_loop3A_98 : i32 to index
        %parallel_loop3A_100 = arith.index_cast %parallel_loop3A_92 : i32 to index
        %parallel_loop3A_101 = tpu.vector_load %arg8[%parallel_loop3A_99, %parallel_loop3A_100] {strides = array<i32>} : memref<2x2560xi32, #tpu.memory_space<vmem>>, vector<16xi32>,
        %parallel_loop3A_102 = tpu.vector_load_idx %arg7[%parallel_loop3A_101] : memref<100000xf32, #tpu.memory_space<vmem>>[vector<16xi32>], vector<16xf32>,
        %parallel_loop3A_103 = arith.addf %parallel_loop3A_97, %parallel_loop3A_102 : vector<16xf32>
        %parallel_loop3A_104 = arith.mulf %get3A_10, %parallel_loop3A_103 : vector<16xf32>
        %parallel_loop3A_105 = arith.addf %parallel_loop3A_104, %get3A_14 : vector<16xf32>
        %parallel_loop3A_106 = arith.index_cast %parallel_loop3A_92 : i32 to index
        %parallel_loop3A_107 = tpu.vector_load %arg11[%parallel_loop3A_106] {strides = array<i32>} : memref<2560xf32, #tpu.memory_space<vmem>>, vector<16xf32>,
        %parallel_loop3A_108 = math.exp %parallel_loop3A_105 : vector<16xf32>
        %parallel_loop3A_109 = arith.constant 1.000000e+00 : f32
        %parallel_loop3A_110 = vector.broadcast %parallel_loop3A_109 : f32 to vector<16xf32>
        %parallel_loop3A_111 = arith.addf %parallel_loop3A_110, %parallel_loop3A_108 : vector<16xf32>
        %parallel_loop3A_112 = arith.divf %parallel_loop3A_107, %parallel_loop3A_111 : vector<16xf32>
        %parallel_loop3A_113 = arith.index_cast %parallel_loop3A_92 : i32 to index
        %parallel_loop3A_114 = tpu.vector_load %arg14[%parallel_loop3A_113] {strides = array<i32>} : memref<2560xf32, #tpu.memory_space<vmem>>, vector<16xf32>,
        tpu.vector_store %arg14[%parallel_loop3A_113], %parallel_loop3A_112 {strides = array<i32>} : memref<2560xf32, #tpu.memory_space<vmem>>, vector<16xf32>,
      } {sc.loop_unroll_factor = 8 : i64, sc.parallel_access}
      %add3A_84 = arith.constant 78 : i32
      %add3A_85 = arith.addi %add3A_6, %add3A_84 : i32
      %mul3A_86 = arith.constant 2560 : i32
      %mul3A_87 = arith.muli %add3A_85, %mul3A_86 : i32
      %dma_start3A_88 = tpu.memref_slice %arg6[%mul3A_87] : memref<6400000xf32, #tpu.memory_space<hbm>> -> memref<2560xf32, #tpu.memory_space<hbm>>
      %dma_start3A_89 = tpu.memref_slice %arg6[%mul3A_87] : memref<6400000xf32, #tpu.memory_space<hbm>> -> memref<2560xf32, #tpu.memory_space<hbm>>
      tpu.enqueue_dma source(%arg14 : memref<2560xf32, #tpu.memory_space<vmem>>) target(%dma_start3A_89 : memref<2560xf32, #tpu.memory_space<hbm>>) target_semaphore(%arg20 : memref<!tpu.dma_semaphore, #tpu.memory_space<semaphore_mem>>)
    } else {
    }
    %gt3A_51 = arith.constant 0 : i32
    %gt3A_52 = arith.cmpi sgt, %sub3A_7, %gt3A_51 : i32
    %jit3A_53 = arith.constant 78 : i32
    %jit3A_54 = arith.constant 76 : i32
    %select_n3A_55 = arith.select %gt3A_52, %jit3A_53, %jit3A_54 : i32
    %add3A_56 = arith.addi %add3A_6, %select_n3A_55 : i32
    %mul3A_57 = arith.constant 2560 : i32
    %mul3A_58 = arith.muli %add3A_56, %mul3A_57 : i32
    %dma_wait3A = tpu.memref_slice %arg6[%mul3A_58] : memref<6400000xf32, #tpu.memory_space<hbm>> -> memref<2560xf32, #tpu.memory_space<hbm>>
    %dma_wait3A_59 = tpu.memref_slice %arg6[%mul3A_58] : memref<6400000xf32, #tpu.memory_space<hbm>> -> memref<2560xf32, #tpu.memory_space<hbm>>
    tpu.wait_dma2 semaphore(%arg20 : memref<!tpu.dma_semaphore, #tpu.memory_space<semaphore_mem>>) src(%arg14 : memref<2560xf32, #tpu.memory_space<vmem>>) dst(%dma_wait3A_59 : memref<2560xf32, #tpu.memory_space<hbm>>)
    %add3A_60 = arith.constant 77 : i32
    %add3A_61 = arith.addi %add3A_6, %add3A_60 : i32
    %mul3A_62 = arith.constant 2560 : i32
    %mul3A_63 = arith.muli %add3A_61, %mul3A_62 : i32
    %dma_wait3A_64 = tpu.memref_slice %arg6[%mul3A_63] : memref<6400000xf32, #tpu.memory_space<hbm>> -> memref<2560xf32, #tpu.memory_space<hbm>>
    %dma_wait3A_65 = tpu.memref_slice %arg6[%mul3A_63] : memref<6400000xf32, #tpu.memory_space<hbm>> -> memref<2560xf32, #tpu.memory_space<hbm>>
    tpu.wait_dma2 semaphore(%arg21 : memref<!tpu.dma_semaphore, #tpu.memory_space<semaphore_mem>>) src(%arg15 : memref<2560xf32, #tpu.memory_space<vmem>>) dst(%dma_wait3A_65 : memref<2560xf32, #tpu.memory_space<hbm>>)
    return
  }
}

</mosaic_0001>

<sc_bundles>
// kernel: kernel.3.cloned.1.call-start
scs
__scs_entry_jumppad:
0x0: {  	(pc) =	sbr.rel $0x88, $3  }
0x1: {  	(tag) =	ssettag $0x0;
	lr =	simm.s32 $0x1  }
0x2: {  	[smem:$0x3F9C] =	sst lr;
	_ =	strace $0xD0000000  }
0x3: {  	_ = 	snop  }
0x4: {  	_ = 	snop  }
0x5: {  	_ = 	snop  }
0x6: {  	_ = 	snop  }
0x7: {  	_ = 	snop  }
__scs_overlays_trampoline_lowered:
0x8: {  	[smem:$0x3FAB] =	sst s0  }
0x9: {  	[smem:$0x3FAC] =	sst s1  }
0xa: {  	[smem:$0x3FAD] =	sst s2  }
0xb: {  	[smem:$0x3FAE] =	sst s3  }
0xc: {  	[smem:$0x3FAF] =	sst s4  }
0xd: {  	[smem:$0x3FB0] =	sst s5  }
0xe: {  	[smem:$0x3FB1] =	sst s6  }
0xf: {  	[smem:$0x3FB2] =	sst s7  }
0x10: {  	[smem:$0x3FB3] =	sst s8  }
0x11: {  	[smem:$0x3FB4] =	sst s9;
	s0 =	simm.s32 @!p0 $0x0  }
0x12: {  	s1 =	sld [smem:$0x3F9A];
	s0 =	simm.s32 @p0 $0x1  }
0x13: {  	[smem:$0x3FB5] =	sst s0;
	s0 =	simm.s32 @!p1 $0x0  }
0x14: {  	s2 =	sld [smem:$0x3F99];
	s0 =	simm.s32 @p1 $0x1  }
0x15: {  	[smem:$0x3FB6] =	sst s0;
	s0 =	simm.s32 @!p2 $0x0  }
0x16: {  	s3 =	sld [smem:$0x3FDB];
	s0 =	simm.s32 @p2 $0x1  }
0x17: {  	s4 =	simm.s32 $0x1BF5;
	[smem:$0x3FB8] =	sst s0  }
0x18: {  	s0 =	sld [smem:$0x3F9B];
	_ =	swait.ge [sflag:s4], $0x0  }
0x19: {  	s7 =	sld [smem:$0x3F9C]  }
0x1a: {  	s8 =	sadd.s32 $0xFFFFE003, lr  }
0x1b: {  	s9 =	sadd.s32 $0xFFFFFEF7, lr;
	s5 =	simm.s32 $0xFFFFFFFF;
	p2 =	slt.u32 s8, $0xFFFFF086  }
0x1c: {  	p1 =	slt.u32 s9, $0xF7A;
	s5 =	simm.s32 @!p2 $0x0  }
0x1d: {  	s5 =	simm.s32 @p1 $0x1;
	p0 =	seq.s32 s7, s2  }
0x1e: {  	s7 =	smul.u32 @!p0 $0xF7A, s2;
	p2 =	seq.s32 @!p0 s5, $0x0  }
0x1f: {  	s9 =	smul.u32 $0xF7A, s1;
	s8 =	simm.s32 @!p0 $0x1BF5;
	p2 =	por !p2, p0  }
0x20: {  	[sflag:s8] =	ssyncset.s32 @!p0 $0xFFFFF086;
	s6 =	sadd.s32 @!p0 s3, s7;
	s7 =	simm.s32 @!p0 $0x108  }
0x21: {  	s3 =	sadd.s32 s3, s9;
	s6 =	sadd.s32 @!p0 $0x88, s6;
	s7 =	simm.s32 @p2 $0x1082  }
0x22: {  	[simem:s7], [sflag:s8] =	dma.local @!p0 [hbm:s6], $0xF7A  }
0x23: {  	s9 =	sor.u32 $0xD0000000, s2;
	s6 =	simm.s32 $0x108;
	_ =	swait.ge @!p0 [sflag:s8], $0x0  }
0x24: {  	s3 =	sadd.s32 $0x88, s3;
	s6 =	simm.s32 @!p1 $0x1082;
	[sflag:s4] =	ssyncset.s32 $0xFFFFF086  }
0x25: {  	[simem:s6], [sflag:s4] =	dma.local [hbm:s3], $0xF7A  }
0x26: {  	[smem:$0x3F9C] =	sst s1;
	(tag) =	ssettag s2;
	_ =	strace s9  }
0x27: {  	s1 =	sld [smem:$0x3FAC]  }
0x28: {  	s2 =	sld [smem:$0x3FAD]  }
0x29: {  	s4 =	sld [smem:$0x3FAF]  }
0x2a: {  	p0 =	seq.s32 s5, $0x0;
	s5 =	sld [smem:$0x3FB0]  }
0x2b: {  	s6 =	sld [smem:$0x3FB1]  }
0x2c: {  	s7 =	sld [smem:$0x3FB2]  }
0x2d: {  	s3 =	simm.s32 $0x108;
	s8 =	sld [smem:$0x3FB3]  }
0x2e: {  	s3 =	simm.s32 @!p0 $0x1082;
	s9 =	sld [smem:$0x3FB4]  }
0x2f: {  	lr =	sadd.s32 s0, s3;
	s0 =	sld [smem:$0x3FAB]  }
0x30: {  	s3 =	sld [smem:$0x3FAE]  }
0x31: {  	[smem:$0x3FB7] =	sst s10  }
0x32: {  	s10 =	sld [smem:$0x3FB5];
	_ =	sdelay $0x3  }
0x33: {  	p0 =	seq.s32 s10, $0x1;
	s10 =	sld [smem:$0x3FB7];
	_ =	sdelay $0x3  }
0x34: {  	[smem:$0x3FB7] =	sst s10  }
0x35: {  	s10 =	sld [smem:$0x3FB6];
	_ =	sdelay $0x3  }
0x36: {  	p1 =	seq.s32 s10, $0x1;
	s10 =	sld [smem:$0x3FB7];
	_ =	sdelay $0x3  }
0x37: {  	[smem:$0x3FB7] =	sst s10  }
0x38: {  	s10 =	sld [smem:$0x3FB8]  }
0x39: {  	_ = 	snop;
	(pc) =	sbr.ind lr, $3  }
0x3a: {  	_ = 	snop  }
0x3b: {  	_ = 	snop  }
0x3c: {  	p2 =	seq.s32 s10, $0x1;
	s10 =	sld [smem:$0x3FB7]  }
0x3d: {  	_ =	shalt  }
0x3e: {  	_ =	shalt  }
0x3f: {  	_ =	shalt  }
0x40: {  	_ =	shalt  }
0x41: {  	_ =	shalt  }
0x42: {  	_ =	shalt  }
0x43: {  	_ =	shalt  }
0x44: {  	_ =	shalt  }
0x45: {  	_ =	shalt  }
0x46: {  	_ =	shalt  }
0x47: {  	_ =	shalt  }
0x48: {  	_ =	shalt  }
0x49: {  	_ =	shalt  }
0x4a: {  	_ =	shalt  }
0x4b: {  	_ =	shalt  }
0x4c: {  	_ =	shalt  }
0x4d: {  	_ =	shalt  }
0x4e: {  	_ =	shalt  }
0x4f: {  	_ =	shalt  }
0x50: {  	_ =	shalt  }
0x51: {  	_ =	shalt  }
0x52: {  	_ =	shalt  }
0x53: {  	_ =	shalt  }
0x54: {  	_ =	shalt  }
0x55: {  	_ =	shalt  }
0x56: {  	_ =	shalt  }
0x57: {  	_ =	shalt  }
0x58: {  	_ =	shalt  }
0x59: {  	_ =	shalt  }
0x5a: {  	_ =	shalt  }
0x5b: {  	_ =	shalt  }
0x5c: {  	_ =	shalt  }
0x5d: {  	_ =	shalt  }
0x5e: {  	_ =	shalt  }
0x5f: {  	_ =	shalt  }
0x60: {  	_ =	shalt  }
0x61: {  	_ =	shalt  }
0x62: {  	_ =	shalt  }
0x63: {  	_ =	shalt  }
0x64: {  	_ =	shalt  }
0x65: {  	_ =	shalt  }
0x66: {  	_ =	shalt  }
0x67: {  	_ =	shalt  }
0x68: {  	_ =	shalt  }
0x69: {  	_ =	shalt  }
0x6a: {  	_ =	shalt  }
0x6b: {  	_ =	shalt  }
0x6c: {  	_ =	shalt  }
0x6d: {  	_ =	shalt  }
0x6e: {  	_ =	shalt  }
0x6f: {  	_ =	shalt  }
0x70: {  	_ =	shalt  }
0x71: {  	_ =	shalt  }
0x72: {  	_ =	shalt  }
0x73: {  	_ =	shalt  }
0x74: {  	_ =	shalt  }
0x75: {  	_ =	shalt  }
0x76: {  	_ =	shalt  }
0x77: {  	_ =	shalt  }
0x78: {  	_ =	shalt  }
0x79: {  	_ =	shalt  }
0x7a: {  	_ =	shalt  }
0x7b: {  	_ =	shalt  }
0x7c: {  	_ =	shalt  }
0x7d: {  	_ =	shalt  }
0x7e: {  	_ =	shalt  }
0x7f: {  	_ =	shalt  }
0x80: {  	_ =	shalt  }
0x81: {  	_ =	shalt  }
0x82: {  	_ =	shalt  }
0x83: {  	_ =	shalt  }
0x84: {  	_ =	shalt  }
0x85: {  	_ =	shalt  }
0x86: {  	_ =	shalt  }
0x87: {  	_ =	shalt  }
.Lfunc_end0:
.L_simem_size_0:
called_computation_lowered:
.L_overlay_start_0:
0x88: {  	s2 =	sld [smem:$0x3FD9]  }
0x89: {  	s3 =	sld [smem:$0x3FFE];
	_ =	sdelay $0x1  }
0x8a: {  	s1 =	srdreg.scid  }
0x8b: {  	s0 =	sand.u32 $0x1, s1  }
0x8c: {  	s17 =	sshll.u32 s0, $0xA;
	s2 =	sadd.s32 s3, s2  }
0x8d: {  	s2 =	sadd.s32 s2, s17  }
0x8e: {  	[smem:$0x3FC3] =	sst s2  }
0x8f: {  	_ = 	snop  }
0x90: {  	s2 =	sld [smem:$0x3FC9]  }
0x91: {  	s18 =	sld [smem:$0x3FC8]  }
0x92: {  	s4 =	sld [smem:$0x3FC7]  }
0x93: {  	s5 =	sld [smem:$0x3FD0];
	(tm) =	ssettm $0x1  }
0x94: {  	s6 =	sld [smem:$0x3FFB];
	_ =	sdelay $0x3  }
0x95: {  	_ =	strace s6  }
0x96: {  	s6 =	sld [smem:$0x3FFC];
	_ =	sdelay $0x3  }
0x97: {  	_ =	strace s6  }
0x98: {  	s6 =	sld [smem:$0x3FFD];
	_ =	sdelay $0x3  }
0x99: {  	_ =	strace s6  }
0x9a: {  	_ =	strace $0x8FFFFFFF  }
0x9b: {  	s19 =	sld [smem:$0x3FDB];
	_ =	sdelay $0x1  }
0x9c: {  	s7 =	simm.s32 $_scs_section_size  }
0x9d: {  	s8 =	simm.s32 $_size__tile_overlayer_lowered;
	s9 =	simm.s32 $_tile_overlayer_lowered  }
0x9e: {  	s22 =	simm.s32 $0x1BFF;
	s21 =	sshll.u32 s9, $0x1;
	s6 =	sadd.s32 s7, s19  }
0x9f: {  	s10 =	simm.s32 $0x0;
	s20 =	sshll.u32 s8, $0x1;
	s8 =	sadd.s32 s21, s6  }
0xa0: {  	[timem:s10], [sflag:s22] =	dma.local [hbm:s8], s20  }
0xa1: {  	_ =	swait.ge [sflag:s22], s20  }
0xa2: {  	s7 =	ssub.s32 $0x0, s20;
	[sflag:s22] =	ssyncset.done $0x0  }
0xa3: {  	[sflag:s22] =	ssyncadd.s32 s7;
	_ =	sdelay $0x1  }
0xa4: {  	s23 =	simm.s32 $0x1B8B  }
0xa5: {  	_ =	swait.ge [sflag:s23], $0x1  }
0xa6: {  	[sflag:s23] =	ssyncset.done $0x0  }
0xa7: {  	s25 =	simm.s32 $0x1B8E;
	s24 =	sld [smem:$0x3FFE];
	[sflag:s23] =	ssyncadd.s32 $0xFFFFFFFF  }
0xa8: {  	s26 =	simm.s32 $execute0_lowered;
	[smem:$0x3FD2] =	sst s25  }
0xa9: {  	s8 =	sshll.u32 s26, $0x1;
	_ =	strace $0x80000046;
	[dreg:$0x1] =	wrdreg $0xFFFFFFFF  }
0xaa: {  	s28 =	simm.s32 $_size_execute0_lowered;
	s6 =	sadd.s32 s6, s8;
	[dreg:$0x0] =	wrdreg $0x0  }
0xab: {  	s8 =	sshll.u32 s28, $0x1;
	[dreg:$0x2] =	wrdreg s6  }
0xac: {  	[dreg:$0x3] =	wrdreg s8  }
0xad: {  	[dreg:$0x4] =	wrdreg $0xC0  }
0xae: {  	_ =	task [dreg:s10], $0x5FFFF  }
0xaf: {  	[dreg:$0x1] =	wrdreg $0xFFFFFFFF  }
0xb0: {  	[dreg:$0x0] =	wrdreg $0x60  }
0xb1: {  	[dreg:$0x2] =	wrdreg s2  }
0xb2: {  	[dreg:$0x3] =	wrdreg s18  }
0xb3: {  	[dreg:$0x4] =	wrdreg s4  }
0xb4: {  	[dreg:$0x5] =	wrdreg s24  }
0xb5: {  	[dreg:$0x6] =	wrdreg s5  }
0xb6: {  	[dreg:$0x7] =	wrdreg $0x9  }
0xb7: {  	_ =	task.clear_ibuf [dreg:s10], $0x8FFFF;
	_ =	strace $0x90000046  }
0xb8: {  	s29 =	simm.s32 $0x9;
	_ =	strace $0x80000048  }
0xb9: {  	_ =	swait.ge [sflag:s29], $0x1  }
0xba: {  	[sflag:s29] =	ssyncadd.s32 $0xFFFFFFFF  }
0xbb: {  	_ =	strace $0x90000048  }
0xbc: {  	_ =	sfence  }
0xbd: {  	s30 =	sld [smem:$0x0];
	_ =	sdelay $0x2  }
0xbe: {  	s31 =	sshll.u32 s1, $0xD;
	s1 =	sshrl.u32 s1, $0x2  }
0xbf: {  	s3 =	sand.u32 $0x4000, s31;
	s1 =	sadd.s32 s1, s30  }
0xc0: {  	s0 =	sor.u32 s3, s0;
	s1 =	sshll.u32 s1, $0x11  }
0xc1: {  	s0 =	sor.u32 s1, s0  }
0xc2: {  	s0 =	sadd.s32 $0x8F2B, s0  }
0xc3: {  	[sflag:s0] =	ssyncadd.remote.s32 $0x1  }
0xc4: {  	_ =	sfence.sel $0xFFFF  }
0xc5: {  	[dreg:$0x0] =	wrdreg $0xFFFFFFFF;
	(pc) =	sbr.abs _section_cstart, $3  }
0xc6: {  	[dreg:$0x1] =	wrdreg $0xFFFFFFFF  }
0xc7: {  	_ =	task.clear_ibuf [dreg:s10], $0x2FFFF;
	_ =	strace $0x9FFFFFFF  }
0xc8: {  	(tm) =	ssettm $0x7FFFFFFF  }
0xc9: {  	_ =	shalt  }
tec
execute0_lowered:
.L_overlay_start_1:
0x0: {  	(tag) =	ssettag $0x1  }
0x1: {  	s1 =	rddreg [dreg:$0x0]  }
0x2: {  	s3 =	rddreg [dreg:$0x2]  }
0x3: {  	s0 =	srdreg.scid;
	s4 =	rddreg [dreg:$0x3]  }
0x4: {  	s9 =	stileid.u32;
	s5 =	rddreg [dreg:$0x4];
	s6 =	simm.s32 $0x0  }
0x5: {  	s28 =	simm.s32 $0x1D700;
	s0 =	sand.u32 $0x1, s0;
	s2 =	sshll.u32 s9, $0x1  }
0x6: {  	s29 =	simm.s32 $0x1;
	s30 =	simm.s32 $0x1E100;
	s2 =	sor.u32 s0, s2  }
0x7: {  	s31 =	simm.s32 $0x2;
	[smem:$0x7FF] =	sst s6;
	s7 =	smul.u32 $0x4E, s2  }
0x8: {  	s4 =	sadd.s32 $0x400, s4;
	p0 =	sgt.u32 s9, $0x1;
	s2 =	smin.u32 s2, $0x4  }
0x9: {  	s9 =	simm.s32 $0x4E;
	s0 =	ssub.s32 $0x2, s0;
	s7 =	sadd.s32 s2, s7  }
0xa: {  	_ =	strace $0x80000047;
	s18 =	sshrl.u32 s0, $0x1;
	s2 =	smul.u32 $0x280, s7  }
0xb: {  	[dreg:$0x6] =	wrdreg s4;
	s0 =	ssub.s32 s0, s18;
	s8 =	smul.u32 $0xA00, s7  }
0xc: {  	s9 =	simm.s32 @!p0 $0x4F;
	s0 =	smax.u32 s0, $0x1;
	s10 =	smul.u32 $0x140, s7  }
0xd: {  	s16 =	sadd.s32 $0x1, s7;
	s17 =	sadd.s32 $0x2, s7;
	[dreg:$0xe] =	wrdreg s0  }
0xe: {  	s0 =	simm.s32 $0x3;
	s19 =	sadd.s32 $0xA00, s8;
	s2 =	sadd.s32 s3, s2  }
0xf: {  	s20 =	sadd.s32 s1, s10;
	s23 =	sadd.s32 $0x1400, s8;
	[dreg:$0x7] =	wrdreg s2  }
0x10: {  	s26 =	sshrl.u32 s8, $0x3;
	s10 =	simm.s32 $0x0;
	[dreg:$0x8] =	wrdreg s20  }
0x11: {  	s21 =	sshrl.u32 s19, $0x2;
	s22 =	sshrl.u32 s19, $0x3;
	s24 =	sshrl.u32 s23, $0x2  }
0x12: {  	s4 =	sshrl.u32 s23, $0x3;
	s23 =	simm.s32 $0x1C300;
	s2 =	sadd.s32 s3, s21  }
0x13: {  	s25 =	sadd.s32 s1, s4;
	s4 =	simm.s32 $0x1EB00;
	[dreg:$0x9] =	wrdreg s2  }
.Ltmp0:
0x14: {  	s2 =	sadd.s32 s1, s22;
	[dreg:$0xc] =	wrdreg s25;
	(pc) =	sbr.rel .LBB2_1-.Ltmp0, $4  }
0x15: {  	s21 =	simm.s32 $0x5;
	[dreg:$0xa] =	wrdreg s2;
	s2 =	sadd.s32 s3, s24  }
0x16: {  	s22 =	simm.s32 $0x18700;
	[dreg:$0xb] =	wrdreg s2;
	s2 =	sadd.s32 s5, s26  }
0x17: {  	s25 =	simm.s32 $0x1CD00;
	s24 =	simm.s32 $0x19B00;
	s2 =	sadd.s32 $0x6180, s2  }
0x18: {  	s26 =	simm.s32 $0x1AF00;
	[dreg:$0xd] =	wrdreg s2;
	s2 =	simm.s32 $0x4  }
.LBB2_19:
0x19: {  	_ =	swait.ge [sflag:s2], $0xA00  }
0x1a: {  	[sflag:s2] =	ssyncset.done $0x0  }
0x1b: {  	[sflag:s2] =	ssyncadd.s32 $0xFFFFF600  }
0x1c: {  	_ =	swait.ge [sflag:s21], $0xA00  }
0x1d: {  	s10 =	sadd.s32 $0x1, s10;
	s8 =	rddreg [dreg:$0xe]  }
0x1e: {  	p1 =	sne.s32 s10, s8  }
.Ltmp1:
0x1f: {  	_ = 	snop;
	(pc) =	sbr.rel @!p1 .LBB2_20-.Ltmp1, $3  }
0x20: {  	_ =	sdelay $0x1  }
0x21: {  	[sflag:s21] =	ssyncset.done $0x0  }
0x22: {  	[sflag:s21] =	ssyncadd.s32 $0xFFFFF600  }
.LBB2_1:
0x23: {  	[dreg:$0xf] =	wrdreg s10  }
0x24: {  	s8 =	rddreg [dreg:$0x1];
	s20 =	simm.s32 $0x6  }
0x25: {  	[tilespmem:s6], [sflag:$0x6] =	stream.linear.gather [hbm4b:s8+s6], $0x18700, $0x38;
	[tilespmem:$0x1F600] =	vst v63  }
0x26: {  	_ =	swait.ge [sflag:s20], $0x18700  }
0x27: {  	[sflag:s20] =	ssyncset.done $0x0  }
0x28: {  	s11 =	simm.s32 $0x1F500;
	s12 =	rddreg [dreg:$0x6];
	[sflag:s20] =	ssyncadd.s32 $0xFFFE7900  }
0x29: {  	[tilespmem:s11], [sflag:$0x6] =	stream.linear.gather [hbm4b:s12+s6], $0x100, $0x38;
	[tilespmem:$0x1F600] =	vst v63  }
0x2a: {  	_ =	swait.ge [sflag:s20], $0x100  }
0x2b: {  	[sflag:s20] =	ssyncset.done $0x0  }
0x2c: {  	[sflag:s20] =	ssyncadd.s32 $0xFFFFFF00  }
0x2d: {  	s13 =	rddreg [dreg:$0x7];
	v1 =	vld [tilespmem:$0x1F500]  }
0x2e: {  	v0 =	vld [tilespmem:$0x1F580];
	[tilespmem:s22], [sflag:$0x1] =	stream.linear.gather [hbm4b:s13+s6], $0x1400, $0x38  }
0x2f: {  	s14 =	rddreg [dreg:$0x8]  }
0x30: {  	[tilespmem:s23], [sflag:$0x1] =	stream.linear.gather [hbm4b:s14+s6], $0xA00, $0x38;
	[tilespmem:$0x1F600] =	vst v63  }
0x31: {  	s15 =	rddreg [dreg:$0x9]  }
0x32: {  	[tilespmem:s24], [sflag:$0x2] =	stream.linear.gather [hbm4b:s15+s6], $0x1400, $0x38;
	[tilespmem:$0x1F600] =	vst v63  }
0x33: {  	s18 =	rddreg [dreg:$0xa]  }
0x34: {  	[tilespmem:s25], [sflag:$0x2] =	stream.linear.gather [hbm4b:s18+s6], $0xA00, $0x38;
	[tilespmem:$0x1F600] =	vst v63  }
0x35: {  	s19 =	rddreg [dreg:$0xb]  }
0x36: {  	[tilespmem:s26], [sflag:$0x3] =	stream.linear.gather [hbm4b:s19+s6], $0x1400, $0x38;
	[tilespmem:$0x1F600] =	vst v63  }
0x37: {  	s8 =	simm.s32 $0x0;
	s20 =	rddreg [dreg:$0xc]  }
0x38: {  	[tilespmem:s28], [sflag:$0x3] =	stream.linear.gather [hbm4b:s20+s6], $0xA00, $0x38;
	[tilespmem:$0x1F600] =	vst v63  }
.LBB2_2:
0x39: {  	_ =	swait.ge [sflag:s29], $0x1400  }
0x3a: {  	[sflag:s29] =	ssyncset.done $0x0  }
0x3b: {  	[sflag:s29] =	ssyncadd.s32 $0xFFFFEC00  }
0x3c: {  	_ =	swait.ge [sflag:s29], $0xA00  }
0x3d: {  	p1 =	seq.s32 s8, $0x0;
	[sflag:s29] =	ssyncset.done $0x0  }
0x3e: {  	s10 =	simm.s32 @!p1 $0x4;
	[sflag:s29] =	ssyncadd.s32 $0xFFFFF600  }
0x3f: {  	_ =	swait.ge @!p1 [sflag:s10], $0xA00  }
0x40: {  	[sflag:s10] =	ssyncset.done @!p1 $0x0  }
0x41: {  	s19 =	simm.s32 $0x18780;
	[sflag:s10] =	ssyncadd.s32 @!p1 $0xFFFFF600  }
0x42: {  	v2 =	vld [tilespmem:s19+$0xFFFFFFF0]  }
0x43: {  	v3 =	vld [tilespmem:s19+$0x70]  }
0x44: {  	v4 =	vld [tilespmem:s19+$0x0]  }
0x45: {  	v5 =	vld [tilespmem:s19+$0xFFFFFF90]  }
0x46: {  	v6 =	vld [tilespmem:s19+$0x10]  }
0x47: {  	v7 =	vld [tilespmem:s19+$0xFFFFFFA0]  }
0x48: {  	v8 =	vld [tilespmem:s19+$0x20]  }
0x49: {  	v9 =	vld [tilespmem:s19+$0xFFFFFFB0]  }
0x4a: {  	v10 =	vld [tilespmem:s19+$0x30]  }
0x4b: {  	v11 =	vld [tilespmem:s19+$0xFFFFFFC0]  }
0x4c: {  	v12 =	vld [tilespmem:s19+$0x40]  }
0x4d: {  	v13 =	vld [tilespmem:s19+$0xFFFFFFD0]  }
0x4e: {  	v2 =	vld.idx.msk [tilespmem:v2+s6+$0x0], $0xffff  }
0x4f: {  	v3 =	vld.idx.msk [tilespmem:v3+s6+$0x0], $0xffff  }
0x50: {  	v14 =	vld [tilespmem:s19+$0x50]  }
0x51: {  	v15 =	vld [tilespmem:s19+$0xFFFFFFE0]  }
0x52: {  	s20 =	simm.s32 $0x18880;
	v16 =	vld [tilespmem:s19+$0xFFFFFF80]  }
0x53: {  	v21 =	vld [tilespmem:s20+$0xFFFFFF80]  }
0x54: {  	v4 =	vld.idx.msk [tilespmem:v4+s6+$0x0], $0xffff;
	v2 =	vadd.f32 v3, v2  }
0x55: {  	v5 =	vld.idx.msk [tilespmem:v5+s6+$0x0], $0xffff  }
0x56: {  	v6 =	vld.idx.msk [tilespmem:v6+s6+$0x0], $0xffff;
	v2 =	vmul.f32 v2, v1  }
0x57: {  	v7 =	vld.idx.msk [tilespmem:v7+s6+$0x0], $0xffff  }
0x58: {  	v8 =	vld.idx.msk [tilespmem:v8+s6+$0x0], $0xffff;
	v2 =	vadd.f32 v2, v0  }
0x59: {  	v9 =	vld.idx.msk [tilespmem:v9+s6+$0x0], $0xffff  }
0x5a: {  	v11 =	vld.idx.msk [tilespmem:v11+s6+$0x0], $0xffff;
	v2 =	vmul.f32 $1.442695020e+00, v2  }
0x5b: {  	v3 =	vld [tilespmem:s19+$0x60]  }
0x5c: {  	v5 =	vadd.f32 v6, v5;
	v6 =	vld.idx.msk [tilespmem:v12+s6+$0x0], $0xffff;
	(erf) = vpow2.f32 v2  }
0x5d: {  	v2 =	vld.idx.msk [tilespmem:v10+s6+$0x0], $0xffff  }
0x5e: {  	v10 =	vld.idx.msk [tilespmem:v16+s6+$0x0], $0xffff  }
0x5f: {  	v12 =	vld.idx.msk [tilespmem:v13+s6+$0x0], $0xffff;
	v7 =	vadd.f32 v8, v7  }
0x60: {  	v8 =	vld.idx.msk [tilespmem:v14+s6+$0x0], $0xffff;
	v5 =	vmul.f32 v5, v1  }
0x61: {  	v7 =	vmul.f32 v7, v1  }
0x62: {  	v13 =	vld.idx.msk [tilespmem:v15+s6+$0x0], $0xffff;
	v5 =	vadd.f32 v5, v0;
	v2 =	vadd.f32 v2, v9  }
0x63: {  	v7 =	vadd.f32 v7, v0;
	v3 =	vld.idx.msk [tilespmem:v3+s6+$0x0], $0xffff;
	v4 =	vadd.f32 v4, v10  }
0x64: {  	v18 =	vld [tilespmem:s20+$0x50];
	v6 =	vadd.f32 v6, v11;
	v5 =	vmul.f32 $1.442695020e+00, v5;
	v2 =	vmul.f32 v2, v1  }
0x65: {  	v20 =	vld [tilespmem:s20+$0xFFFFFFE0];
	v8 =	vadd.f32 v8, v12;
	v7 =	vmul.f32 $1.442695020e+00, v7;
	v4 =	vmul.f32 v4, v1;
	v9 =	vpop (erf)  }
0x66: {  	v21 =	vld.idx.msk [tilespmem:v21+s6+$0x0], $0xffff;
	v2 =	vadd.f32 v2, v0;
	(erf) = vpow2.f32 v5;
	v9 =	vadd.f32 $1.000000000e+00, v9  }
0x67: {  	v12 =	vld [tilespmem:s20+$0x70];
	v8 =	vmul.f32 v8, v1;
	v5 =	vmul.f32 v6, v1;
	v4 =	vadd.f32 v4, v0  }
0x68: {  	v11 =	vld [tilespmem:s20+$0xFFFFFFF0];
	v3 =	vadd.f32 v3, v13;
	v2 =	vmul.f32 $1.442695020e+00, v2;
	(erf) = vrcp.f32 v9  }
0x69: {  	v14 =	vld [tilespmem:s20+$0x40];
	v4 =	vmul.f32 $1.442695020e+00, v4;
	(erf) = vpow2.f32 v7  }
0x6a: {  	s12 =	simm.s32 $0x1C340;
	v16 =	vld [tilespmem:s20+$0xFFFFFFD0];
	v3 =	vmul.f32 v3, v1;
	v5 =	vadd.f32 v5, v0;
	(erf) = vpow2.f32 v2  }
0x6b: {  	v10 =	vld [tilespmem:s12+$0x30];
	v7 =	vadd.f32 v8, v0;
	(erf) = vpow2.f32 v4  }
0x6c: {  	v13 =	vld [tilespmem:s20+$0x10];
	v3 =	vadd.f32 v3, v0;
	v2 =	vmul.f32 $1.442695020e+00, v5  }
0x6d: {  	v6 =	vld [tilespmem:s20+$0x0];
	v4 =	vmul.f32 $1.442695020e+00, v7  }
0x6e: {  	v9 =	vld [tilespmem:s20+$0xFFFFFF90];
	(erf) = vpow2.f32 v2;
	v2 =	vmul.f32 $1.442695020e+00, v3  }
0x6f: {  	(erf) = vpow2.f32 v4;
	v4 =	vld.idx.msk [tilespmem:v12+s6+$0x0], $0xffff;
	v12 =	vpop (erf)  }
0x70: {  	v3 =	vld.idx.msk [tilespmem:v11+s6+$0x0], $0xffff;
	(erf) = vpow2.f32 v2;
	v12 =	vadd.f32 $1.000000000e+00, v12  }
0x71: {  	v5 =	vld [tilespmem:s20+$0x20];
	v15 =	vpop (erf)  }
0x72: {  	v16 =	vld.idx.msk [tilespmem:v16+s6+$0x0], $0xffff;
	v17 =	vpop (erf)  }
0x73: {  	v8 =	vld [tilespmem:s20+$0xFFFFFFA0];
	v17 =	vadd.f32 $1.000000000e+00, v17;
	v19 =	vpop (erf)  }
0x74: {  	v7 =	vld [tilespmem:s20+$0xFFFFFFB0];
	(erf) = vrcp.f32 v12;
	v12 =	vpop (erf)  }
0x75: {  	v11 =	vld [tilespmem:s20+$0xFFFFFFC0];
	v3 =	vadd.f32 v4, v3;
	v12 =	vadd.f32 $1.000000000e+00, v12  }
0x76: {  	v2 =	vld [tilespmem:s20+$0x30];
	v4 =	vadd.f32 $1.000000000e+00, v19  }
0x77: {  	v22 =	vld.idx.msk [tilespmem:v6+s6+$0x0], $0xffff;
	v3 =	vmul.f32 v3, v1;
	(erf) = vrcp.f32 v17;
	v17 =	vpop (erf)  }
0x78: {  	v9 =	vld.idx.msk [tilespmem:v9+s6+$0x0], $0xffff;
	(erf) = vrcp.f32 v4;
	v4 =	vadd.f32 $1.000000000e+00, v17;
	v17 =	vpop (erf)  }
0x79: {  	v3 =	vadd.f32 v3, v0;
	(erf) = vrcp.f32 v12;
	v6 =	vadd.f32 $1.000000000e+00, v17;
	v12 =	vpop (erf);
	v17 =	vld.idx.msk [tilespmem:v5+s6+$0x0], $0xffff  }
0x7a: {  	(erf) = vrcp.f32 v4;
	v4 =	vadd.f32 $1.000000000e+00, v12;
	v12 =	vld.idx.msk [tilespmem:v13+s6+$0x0], $0xffff  }
0x7b: {  	v3 =	vmul.f32 $1.442695020e+00, v3;
	v13 =	vld.idx.msk [tilespmem:v8+s6+$0x0], $0xffff;
	(erf) = vrcp.f32 v6  }
0x7c: {  	v23 =	vld.idx.msk [tilespmem:v7+s6+$0x0], $0xffff;
	(erf) = vrcp.f32 v4  }
0x7d: {  	v19 =	vld [tilespmem:s20+$0x60];
	(erf) = vpow2.f32 v3  }
0x7e: {  	v3 =	vld.idx.msk [tilespmem:v2+s6+$0x0], $0xffff  }
0x7f: {  	v5 =	vpop (erf);
	v2 =	vadd.f32 v12, v9;
	v9 =	vld.idx.msk [tilespmem:v11+s6+$0x0], $0xffff  }
0x80: {  	v6 =	vpop (erf);
	v11 =	vld.idx.msk [tilespmem:v14+s6+$0x0], $0xffff;
	v13 =	vadd.f32 v17, v13  }
0x81: {  	v4 =	vpop (erf);
	v17 =	vld.idx.msk [tilespmem:v18+s6+$0x0], $0xffff  }
0x82: {  	v8 =	vpop (erf);
	v12 =	vmul.f32 v2, v1;
	v13 =	vmul.f32 v13, v1  }
0x83: {  	v18 =	vld.idx.msk [tilespmem:v20+s6+$0x0], $0xffff;
	v20 =	vmul.f32 v15, v10;
	v10 =	vadd.f32 v22, v21;
	v14 =	vadd.f32 v3, v23;
	v7 =	vpop (erf)  }
0x84: {  	v12 =	vadd.f32 v12, v0;
	v2 =	vpop (erf)  }
0x85: {  	v19 =	vld.idx.msk [tilespmem:v19+s6+$0x0], $0xffff;
	v10 =	vmul.f32 v10, v1;
	v21 =	vadd.f32 v13, v0;
	v14 =	vmul.f32 v14, v1;
	v3 =	vpop (erf)  }
0x86: {  	v15 =	vld [tilespmem:s12+$0xFFFFFFC0];
	v9 =	vadd.f32 v11, v9;
	v16 =	vadd.f32 v17, v16;
	v12 =	vmul.f32 $1.442695020e+00, v12;
	v13 =	vpop (erf)  }
0x87: {  	v17 =	vadd.f32 v10, v0;
	v10 =	vld [tilespmem:s12+$0x10];
	v11 =	vadd.f32 $1.000000000e+00, v13  }
0x88: {  	v21 =	vmul.f32 $1.442695020e+00, v21;
	v22 =	vadd.f32 v14, v0;
	v14 =	vld [tilespmem:s12+$0xFFFFFFE0];
	(erf) = vpow2.f32 v12  }
0x89: {  	v9 =	vmul.f32 v9, v1;
	v13 =	vld [tilespmem:s12+$0xFFFFFFD0];
	(erf) = vrcp.f32 v11  }
0x8a: {  	v12 =	vld [tilespmem:s12+$0x0];
	v22 =	vmul.f32 $1.442695020e+00, v22;
	(erf) = vpow2.f32 v21  }
0x8b: {  	s10 =	smul.u32 $0x6, s8;
	v23 =	vadd.f32 v19, v18;
	v16 =	vmul.f32 v16, v1;
	v11 =	vld [tilespmem:s12+$0xFFFFFFF0];
	v21 =	vadd.f32 v9, v0  }
0x8c: {  	s14 =	simm.s32 $0x1E140;
	s15 =	simm.s32 $0x8;
	v17 =	vmul.f32 $1.442695020e+00, v17;
	v9 =	vld [tilespmem:s12+$0x20];
	s12 =	simm.s32 $0x1C3C0;
	(erf) = vpow2.f32 v22  }
0x8d: {  	s13 =	simm.s32 $0x1E140;
	s11 =	sadd.s32 s7, s10;
	s19 =	simm.s32 $0x18980;
	[tilespmem:s14+$0x30] =	vst v20;
	v20 =	vmul.f32 v23, v1;
	v19 =	vadd.f32 v16, v0;
	v16 =	vld [tilespmem:s12+$0x30];
	v18 =	vmul.f32 $1.442695020e+00, v21  }
.LBB2_3:
0x8e: {  	v21 =	vld [tilespmem:s19+$0xFFFFFFF0];
	(erf) = vpow2.f32 v17;
	v8 =	vmul.f32 v8, v15  }
0x8f: {  	s15 =	sadd.s32 $0x8, s15;
	v15 =	vld [tilespmem:s19+$0x70];
	v17 =	vmul.f32 $1.442695020e+00, v19;
	v20 =	vadd.f32 v20, v0;
	(erf) = vpow2.f32 v18  }
0x90: {  	v5 =	vmul.f32 v5, v13;
	v6 =	vmul.f32 v6, v14;
	p2 =	slt.u32 s15, $0x98;
	v18 =	vld [tilespmem:s19+$0x0];
	[tilespmem:s14+$0xFFFFFFC0] =	vst v8  }
0x91: {  	v8 =	vld [tilespmem:s19+$0xFFFFFF90];
	v13 =	vmul.f32 $1.442695020e+00, v20;
	v14 =	vpop (erf);
	(erf) = vpow2.f32 v17  }
0x92: {  	v20 =	vmul.f32 v4, v11;
	v17 =	vld [tilespmem:s19+$0x10];
	v14 =	vadd.f32 $1.000000000e+00, v14;
	v19 =	vpop (erf);
	[tilespmem:s14+$0xFFFFFFD0] =	vst v5;
	v5 =	vmul.f32 v7, v12  }
0x93: {  	v7 =	vld [tilespmem:s19+$0xFFFFFFA0];
	v11 =	vmul.f32 v19, v16;
	v12 =	vpop (erf);
	(erf) = vpow2.f32 v13;
	[tilespmem:s14+$0xFFFFFFE0] =	vst v6  }
0x94: {  	v2 =	vmul.f32 v2, v10;
	s14 =	sadd.s32 $0x80, s14;
	v13 =	vld [tilespmem:s19+$0x20];
	v12 =	vadd.f32 $1.000000000e+00, v12;
	(erf) = vrcp.f32 v14;
	[tilespmem:s13+$0xFFFFFFF0] =	vst v20  }
0x95: {  	v3 =	vmul.f32 v3, v9;
	v10 =	vld [tilespmem:s19+$0xFFFFFFB0];
	[tilespmem:s14+$0x30] =	vst v11;
	v4 =	vpop (erf)  }
0x96: {  	v9 =	vld.idx.msk [tilespmem:v21+s6+$0x0], $0xffff;
	v11 =	vadd.f32 $1.000000000e+00, v4;
	(erf) = vrcp.f32 v12;
	[tilespmem:s13+$0x0] =	vst v5  }
0x97: {  	v5 =	vld.idx.msk [tilespmem:v15+s6+$0x0], $0xffff;
	v6 =	vpop (erf);
	[tilespmem:s13+$0x10] =	vst v2  }
0x98: {  	v2 =	vld [tilespmem:s19+$0x30];
	v12 =	vadd.f32 $1.000000000e+00, v6;
	(erf) = vrcp.f32 v11;
	v4 =	vpop (erf);
	[tilespmem:s13+$0x20] =	vst v3;
	s13 =	smov.u32 s14  }
0x99: {  	v3 =	vld [tilespmem:s19+$0xFFFFFFC0];
	v15 =	vadd.f32 $1.000000000e+00, v4  }
0x9a: {  	v11 =	vld [tilespmem:s19+$0x40];
	(erf) = vrcp.f32 v12;
	v6 =	vpop (erf)  }
0x9b: {  	v12 =	vld [tilespmem:s19+$0xFFFFFFD0];
	v6 =	vadd.f32 $1.000000000e+00, v6;
	(erf) = vrcp.f32 v15  }
0x9c: {  	v14 =	vld [tilespmem:s19+$0x50];
	v4 =	vpop (erf)  }
0x9d: {  	v9 =	vadd.f32 v5, v9;
	v15 =	vld [tilespmem:s19+$0xFFFFFFE0];
	v4 =	vadd.f32 $1.000000000e+00, v4;
	v5 =	vpop (erf);
	(erf) = vrcp.f32 v6  }
0x9e: {  	v16 =	vld [tilespmem:s19+$0x60]  }
0x9f: {  	v9 =	vmul.f32 v9, v1;
	v19 =	vld [tilespmem:s19+$0xFFFFFF80];
	v6 =	vpop (erf);
	(erf) = vrcp.f32 v4  }
0xa0: {  	v18 =	vld.idx.msk [tilespmem:v18+s6+$0x0], $0xffff  }
0xa1: {  	v22 =	vadd.f32 v9, v0;
	v20 =	vld.idx.msk [tilespmem:v8+s6+$0x0], $0xffff;
	v4 =	vpop (erf)  }
0xa2: {  	v9 =	vld.idx.msk [tilespmem:v17+s6+$0x0], $0xffff  }
0xa3: {  	v21 =	vmul.f32 $1.442695020e+00, v22;
	v17 =	vld.idx.msk [tilespmem:v7+s6+$0x0], $0xffff;
	v8 =	vpop (erf)  }
0xa4: {  	v13 =	vld.idx.msk [tilespmem:v13+s6+$0x0], $0xffff;
	v7 =	vpop (erf)  }
0xa5: {  	v10 =	vld.idx.msk [tilespmem:v10+s6+$0x0], $0xffff;
	(erf) = vpow2.f32 v21  }
0xa6: {  	v21 =	vld.idx.msk [tilespmem:v2+s6+$0x0], $0xffff;
	v2 =	vpop (erf)  }
0xa7: {  	v19 =	vld.idx.msk [tilespmem:v19+s6+$0x0], $0xffff  }
0xa8: {  	v9 =	vadd.f32 v9, v20;
	v20 =	vld.idx.msk [tilespmem:v3+s6+$0x0], $0xffff;
	v3 =	vpop (erf)  }
0xa9: {  	v11 =	vld.idx.msk [tilespmem:v11+s6+$0x0], $0xffff  }
0xaa: {  	v9 =	vmul.f32 v9, v1;
	v13 =	vadd.f32 v13, v17;
	v12 =	vld.idx.msk [tilespmem:v12+s6+$0x0], $0xffff  }
0xab: {  	v17 =	vld.idx.msk [tilespmem:v14+s6+$0x0], $0xffff  }
0xac: {  	v9 =	vadd.f32 v9, v0;
	v22 =	vmul.f32 v13, v1;
	v10 =	vadd.f32 v21, v10;
	v21 =	vld.idx.msk [tilespmem:v15+s6+$0x0], $0xffff  }
0xad: {  	v14 =	vadd.f32 v18, v19;
	v16 =	vld.idx.msk [tilespmem:v16+s6+$0x0], $0xffff  }
0xae: {  	v9 =	vmul.f32 $1.442695020e+00, v9;
	v18 =	vadd.f32 v22, v0;
	v10 =	vmul.f32 v10, v1;
	v13 =	vpop (erf);
	v15 =	vld [tilespmem:s12+$0xFFFFFFC0]  }
0xaf: {  	v19 =	vmul.f32 v14, v1;
	v11 =	vadd.f32 v11, v20;
	v20 =	vadd.f32 $1.000000000e+00, v13;
	v13 =	vld [tilespmem:s12+$0xFFFFFFD0]  }
0xb0: {  	v18 =	vmul.f32 $1.442695020e+00, v18;
	v10 =	vadd.f32 v10, v0;
	(erf) = vpow2.f32 v9;
	v14 =	vld [tilespmem:s12+$0xFFFFFFE0]  }
.Ltmp2:
0xb1: {  	v9 =	vmul.f32 v11, v1;
	v17 =	vadd.f32 v17, v12;
	(erf) = vrcp.f32 v20;
	v11 =	vld [tilespmem:s12+$0xFFFFFFF0];
	(pc) =	sbr.rel @p2 .LBB2_3-.Ltmp2, $4  }
0xb2: {  	v19 =	vadd.f32 v19, v0;
	v20 =	vmul.f32 $1.442695020e+00, v10;
	(erf) = vpow2.f32 v18;
	v12 =	vld [tilespmem:s12+$0x0]  }
0xb3: {  	v18 =	vadd.f32 v9, v0;
	v22 =	vmul.f32 v17, v1;
	v16 =	vadd.f32 v16, v21;
	v10 =	vld [tilespmem:s12+$0x10]  }
0xb4: {  	v17 =	vmul.f32 $1.442695020e+00, v19;
	(erf) = vpow2.f32 v20;
	v9 =	vld [tilespmem:s12+$0x20];
	s12 =	sadd.s32 $0x80, s12  }
0xb5: {  	s19 =	sadd.s32 $0x100, s19;
	v18 =	vmul.f32 $1.442695020e+00, v18;
	v19 =	vadd.f32 v22, v0;
	v20 =	vmul.f32 v16, v1;
	v16 =	vld [tilespmem:s12+$0x30]  }
0xb6: {  	(erf) = vpow2.f32 v17;
	_ =	sdelay $0x1  }
0xb7: {  	v19 =	vmul.f32 $1.442695020e+00, v19  }
0xb8: {  	v17 =	vadd.f32 v20, v0;
	_ =	sdelay $0x1  }
0xb9: {  	(erf) = vpow2.f32 v18;
	v17 =	vmul.f32 $1.442695020e+00, v17;
	v18 =	vpop (erf)  }
0xba: {  	(erf) = vpow2.f32 v19;
	v19 =	vpop (erf)  }
0xbb: {  	(erf) = vpow2.f32 v17;
	v17 =	vadd.f32 $1.000000000e+00, v18;
	v18 =	vpop (erf)  }
0xbc: {  	v18 =	vadd.f32 $1.000000000e+00, v18;
	v20 =	vpop (erf)  }
0xbd: {  	(erf) = vrcp.f32 v17;
	v17 =	vadd.f32 $1.000000000e+00, v20;
	v20 =	vpop (erf)  }
0xbe: {  	(erf) = vrcp.f32 v18;
	v18 =	vadd.f32 $1.000000000e+00, v20  }
0xbf: {  	(erf) = vrcp.f32 v17  }
0xc0: {  	(erf) = vrcp.f32 v18;
	_ =	sdelay $0x1  }
0xc1: {  	v8 =	vmul.f32 v8, v15;
	v6 =	vmul.f32 v6, v14;
	v17 =	vpop (erf)  }
0xc2: {  	v5 =	vmul.f32 v5, v13;
	v4 =	vmul.f32 v4, v11;
	v15 =	vadd.f32 $1.000000000e+00, v17;
	v17 =	vpop (erf)  }
0xc3: {  	[tilespmem:s14+$0xFFFFFFC0] =	vst v8;
	v13 =	vadd.f32 $1.000000000e+00, v17;
	v17 =	vpop (erf)  }
0xc4: {  	v7 =	vmul.f32 v7, v12;
	[tilespmem:s14+$0xFFFFFFD0] =	vst v5;
	v5 =	vld [tilespmem:s12+$0xFFFFFFC0];
	(erf) = vrcp.f32 v15;
	v8 =	vadd.f32 $1.000000000e+00, v17  }
0xc5: {  	v12 =	vld [tilespmem:s12+$0xFFFFFFE0];
	[tilespmem:s14+$0xFFFFFFE0] =	vst v6;
	(erf) = vrcp.f32 v13;
	v6 =	vpop (erf)  }
0xc6: {  	[tilespmem:s13+$0xFFFFFFF0] =	vst v4;
	v11 =	vmul.f32 v19, v16;
	(erf) = vrcp.f32 v8;
	v8 =	vld [tilespmem:s12+$0xFFFFFFD0];
	v4 =	vpop (erf)  }
0xc7: {  	s20 =	sadd.s32 $0x80, s14;
	v2 =	vmul.f32 v2, v10;
	[tilespmem:s13+$0x0] =	vst v7;
	v10 =	vpop (erf)  }
0xc8: {  	[tilespmem:s20+$0x30] =	vst v11;
	v11 =	vld [tilespmem:s12+$0xFFFFFFF0];
	v7 =	vpop (erf)  }
0xc9: {  	v3 =	vmul.f32 v3, v9;
	v9 =	vld [tilespmem:s12+$0x0];
	v5 =	vmul.f32 v7, v5  }
0xca: {  	[tilespmem:s13+$0x10] =	vst v2;
	v2 =	vld [tilespmem:s12+$0x10]  }
0xcb: {  	[tilespmem:s13+$0x20] =	vst v3;
	v3 =	vld [tilespmem:s12+$0x20];
	v4 =	vmul.f32 v4, v12;
	v6 =	vmul.f32 v6, v8  }
0xcc: {  	[tilespmem:s20+$0xFFFFFFC0] =	vst v5  }
0xcd: {  	[tilespmem:s20+$0xFFFFFFD0] =	vst v6;
	v6 =	vmul.f32 v10, v11;
	v5 =	vpop (erf)  }
0xce: {  	[tilespmem:s20+$0xFFFFFFE0] =	vst v4;
	v7 =	vpop (erf);
	v5 =	vmul.f32 v5, v9  }
0xcf: {  	[tilespmem:s20+$0xFFFFFFF0] =	vst v6;
	v4 =	vpop (erf);
	v2 =	vmul.f32 v7, v2  }
0xd0: {  	s15 =	smul.u32 $0x140, s11;
	v3 =	vmul.f32 v4, v3;
	[tilespmem:s20+$0x0] =	vst v5  }
0xd1: {  	s18 =	sadd.s32 $0x3, s11;
	[tilespmem:s20+$0x10] =	vst v2  }
0xd2: {  	s19 =	smul.u32 $0x280, s18;
	s12 =	sadd.s32 s5, s15;
	[tilespmem:s20+$0x20] =	vst v3  }
0xd3: {  	[hbm4b:s12+s6] =	stream.linear.scatter [tilespmem:s30], [sflag:$0x4], $0xA00, $0x38;
	[tilespmem:$0x1F600] =	vst v63  }
0xd4: {  	s13 =	smul.u32 $0x140, s18;
	s20 =	sadd.s32 s3, s19  }
0xd5: {  	[tilespmem:s22], [sflag:$0x1] =	stream.linear.gather [hbm4b:s20+s6], $0x1400, $0x38;
	[tilespmem:$0x1F600] =	vst v63  }
0xd6: {  	s14 =	sadd.s32 s1, s13  }
0xd7: {  	[tilespmem:s23], [sflag:$0x1] =	stream.linear.gather [hbm4b:s14+s6], $0xA00, $0x38;
	[tilespmem:$0x1F600] =	vst v63  }
0xd8: {  	_ =	swait.ge [sflag:s31], $0x1400  }
0xd9: {  	[sflag:s31] =	ssyncset.done $0x0  }
0xda: {  	[sflag:s31] =	ssyncadd.s32 $0xFFFFEC00  }
0xdb: {  	_ =	swait.ge [sflag:s31], $0xA00  }
0xdc: {  	[sflag:s31] =	ssyncset.done $0x0  }
0xdd: {  	s12 =	simm.s32 @!p1 $0x5;
	[sflag:s31] =	ssyncadd.s32 $0xFFFFF600  }
0xde: {  	_ =	swait.ge @!p1 [sflag:s12], $0xA00  }
0xdf: {  	[sflag:s12] =	ssyncset.done @!p1 $0x0  }
0xe0: {  	s15 =	simm.s32 $0x19B80;
	[sflag:s12] =	ssyncadd.s32 @!p1 $0xFFFFF600  }
0xe1: {  	v2 =	vld [tilespmem:s15+$0xFFFFFFF0]  }
0xe2: {  	v3 =	vld [tilespmem:s15+$0x70]  }
0xe3: {  	v4 =	vld [tilespmem:s15+$0x0]  }
0xe4: {  	v5 =	vld [tilespmem:s15+$0xFFFFFF90]  }
0xe5: {  	v6 =	vld [tilespmem:s15+$0x10]  }
0xe6: {  	v7 =	vld [tilespmem:s15+$0xFFFFFFA0]  }
0xe7: {  	v8 =	vld [tilespmem:s15+$0x20]  }
0xe8: {  	v9 =	vld [tilespmem:s15+$0xFFFFFFB0]  }
0xe9: {  	v10 =	vld [tilespmem:s15+$0x30]  }
0xea: {  	v11 =	vld [tilespmem:s15+$0xFFFFFFC0]  }
0xeb: {  	v12 =	vld [tilespmem:s15+$0x40]  }
0xec: {  	v13 =	vld [tilespmem:s15+$0xFFFFFFD0]  }
0xed: {  	v2 =	vld.idx.msk [tilespmem:v2+s6+$0x0], $0xffff  }
0xee: {  	v3 =	vld.idx.msk [tilespmem:v3+s6+$0x0], $0xffff  }
0xef: {  	v14 =	vld [tilespmem:s15+$0x50]  }
0xf0: {  	v15 =	vld [tilespmem:s15+$0xFFFFFFE0]  }
0xf1: {  	s20 =	simm.s32 $0x19C80;
	v16 =	vld [tilespmem:s15+$0xFFFFFF80]  }
0xf2: {  	v21 =	vld [tilespmem:s20+$0xFFFFFF80]  }
0xf3: {  	v4 =	vld.idx.msk [tilespmem:v4+s6+$0x0], $0xffff;
	v2 =	vadd.f32 v3, v2  }
0xf4: {  	v5 =	vld.idx.msk [tilespmem:v5+s6+$0x0], $0xffff  }
0xf5: {  	v6 =	vld.idx.msk [tilespmem:v6+s6+$0x0], $0xffff;
	v2 =	vmul.f32 v2, v1  }
0xf6: {  	v7 =	vld.idx.msk [tilespmem:v7+s6+$0x0], $0xffff  }
0xf7: {  	v8 =	vld.idx.msk [tilespmem:v8+s6+$0x0], $0xffff;
	v2 =	vadd.f32 v2, v0  }
0xf8: {  	v9 =	vld.idx.msk [tilespmem:v9+s6+$0x0], $0xffff  }
0xf9: {  	v11 =	vld.idx.msk [tilespmem:v11+s6+$0x0], $0xffff;
	v2 =	vmul.f32 $1.442695020e+00, v2  }
0xfa: {  	v3 =	vld [tilespmem:s15+$0x60]  }
0xfb: {  	v5 =	vadd.f32 v6, v5;
	v6 =	vld.idx.msk [tilespmem:v12+s6+$0x0], $0xffff;
	(erf) = vpow2.f32 v2  }
0xfc: {  	v2 =	vld.idx.msk [tilespmem:v10+s6+$0x0], $0xffff  }
0xfd: {  	v10 =	vld.idx.msk [tilespmem:v16+s6+$0x0], $0xffff  }
0xfe: {  	v12 =	vld.idx.msk [tilespmem:v13+s6+$0x0], $0xffff;
	v7 =	vadd.f32 v8, v7  }
0xff: {  	v8 =	vld.idx.msk [tilespmem:v14+s6+$0x0], $0xffff;
	v5 =	vmul.f32 v5, v1  }
0x100: {  	v7 =	vmul.f32 v7, v1  }
0x101: {  	v13 =	vld.idx.msk [tilespmem:v15+s6+$0x0], $0xffff;
	v5 =	vadd.f32 v5, v0;
	v2 =	vadd.f32 v2, v9  }
0x102: {  	v7 =	vadd.f32 v7, v0;
	v3 =	vld.idx.msk [tilespmem:v3+s6+$0x0], $0xffff;
	v4 =	vadd.f32 v4, v10  }
0x103: {  	v18 =	vld [tilespmem:s20+$0x50];
	v6 =	vadd.f32 v6, v11;
	v5 =	vmul.f32 $1.442695020e+00, v5;
	v2 =	vmul.f32 v2, v1  }
0x104: {  	v20 =	vld [tilespmem:s20+$0xFFFFFFE0];
	v8 =	vadd.f32 v8, v12;
	v7 =	vmul.f32 $1.442695020e+00, v7;
	v4 =	vmul.f32 v4, v1;
	v9 =	vpop (erf)  }
0x105: {  	v21 =	vld.idx.msk [tilespmem:v21+s6+$0x0], $0xffff;
	(erf) = vpow2.f32 v5;
	v2 =	vadd.f32 v2, v0;
	v9 =	vadd.f32 $1.000000000e+00, v9  }
0x106: {  	v12 =	vld [tilespmem:s20+$0x70];
	v8 =	vmul.f32 v8, v1;
	v5 =	vmul.f32 v6, v1;
	v4 =	vadd.f32 v4, v0  }
0x107: {  	v11 =	vld [tilespmem:s20+$0xFFFFFFF0];
	v3 =	vadd.f32 v3, v13;
	v2 =	vmul.f32 $1.442695020e+00, v2;
	(erf) = vrcp.f32 v9  }
0x108: {  	v14 =	vld [tilespmem:s20+$0x40];
	v4 =	vmul.f32 $1.442695020e+00, v4;
	(erf) = vpow2.f32 v7  }
0x109: {  	v16 =	vld [tilespmem:s20+$0xFFFFFFD0];
	v5 =	vadd.f32 v5, v0;
	v3 =	vmul.f32 v3, v1;
	(erf) = vpow2.f32 v2  }
0x10a: {  	s18 =	simm.s32 $0x1CD40;
	v6 =	vld [tilespmem:s20+$0x0];
	v7 =	vadd.f32 v8, v0;
	(erf) = vpow2.f32 v4  }
0x10b: {  	v10 =	vld [tilespmem:s18+$0x30];
	v3 =	vadd.f32 v3, v0;
	v2 =	vmul.f32 $1.442695020e+00, v5  }
0x10c: {  	v13 =	vld [tilespmem:s20+$0x10];
	v4 =	vmul.f32 $1.442695020e+00, v7  }
0x10d: {  	v9 =	vld [tilespmem:s20+$0xFFFFFF90];
	(erf) = vpow2.f32 v2;
	v2 =	vmul.f32 $1.442695020e+00, v3  }
0x10e: {  	(erf) = vpow2.f32 v4;
	v4 =	vld.idx.msk [tilespmem:v12+s6+$0x0], $0xffff;
	v12 =	vpop (erf)  }
0x10f: {  	v3 =	vld.idx.msk [tilespmem:v11+s6+$0x0], $0xffff;
	(erf) = vpow2.f32 v2;
	v12 =	vadd.f32 $1.000000000e+00, v12  }
0x110: {  	v5 =	vld [tilespmem:s20+$0x20];
	v15 =	vpop (erf)  }
0x111: {  	v16 =	vld.idx.msk [tilespmem:v16+s6+$0x0], $0xffff;
	v17 =	vpop (erf)  }
0x112: {  	v8 =	vld [tilespmem:s20+$0xFFFFFFA0];
	v17 =	vadd.f32 $1.000000000e+00, v17;
	v19 =	vpop (erf)  }
0x113: {  	v7 =	vld [tilespmem:s20+$0xFFFFFFB0];
	(erf) = vrcp.f32 v12;
	v12 =	vpop (erf)  }
0x114: {  	v22 =	vld.idx.msk [tilespmem:v6+s6+$0x0], $0xffff;
	v3 =	vadd.f32 v4, v3;
	v12 =	vadd.f32 $1.000000000e+00, v12  }
0x115: {  	v2 =	vld [tilespmem:s20+$0x30];
	v4 =	vadd.f32 $1.000000000e+00, v19  }
0x116: {  	v11 =	vld [tilespmem:s20+$0xFFFFFFC0];
	v3 =	vmul.f32 v3, v1;
	(erf) = vrcp.f32 v17;
	v17 =	vpop (erf)  }
0x117: {  	v9 =	vld.idx.msk [tilespmem:v9+s6+$0x0], $0xffff;
	(erf) = vrcp.f32 v4;
	v4 =	vadd.f32 $1.000000000e+00, v17;
	v17 =	vpop (erf)  }
0x118: {  	v3 =	vadd.f32 v3, v0;
	(erf) = vrcp.f32 v12;
	v6 =	vadd.f32 $1.000000000e+00, v17;
	v12 =	vpop (erf);
	v17 =	vld.idx.msk [tilespmem:v5+s6+$0x0], $0xffff  }
0x119: {  	(erf) = vrcp.f32 v4;
	v4 =	vadd.f32 $1.000000000e+00, v12;
	v12 =	vld.idx.msk [tilespmem:v13+s6+$0x0], $0xffff  }
0x11a: {  	v3 =	vmul.f32 $1.442695020e+00, v3;
	v13 =	vld.idx.msk [tilespmem:v8+s6+$0x0], $0xffff;
	(erf) = vrcp.f32 v6  }
0x11b: {  	v23 =	vld.idx.msk [tilespmem:v7+s6+$0x0], $0xffff;
	(erf) = vrcp.f32 v4  }
0x11c: {  	v19 =	vld [tilespmem:s20+$0x60];
	(erf) = vpow2.f32 v3  }
0x11d: {  	v3 =	vld.idx.msk [tilespmem:v2+s6+$0x0], $0xffff  }
0x11e: {  	v5 =	vpop (erf);
	v2 =	vadd.f32 v12, v9;
	v9 =	vld.idx.msk [tilespmem:v11+s6+$0x0], $0xffff  }
0x11f: {  	v6 =	vpop (erf);
	v11 =	vld.idx.msk [tilespmem:v14+s6+$0x0], $0xffff;
	v13 =	vadd.f32 v17, v13  }
0x120: {  	v4 =	vpop (erf);
	v17 =	vld.idx.msk [tilespmem:v18+s6+$0x0], $0xffff  }
0x121: {  	v8 =	vpop (erf);
	v12 =	vmul.f32 v2, v1;
	v13 =	vmul.f32 v13, v1  }
0x122: {  	v18 =	vld.idx.msk [tilespmem:v20+s6+$0x0], $0xffff;
	v20 =	vmul.f32 v15, v10;
	v10 =	vadd.f32 v22, v21;
	v14 =	vadd.f32 v3, v23;
	v7 =	vpop (erf)  }
0x123: {  	v12 =	vadd.f32 v12, v0;
	v2 =	vpop (erf)  }
0x124: {  	v19 =	vld.idx.msk [tilespmem:v19+s6+$0x0], $0xffff;
	v10 =	vmul.f32 v10, v1;
	v21 =	vadd.f32 v13, v0;
	v14 =	vmul.f32 v14, v1;
	v3 =	vpop (erf)  }
0x125: {  	v15 =	vld [tilespmem:s18+$0xFFFFFFC0];
	v9 =	vadd.f32 v11, v9;
	v16 =	vadd.f32 v17, v16;
	v12 =	vmul.f32 $1.442695020e+00, v12;
	v13 =	vpop (erf)  }
0x126: {  	v17 =	vadd.f32 v10, v0;
	v10 =	vld [tilespmem:s18+$0x10];
	v21 =	vmul.f32 $1.442695020e+00, v21;
	v11 =	vadd.f32 $1.000000000e+00, v13  }
0x127: {  	v22 =	vadd.f32 v14, v0;
	v14 =	vld [tilespmem:s18+$0xFFFFFFE0];
	v9 =	vmul.f32 v9, v1;
	(erf) = vpow2.f32 v12  }
0x128: {  	v16 =	vmul.f32 v16, v1;
	v13 =	vld [tilespmem:s18+$0xFFFFFFD0];
	(erf) = vrcp.f32 v11  }
0x129: {  	s14 =	simm.s32 $0x1CDC0;
	v23 =	vadd.f32 v19, v18;
	v12 =	vld [tilespmem:s18+$0x0];
	v22 =	vmul.f32 $1.442695020e+00, v22;
	(erf) = vpow2.f32 v21  }
0x12a: {  	v19 =	vadd.f32 v16, v0;
	v16 =	vld [tilespmem:s14+$0x30];
	v21 =	vadd.f32 v9, v0  }
0x12b: {  	s19 =	simm.s32 $0x1EB40;
	s12 =	sadd.s32 s10, s16;
	v17 =	vmul.f32 $1.442695020e+00, v17;
	v11 =	vld [tilespmem:s18+$0xFFFFFFF0];
	(erf) = vpow2.f32 v22  }
0x12c: {  	s15 =	simm.s32 $0x1EB40;
	s20 =	simm.s32 $0x8;
	[tilespmem:s19+$0x30] =	vst v20;
	v20 =	vmul.f32 v23, v1;
	v9 =	vld [tilespmem:s18+$0x20];
	s18 =	simm.s32 $0x19D80;
	v18 =	vmul.f32 $1.442695020e+00, v21  }
.LBB2_5:
0x12d: {  	v21 =	vld [tilespmem:s18+$0xFFFFFFF0];
	(erf) = vpow2.f32 v17;
	v8 =	vmul.f32 v8, v15  }
0x12e: {  	s20 =	sadd.s32 $0x8, s20;
	v15 =	vld [tilespmem:s18+$0x70];
	v17 =	vmul.f32 $1.442695020e+00, v19;
	v20 =	vadd.f32 v20, v0;
	(erf) = vpow2.f32 v18  }
0x12f: {  	v5 =	vmul.f32 v5, v13;
	v6 =	vmul.f32 v6, v14;
	p1 =	slt.u32 s20, $0x98;
	v18 =	vld [tilespmem:s18+$0x0];
	[tilespmem:s19+$0xFFFFFFC0] =	vst v8  }
0x130: {  	v8 =	vld [tilespmem:s18+$0xFFFFFF90];
	v13 =	vmul.f32 $1.442695020e+00, v20;
	v14 =	vpop (erf);
	(erf) = vpow2.f32 v17  }
0x131: {  	v20 =	vmul.f32 v4, v11;
	v17 =	vld [tilespmem:s18+$0x10];
	v14 =	vadd.f32 $1.000000000e+00, v14;
	v19 =	vpop (erf);
	[tilespmem:s19+$0xFFFFFFD0] =	vst v5;
	v5 =	vmul.f32 v7, v12  }
0x132: {  	v7 =	vld [tilespmem:s18+$0xFFFFFFA0];
	v11 =	vmul.f32 v19, v16;
	v12 =	vpop (erf);
	(erf) = vpow2.f32 v13;
	[tilespmem:s19+$0xFFFFFFE0] =	vst v6  }
0x133: {  	v2 =	vmul.f32 v2, v10;
	s19 =	sadd.s32 $0x80, s19;
	v13 =	vld [tilespmem:s18+$0x20];
	v12 =	vadd.f32 $1.000000000e+00, v12;
	(erf) = vrcp.f32 v14;
	[tilespmem:s15+$0xFFFFFFF0] =	vst v20  }
0x134: {  	v3 =	vmul.f32 v3, v9;
	v10 =	vld [tilespmem:s18+$0xFFFFFFB0];
	[tilespmem:s19+$0x30] =	vst v11;
	v4 =	vpop (erf)  }
0x135: {  	v9 =	vld.idx.msk [tilespmem:v21+s6+$0x0], $0xffff;
	v11 =	vadd.f32 $1.000000000e+00, v4;
	(erf) = vrcp.f32 v12;
	[tilespmem:s15+$0x0] =	vst v5  }
0x136: {  	v5 =	vld.idx.msk [tilespmem:v15+s6+$0x0], $0xffff;
	v6 =	vpop (erf);
	[tilespmem:s15+$0x10] =	vst v2  }
0x137: {  	v2 =	vld [tilespmem:s18+$0x30];
	v12 =	vadd.f32 $1.000000000e+00, v6;
	(erf) = vrcp.f32 v11;
	v4 =	vpop (erf);
	[tilespmem:s15+$0x20] =	vst v3;
	s15 =	smov.u32 s19  }
0x138: {  	v3 =	vld [tilespmem:s18+$0xFFFFFFC0];
	v15 =	vadd.f32 $1.000000000e+00, v4  }
0x139: {  	v11 =	vld [tilespmem:s18+$0x40];
	(erf) = vrcp.f32 v12;
	v6 =	vpop (erf)  }
0x13a: {  	v12 =	vld [tilespmem:s18+$0xFFFFFFD0];
	v6 =	vadd.f32 $1.000000000e+00, v6;
	(erf) = vrcp.f32 v15  }
0x13b: {  	v14 =	vld [tilespmem:s18+$0x50];
	v4 =	vpop (erf)  }
0x13c: {  	v9 =	vadd.f32 v5, v9;
	v15 =	vld [tilespmem:s18+$0xFFFFFFE0];
	v4 =	vadd.f32 $1.000000000e+00, v4;
	v5 =	vpop (erf);
	(erf) = vrcp.f32 v6  }
0x13d: {  	v16 =	vld [tilespmem:s18+$0x60]  }
0x13e: {  	v9 =	vmul.f32 v9, v1;
	v19 =	vld [tilespmem:s18+$0xFFFFFF80];
	v6 =	vpop (erf);
	(erf) = vrcp.f32 v4  }
0x13f: {  	v18 =	vld.idx.msk [tilespmem:v18+s6+$0x0], $0xffff  }
0x140: {  	v22 =	vadd.f32 v9, v0;
	v20 =	vld.idx.msk [tilespmem:v8+s6+$0x0], $0xffff;
	v4 =	vpop (erf)  }
0x141: {  	v9 =	vld.idx.msk [tilespmem:v17+s6+$0x0], $0xffff  }
0x142: {  	v21 =	vmul.f32 $1.442695020e+00, v22;
	v17 =	vld.idx.msk [tilespmem:v7+s6+$0x0], $0xffff;
	v8 =	vpop (erf)  }
0x143: {  	v13 =	vld.idx.msk [tilespmem:v13+s6+$0x0], $0xffff;
	v7 =	vpop (erf)  }
0x144: {  	v10 =	vld.idx.msk [tilespmem:v10+s6+$0x0], $0xffff;
	(erf) = vpow2.f32 v21  }
0x145: {  	v21 =	vld.idx.msk [tilespmem:v2+s6+$0x0], $0xffff;
	v2 =	vpop (erf)  }
0x146: {  	v19 =	vld.idx.msk [tilespmem:v19+s6+$0x0], $0xffff  }
0x147: {  	v9 =	vadd.f32 v9, v20;
	v20 =	vld.idx.msk [tilespmem:v3+s6+$0x0], $0xffff;
	v3 =	vpop (erf)  }
0x148: {  	v11 =	vld.idx.msk [tilespmem:v11+s6+$0x0], $0xffff  }
0x149: {  	v9 =	vmul.f32 v9, v1;
	v13 =	vadd.f32 v13, v17;
	v12 =	vld.idx.msk [tilespmem:v12+s6+$0x0], $0xffff  }
0x14a: {  	v17 =	vld.idx.msk [tilespmem:v14+s6+$0x0], $0xffff  }
0x14b: {  	v9 =	vadd.f32 v9, v0;
	v22 =	vmul.f32 v13, v1;
	v10 =	vadd.f32 v21, v10;
	v21 =	vld.idx.msk [tilespmem:v15+s6+$0x0], $0xffff  }
0x14c: {  	v14 =	vadd.f32 v18, v19;
	v16 =	vld.idx.msk [tilespmem:v16+s6+$0x0], $0xffff  }
0x14d: {  	v9 =	vmul.f32 $1.442695020e+00, v9;
	v18 =	vadd.f32 v22, v0;
	v10 =	vmul.f32 v10, v1;
	v13 =	vpop (erf);
	v15 =	vld [tilespmem:s14+$0xFFFFFFC0]  }
0x14e: {  	v19 =	vmul.f32 v14, v1;
	v11 =	vadd.f32 v11, v20;
	v20 =	vadd.f32 $1.000000000e+00, v13;
	v13 =	vld [tilespmem:s14+$0xFFFFFFD0]  }
0x14f: {  	v18 =	vmul.f32 $1.442695020e+00, v18;
	v10 =	vadd.f32 v10, v0;
	(erf) = vpow2.f32 v9;
	v14 =	vld [tilespmem:s14+$0xFFFFFFE0]  }
.Ltmp3:
0x150: {  	v9 =	vmul.f32 v11, v1;
	v17 =	vadd.f32 v17, v12;
	(erf) = vrcp.f32 v20;
	v11 =	vld [tilespmem:s14+$0xFFFFFFF0];
	(pc) =	sbr.rel @p1 .LBB2_5-.Ltmp3, $4  }
0x151: {  	v19 =	vadd.f32 v19, v0;
	v20 =	vmul.f32 $1.442695020e+00, v10;
	(erf) = vpow2.f32 v18;
	v12 =	vld [tilespmem:s14+$0x0]  }
0x152: {  	v18 =	vadd.f32 v9, v0;
	v22 =	vmul.f32 v17, v1;
	v16 =	vadd.f32 v16, v21;
	v10 =	vld [tilespmem:s14+$0x10]  }
0x153: {  	v17 =	vmul.f32 $1.442695020e+00, v19;
	(erf) = vpow2.f32 v20;
	v9 =	vld [tilespmem:s14+$0x20];
	s14 =	sadd.s32 $0x80, s14  }
0x154: {  	s18 =	sadd.s32 $0x100, s18;
	v18 =	vmul.f32 $1.442695020e+00, v18;
	v19 =	vadd.f32 v22, v0;
	v20 =	vmul.f32 v16, v1;
	v16 =	vld [tilespmem:s14+$0x30]  }
0x155: {  	(erf) = vpow2.f32 v17;
	_ =	sdelay $0x1  }
0x156: {  	v19 =	vmul.f32 $1.442695020e+00, v19  }
0x157: {  	v17 =	vadd.f32 v20, v0;
	_ =	sdelay $0x1  }
0x158: {  	(erf) = vpow2.f32 v18;
	v17 =	vmul.f32 $1.442695020e+00, v17;
	v18 =	vpop (erf)  }
0x159: {  	(erf) = vpow2.f32 v19;
	v19 =	vpop (erf)  }
0x15a: {  	(erf) = vpow2.f32 v17;
	v17 =	vadd.f32 $1.000000000e+00, v18;
	v18 =	vpop (erf)  }
0x15b: {  	v18 =	vadd.f32 $1.000000000e+00, v18;
	v20 =	vpop (erf)  }
0x15c: {  	(erf) = vrcp.f32 v17;
	v17 =	vadd.f32 $1.000000000e+00, v20;
	v20 =	vpop (erf)  }
0x15d: {  	(erf) = vrcp.f32 v18;
	v18 =	vadd.f32 $1.000000000e+00, v20  }
0x15e: {  	(erf) = vrcp.f32 v17  }
0x15f: {  	(erf) = vrcp.f32 v18;
	_ =	sdelay $0x1  }
0x160: {  	v8 =	vmul.f32 v8, v15;
	v6 =	vmul.f32 v6, v14;
	v17 =	vpop (erf)  }
0x161: {  	v5 =	vmul.f32 v5, v13;
	v4 =	vmul.f32 v4, v11;
	v15 =	vadd.f32 $1.000000000e+00, v17;
	v17 =	vpop (erf)  }
0x162: {  	[tilespmem:s19+$0xFFFFFFC0] =	vst v8;
	v13 =	vadd.f32 $1.000000000e+00, v17;
	v17 =	vpop (erf)  }
0x163: {  	v7 =	vmul.f32 v7, v12;
	[tilespmem:s19+$0xFFFFFFD0] =	vst v5;
	v5 =	vld [tilespmem:s14+$0xFFFFFFC0];
	(erf) = vrcp.f32 v15;
	v8 =	vadd.f32 $1.000000000e+00, v17  }
0x164: {  	v12 =	vld [tilespmem:s14+$0xFFFFFFE0];
	[tilespmem:s19+$0xFFFFFFE0] =	vst v6;
	(erf) = vrcp.f32 v13;
	v6 =	vpop (erf)  }
0x165: {  	[tilespmem:s15+$0xFFFFFFF0] =	vst v4;
	v11 =	vmul.f32 v19, v16;
	(erf) = vrcp.f32 v8;
	v8 =	vld [tilespmem:s14+$0xFFFFFFD0];
	v4 =	vpop (erf)  }
0x166: {  	s18 =	sadd.s32 $0x80, s19;
	v2 =	vmul.f32 v2, v10;
	[tilespmem:s15+$0x0] =	vst v7;
	v10 =	vpop (erf)  }
0x167: {  	[tilespmem:s18+$0x30] =	vst v11;
	v11 =	vld [tilespmem:s14+$0xFFFFFFF0];
	v7 =	vpop (erf)  }
0x168: {  	v3 =	vmul.f32 v3, v9;
	v9 =	vld [tilespmem:s14+$0x0];
	v5 =	vmul.f32 v7, v5  }
0x169: {  	[tilespmem:s15+$0x10] =	vst v2;
	v2 =	vld [tilespmem:s14+$0x10]  }
0x16a: {  	[tilespmem:s15+$0x20] =	vst v3;
	v3 =	vld [tilespmem:s14+$0x20];
	v4 =	vmul.f32 v4, v12;
	v6 =	vmul.f32 v6, v8  }
0x16b: {  	[tilespmem:s18+$0xFFFFFFC0] =	vst v5  }
0x16c: {  	[tilespmem:s18+$0xFFFFFFD0] =	vst v6;
	v6 =	vmul.f32 v10, v11;
	v5 =	vpop (erf)  }
0x16d: {  	[tilespmem:s18+$0xFFFFFFE0] =	vst v4;
	v7 =	vpop (erf);
	v5 =	vmul.f32 v5, v9  }
0x16e: {  	[tilespmem:s18+$0xFFFFFFF0] =	vst v6;
	v4 =	vpop (erf);
	v2 =	vmul.f32 v7, v2  }
0x16f: {  	s12 =	smul.u32 $0x140, s12;
	v3 =	vmul.f32 v4, v3;
	[tilespmem:s18+$0x0] =	vst v5  }
0x170: {  	s19 =	sadd.s32 $0x4, s11;
	[tilespmem:s18+$0x10] =	vst v2  }
0x171: {  	s12 =	sadd.s32 s5, s12;
	s20 =	smul.u32 $0x280, s19;
	[tilespmem:s18+$0x20] =	vst v3  }
0x172: {  	[hbm4b:s12+s6] =	stream.linear.scatter [tilespmem:s4], [sflag:$0x5], $0xA00, $0x38;
	[tilespmem:$0x1F600] =	vst v63  }
0x173: {  	s15 =	sadd.s32 s3, s20;
	s12 =	smul.u32 $0x140, s19  }
0x174: {  	[tilespmem:s24], [sflag:$0x2] =	stream.linear.gather [hbm4b:s15+s6], $0x1400, $0x38;
	[tilespmem:$0x1F600] =	vst v63  }
0x175: {  	s14 =	sadd.s32 s1, s12  }
0x176: {  	[tilespmem:s25], [sflag:$0x2] =	stream.linear.gather [hbm4b:s14+s6], $0xA00, $0x38;
	[tilespmem:$0x1F600] =	vst v63  }
0x177: {  	_ =	swait.ge [sflag:s0], $0x1400  }
0x178: {  	[sflag:s0] =	ssyncset.done $0x0  }
0x179: {  	[sflag:s0] =	ssyncadd.s32 $0xFFFFEC00  }
0x17a: {  	_ =	swait.ge [sflag:s0], $0xA00  }
0x17b: {  	[sflag:s0] =	ssyncset.done $0x0  }
0x17c: {  	[sflag:s0] =	ssyncadd.s32 $0xFFFFF600  }
0x17d: {  	_ =	swait.ge [sflag:s2], $0xA00  }
0x17e: {  	[sflag:s2] =	ssyncset.done $0x0  }
0x17f: {  	s15 =	simm.s32 $0x1AF80;
	[sflag:s2] =	ssyncadd.s32 $0xFFFFF600  }
0x180: {  	v2 =	vld [tilespmem:s15+$0xFFFFFFF0]  }
0x181: {  	v3 =	vld [tilespmem:s15+$0x70]  }
0x182: {  	v4 =	vld [tilespmem:s15+$0x0]  }
0x183: {  	v5 =	vld [tilespmem:s15+$0xFFFFFF90]  }
0x184: {  	v6 =	vld [tilespmem:s15+$0x10]  }
0x185: {  	v7 =	vld [tilespmem:s15+$0xFFFFFFA0]  }
0x186: {  	v8 =	vld [tilespmem:s15+$0x20]  }
0x187: {  	v9 =	vld [tilespmem:s15+$0xFFFFFFB0]  }
0x188: {  	v10 =	vld [tilespmem:s15+$0x30]  }
0x189: {  	v11 =	vld [tilespmem:s15+$0xFFFFFFC0]  }
0x18a: {  	v12 =	vld [tilespmem:s15+$0x40]  }
0x18b: {  	v13 =	vld [tilespmem:s15+$0xFFFFFFD0]  }
0x18c: {  	v2 =	vld.idx.msk [tilespmem:v2+s6+$0x0], $0xffff  }
0x18d: {  	v3 =	vld.idx.msk [tilespmem:v3+s6+$0x0], $0xffff  }
0x18e: {  	v14 =	vld [tilespmem:s15+$0x50]  }
0x18f: {  	v15 =	vld [tilespmem:s15+$0xFFFFFFE0]  }
0x190: {  	s20 =	simm.s32 $0x1B080;
	v16 =	vld [tilespmem:s15+$0xFFFFFF80]  }
0x191: {  	v21 =	vld [tilespmem:s20+$0xFFFFFF80]  }
0x192: {  	v4 =	vld.idx.msk [tilespmem:v4+s6+$0x0], $0xffff;
	v2 =	vadd.f32 v3, v2  }
0x193: {  	v5 =	vld.idx.msk [tilespmem:v5+s6+$0x0], $0xffff  }
0x194: {  	v6 =	vld.idx.msk [tilespmem:v6+s6+$0x0], $0xffff;
	v2 =	vmul.f32 v2, v1  }
0x195: {  	v7 =	vld.idx.msk [tilespmem:v7+s6+$0x0], $0xffff  }
0x196: {  	v8 =	vld.idx.msk [tilespmem:v8+s6+$0x0], $0xffff;
	v2 =	vadd.f32 v2, v0  }
0x197: {  	v9 =	vld.idx.msk [tilespmem:v9+s6+$0x0], $0xffff  }
0x198: {  	v11 =	vld.idx.msk [tilespmem:v11+s6+$0x0], $0xffff;
	v2 =	vmul.f32 $1.442695020e+00, v2  }
0x199: {  	v3 =	vld [tilespmem:s15+$0x60]  }
0x19a: {  	v5 =	vadd.f32 v6, v5;
	v6 =	vld.idx.msk [tilespmem:v12+s6+$0x0], $0xffff;
	(erf) = vpow2.f32 v2  }
0x19b: {  	v2 =	vld.idx.msk [tilespmem:v10+s6+$0x0], $0xffff  }
0x19c: {  	v10 =	vld.idx.msk [tilespmem:v16+s6+$0x0], $0xffff  }
0x19d: {  	v12 =	vld.idx.msk [tilespmem:v13+s6+$0x0], $0xffff;
	v7 =	vadd.f32 v8, v7  }
0x19e: {  	v8 =	vld.idx.msk [tilespmem:v14+s6+$0x0], $0xffff;
	v5 =	vmul.f32 v5, v1  }
0x19f: {  	v7 =	vmul.f32 v7, v1  }
0x1a0: {  	v13 =	vld.idx.msk [tilespmem:v15+s6+$0x0], $0xffff;
	v5 =	vadd.f32 v5, v0;
	v2 =	vadd.f32 v2, v9  }
0x1a1: {  	v7 =	vadd.f32 v7, v0;
	v3 =	vld.idx.msk [tilespmem:v3+s6+$0x0], $0xffff;
	v4 =	vadd.f32 v4, v10  }
0x1a2: {  	v18 =	vld [tilespmem:s20+$0x50];
	v6 =	vadd.f32 v6, v11;
	v5 =	vmul.f32 $1.442695020e+00, v5;
	v2 =	vmul.f32 v2, v1  }
0x1a3: {  	v20 =	vld [tilespmem:s20+$0xFFFFFFE0];
	v8 =	vadd.f32 v8, v12;
	v7 =	vmul.f32 $1.442695020e+00, v7;
	v4 =	vmul.f32 v4, v1;
	v9 =	vpop (erf)  }
0x1a4: {  	v21 =	vld.idx.msk [tilespmem:v21+s6+$0x0], $0xffff;
	(erf) = vpow2.f32 v5;
	v2 =	vadd.f32 v2, v0;
	v9 =	vadd.f32 $1.000000000e+00, v9  }
0x1a5: {  	v12 =	vld [tilespmem:s20+$0x70];
	v8 =	vmul.f32 v8, v1;
	v5 =	vmul.f32 v6, v1;
	v4 =	vadd.f32 v4, v0  }
0x1a6: {  	v11 =	vld [tilespmem:s20+$0xFFFFFFF0];
	v3 =	vadd.f32 v3, v13;
	v2 =	vmul.f32 $1.442695020e+00, v2;
	(erf) = vrcp.f32 v9  }
0x1a7: {  	v14 =	vld [tilespmem:s20+$0x40];
	v4 =	vmul.f32 $1.442695020e+00, v4;
	(erf) = vpow2.f32 v7  }
0x1a8: {  	v16 =	vld [tilespmem:s20+$0xFFFFFFD0];
	v5 =	vadd.f32 v5, v0;
	v3 =	vmul.f32 v3, v1;
	(erf) = vpow2.f32 v2  }
0x1a9: {  	s18 =	simm.s32 $0x1D740;
	v6 =	vld [tilespmem:s20+$0x0];
	v7 =	vadd.f32 v8, v0;
	(erf) = vpow2.f32 v4  }
0x1aa: {  	v10 =	vld [tilespmem:s18+$0x30];
	v3 =	vadd.f32 v3, v0;
	v2 =	vmul.f32 $1.442695020e+00, v5  }
0x1ab: {  	v13 =	vld [tilespmem:s20+$0x10];
	v4 =	vmul.f32 $1.442695020e+00, v7  }
0x1ac: {  	v9 =	vld [tilespmem:s20+$0xFFFFFF90];
	(erf) = vpow2.f32 v2;
	v2 =	vmul.f32 $1.442695020e+00, v3  }
0x1ad: {  	(erf) = vpow2.f32 v4;
	v4 =	vld.idx.msk [tilespmem:v12+s6+$0x0], $0xffff;
	v12 =	vpop (erf)  }
0x1ae: {  	v3 =	vld.idx.msk [tilespmem:v11+s6+$0x0], $0xffff;
	(erf) = vpow2.f32 v2;
	v12 =	vadd.f32 $1.000000000e+00, v12  }
0x1af: {  	v5 =	vld [tilespmem:s20+$0x20];
	v15 =	vpop (erf)  }
0x1b0: {  	v16 =	vld.idx.msk [tilespmem:v16+s6+$0x0], $0xffff;
	v17 =	vpop (erf)  }
0x1b1: {  	v8 =	vld [tilespmem:s20+$0xFFFFFFA0];
	v17 =	vadd.f32 $1.000000000e+00, v17;
	v19 =	vpop (erf)  }
0x1b2: {  	v7 =	vld [tilespmem:s20+$0xFFFFFFB0];
	(erf) = vrcp.f32 v12;
	v12 =	vpop (erf)  }
0x1b3: {  	v22 =	vld.idx.msk [tilespmem:v6+s6+$0x0], $0xffff;
	v3 =	vadd.f32 v4, v3;
	v12 =	vadd.f32 $1.000000000e+00, v12  }
0x1b4: {  	v2 =	vld [tilespmem:s20+$0x30];
	v4 =	vadd.f32 $1.000000000e+00, v19  }
0x1b5: {  	v11 =	vld [tilespmem:s20+$0xFFFFFFC0];
	v3 =	vmul.f32 v3, v1;
	(erf) = vrcp.f32 v17;
	v17 =	vpop (erf)  }
0x1b6: {  	v9 =	vld.idx.msk [tilespmem:v9+s6+$0x0], $0xffff;
	(erf) = vrcp.f32 v4;
	v4 =	vadd.f32 $1.000000000e+00, v17;
	v17 =	vpop (erf)  }
0x1b7: {  	v3 =	vadd.f32 v3, v0;
	(erf) = vrcp.f32 v12;
	v6 =	vadd.f32 $1.000000000e+00, v17;
	v12 =	vpop (erf);
	v17 =	vld.idx.msk [tilespmem:v5+s6+$0x0], $0xffff  }
0x1b8: {  	(erf) = vrcp.f32 v4;
	v4 =	vadd.f32 $1.000000000e+00, v12;
	v12 =	vld.idx.msk [tilespmem:v13+s6+$0x0], $0xffff  }
0x1b9: {  	v3 =	vmul.f32 $1.442695020e+00, v3;
	v13 =	vld.idx.msk [tilespmem:v8+s6+$0x0], $0xffff;
	(erf) = vrcp.f32 v6  }
0x1ba: {  	v23 =	vld.idx.msk [tilespmem:v7+s6+$0x0], $0xffff;
	(erf) = vrcp.f32 v4  }
0x1bb: {  	v19 =	vld [tilespmem:s20+$0x60];
	(erf) = vpow2.f32 v3  }
0x1bc: {  	v3 =	vld.idx.msk [tilespmem:v2+s6+$0x0], $0xffff  }
0x1bd: {  	v5 =	vpop (erf);
	v2 =	vadd.f32 v12, v9;
	v9 =	vld.idx.msk [tilespmem:v11+s6+$0x0], $0xffff  }
0x1be: {  	v6 =	vpop (erf);
	v11 =	vld.idx.msk [tilespmem:v14+s6+$0x0], $0xffff;
	v13 =	vadd.f32 v17, v13  }
0x1bf: {  	v4 =	vpop (erf);
	v17 =	vld.idx.msk [tilespmem:v18+s6+$0x0], $0xffff  }
0x1c0: {  	v8 =	vpop (erf);
	v12 =	vmul.f32 v2, v1;
	v13 =	vmul.f32 v13, v1  }
0x1c1: {  	v18 =	vld.idx.msk [tilespmem:v20+s6+$0x0], $0xffff;
	v20 =	vmul.f32 v15, v10;
	v10 =	vadd.f32 v22, v21;
	v14 =	vadd.f32 v3, v23;
	v7 =	vpop (erf)  }
0x1c2: {  	v12 =	vadd.f32 v12, v0;
	v2 =	vpop (erf)  }
0x1c3: {  	v19 =	vld.idx.msk [tilespmem:v19+s6+$0x0], $0xffff;
	v10 =	vmul.f32 v10, v1;
	v21 =	vadd.f32 v13, v0;
	v14 =	vmul.f32 v14, v1;
	v3 =	vpop (erf)  }
0x1c4: {  	v15 =	vld [tilespmem:s18+$0xFFFFFFC0];
	v9 =	vadd.f32 v11, v9;
	v16 =	vadd.f32 v17, v16;
	v12 =	vmul.f32 $1.442695020e+00, v12;
	v13 =	vpop (erf)  }
0x1c5: {  	v17 =	vadd.f32 v10, v0;
	v10 =	vld [tilespmem:s18+$0x10];
	v21 =	vmul.f32 $1.442695020e+00, v21;
	v11 =	vadd.f32 $1.000000000e+00, v13  }
0x1c6: {  	v22 =	vadd.f32 v14, v0;
	v14 =	vld [tilespmem:s18+$0xFFFFFFE0];
	v9 =	vmul.f32 v9, v1;
	(erf) = vpow2.f32 v12  }
0x1c7: {  	v16 =	vmul.f32 v16, v1;
	v13 =	vld [tilespmem:s18+$0xFFFFFFD0];
	(erf) = vrcp.f32 v11  }
0x1c8: {  	s14 =	simm.s32 $0x1D7C0;
	v23 =	vadd.f32 v19, v18;
	v12 =	vld [tilespmem:s18+$0x0];
	v22 =	vmul.f32 $1.442695020e+00, v22;
	(erf) = vpow2.f32 v21  }
0x1c9: {  	v19 =	vadd.f32 v16, v0;
	v16 =	vld [tilespmem:s14+$0x30];
	v21 =	vadd.f32 v9, v0  }
0x1ca: {  	s19 =	simm.s32 $0x1E140;
	v17 =	vmul.f32 $1.442695020e+00, v17;
	v11 =	vld [tilespmem:s18+$0xFFFFFFF0];
	(erf) = vpow2.f32 v22  }
0x1cb: {  	s15 =	simm.s32 $0x1E140;
	s20 =	simm.s32 $0x8;
	[tilespmem:s19+$0x30] =	vst v20;
	v20 =	vmul.f32 v23, v1;
	v9 =	vld [tilespmem:s18+$0x20];
	s18 =	simm.s32 $0x1B180;
	v18 =	vmul.f32 $1.442695020e+00, v21  }
.LBB2_7:
0x1cc: {  	v21 =	vld [tilespmem:s18+$0xFFFFFFF0];
	(erf) = vpow2.f32 v17;
	v8 =	vmul.f32 v8, v15  }
0x1cd: {  	s20 =	sadd.s32 $0x8, s20;
	v15 =	vld [tilespmem:s18+$0x70];
	v17 =	vmul.f32 $1.442695020e+00, v19;
	v20 =	vadd.f32 v20, v0;
	(erf) = vpow2.f32 v18  }
0x1ce: {  	v5 =	vmul.f32 v5, v13;
	v6 =	vmul.f32 v6, v14;
	p1 =	slt.u32 s20, $0x98;
	v18 =	vld [tilespmem:s18+$0x0];
	[tilespmem:s19+$0xFFFFFFC0] =	vst v8  }
0x1cf: {  	v8 =	vld [tilespmem:s18+$0xFFFFFF90];
	v13 =	vmul.f32 $1.442695020e+00, v20;
	v14 =	vpop (erf);
	(erf) = vpow2.f32 v17  }
0x1d0: {  	v20 =	vmul.f32 v4, v11;
	v17 =	vld [tilespmem:s18+$0x10];
	v14 =	vadd.f32 $1.000000000e+00, v14;
	v19 =	vpop (erf);
	[tilespmem:s19+$0xFFFFFFD0] =	vst v5;
	v5 =	vmul.f32 v7, v12  }
0x1d1: {  	v7 =	vld [tilespmem:s18+$0xFFFFFFA0];
	v11 =	vmul.f32 v19, v16;
	v12 =	vpop (erf);
	(erf) = vpow2.f32 v13;
	[tilespmem:s19+$0xFFFFFFE0] =	vst v6  }
0x1d2: {  	v2 =	vmul.f32 v2, v10;
	s19 =	sadd.s32 $0x80, s19;
	v13 =	vld [tilespmem:s18+$0x20];
	v12 =	vadd.f32 $1.000000000e+00, v12;
	(erf) = vrcp.f32 v14;
	[tilespmem:s15+$0xFFFFFFF0] =	vst v20  }
0x1d3: {  	v3 =	vmul.f32 v3, v9;
	v10 =	vld [tilespmem:s18+$0xFFFFFFB0];
	[tilespmem:s19+$0x30] =	vst v11;
	v4 =	vpop (erf)  }
0x1d4: {  	v9 =	vld.idx.msk [tilespmem:v21+s6+$0x0], $0xffff;
	v11 =	vadd.f32 $1.000000000e+00, v4;
	(erf) = vrcp.f32 v12;
	[tilespmem:s15+$0x0] =	vst v5  }
0x1d5: {  	v5 =	vld.idx.msk [tilespmem:v15+s6+$0x0], $0xffff;
	v6 =	vpop (erf);
	[tilespmem:s15+$0x10] =	vst v2  }
0x1d6: {  	v2 =	vld [tilespmem:s18+$0x30];
	v12 =	vadd.f32 $1.000000000e+00, v6;
	(erf) = vrcp.f32 v11;
	v4 =	vpop (erf);
	[tilespmem:s15+$0x20] =	vst v3;
	s15 =	smov.u32 s19  }
0x1d7: {  	v3 =	vld [tilespmem:s18+$0xFFFFFFC0];
	v15 =	vadd.f32 $1.000000000e+00, v4  }
0x1d8: {  	v11 =	vld [tilespmem:s18+$0x40];
	(erf) = vrcp.f32 v12;
	v6 =	vpop (erf)  }
0x1d9: {  	v12 =	vld [tilespmem:s18+$0xFFFFFFD0];
	v6 =	vadd.f32 $1.000000000e+00, v6;
	(erf) = vrcp.f32 v15  }
0x1da: {  	v14 =	vld [tilespmem:s18+$0x50];
	v4 =	vpop (erf)  }
0x1db: {  	v9 =	vadd.f32 v5, v9;
	v15 =	vld [tilespmem:s18+$0xFFFFFFE0];
	v4 =	vadd.f32 $1.000000000e+00, v4;
	v5 =	vpop (erf);
	(erf) = vrcp.f32 v6  }
0x1dc: {  	v16 =	vld [tilespmem:s18+$0x60]  }
0x1dd: {  	v9 =	vmul.f32 v9, v1;
	v19 =	vld [tilespmem:s18+$0xFFFFFF80];
	v6 =	vpop (erf);
	(erf) = vrcp.f32 v4  }
0x1de: {  	v18 =	vld.idx.msk [tilespmem:v18+s6+$0x0], $0xffff  }
0x1df: {  	v22 =	vadd.f32 v9, v0;
	v20 =	vld.idx.msk [tilespmem:v8+s6+$0x0], $0xffff;
	v4 =	vpop (erf)  }
0x1e0: {  	v9 =	vld.idx.msk [tilespmem:v17+s6+$0x0], $0xffff  }
0x1e1: {  	v21 =	vmul.f32 $1.442695020e+00, v22;
	v17 =	vld.idx.msk [tilespmem:v7+s6+$0x0], $0xffff;
	v8 =	vpop (erf)  }
0x1e2: {  	v13 =	vld.idx.msk [tilespmem:v13+s6+$0x0], $0xffff;
	v7 =	vpop (erf)  }
0x1e3: {  	v10 =	vld.idx.msk [tilespmem:v10+s6+$0x0], $0xffff;
	(erf) = vpow2.f32 v21  }
0x1e4: {  	v21 =	vld.idx.msk [tilespmem:v2+s6+$0x0], $0xffff;
	v2 =	vpop (erf)  }
0x1e5: {  	v19 =	vld.idx.msk [tilespmem:v19+s6+$0x0], $0xffff  }
0x1e6: {  	v9 =	vadd.f32 v9, v20;
	v20 =	vld.idx.msk [tilespmem:v3+s6+$0x0], $0xffff;
	v3 =	vpop (erf)  }
0x1e7: {  	v11 =	vld.idx.msk [tilespmem:v11+s6+$0x0], $0xffff  }
0x1e8: {  	v9 =	vmul.f32 v9, v1;
	v13 =	vadd.f32 v13, v17;
	v12 =	vld.idx.msk [tilespmem:v12+s6+$0x0], $0xffff  }
0x1e9: {  	v17 =	vld.idx.msk [tilespmem:v14+s6+$0x0], $0xffff  }
0x1ea: {  	v9 =	vadd.f32 v9, v0;
	v22 =	vmul.f32 v13, v1;
	v10 =	vadd.f32 v21, v10;
	v21 =	vld.idx.msk [tilespmem:v15+s6+$0x0], $0xffff  }
0x1eb: {  	v14 =	vadd.f32 v18, v19;
	v16 =	vld.idx.msk [tilespmem:v16+s6+$0x0], $0xffff  }
0x1ec: {  	v9 =	vmul.f32 $1.442695020e+00, v9;
	v18 =	vadd.f32 v22, v0;
	v10 =	vmul.f32 v10, v1;
	v13 =	vpop (erf);
	v15 =	vld [tilespmem:s14+$0xFFFFFFC0]  }
0x1ed: {  	v19 =	vmul.f32 v14, v1;
	v11 =	vadd.f32 v11, v20;
	v20 =	vadd.f32 $1.000000000e+00, v13;
	v13 =	vld [tilespmem:s14+$0xFFFFFFD0]  }
0x1ee: {  	v18 =	vmul.f32 $1.442695020e+00, v18;
	v10 =	vadd.f32 v10, v0;
	(erf) = vpow2.f32 v9;
	v14 =	vld [tilespmem:s14+$0xFFFFFFE0]  }
.Ltmp4:
0x1ef: {  	v9 =	vmul.f32 v11, v1;
	v17 =	vadd.f32 v17, v12;
	(erf) = vrcp.f32 v20;
	v11 =	vld [tilespmem:s14+$0xFFFFFFF0];
	(pc) =	sbr.rel @p1 .LBB2_7-.Ltmp4, $4  }
0x1f0: {  	v19 =	vadd.f32 v19, v0;
	v20 =	vmul.f32 $1.442695020e+00, v10;
	(erf) = vpow2.f32 v18;
	v12 =	vld [tilespmem:s14+$0x0]  }
0x1f1: {  	v18 =	vadd.f32 v9, v0;
	v22 =	vmul.f32 v17, v1;
	v16 =	vadd.f32 v16, v21;
	v10 =	vld [tilespmem:s14+$0x10]  }
0x1f2: {  	v17 =	vmul.f32 $1.442695020e+00, v19;
	(erf) = vpow2.f32 v20;
	v9 =	vld [tilespmem:s14+$0x20];
	s14 =	sadd.s32 $0x80, s14  }
0x1f3: {  	s18 =	sadd.s32 $0x100, s18;
	v18 =	vmul.f32 $1.442695020e+00, v18;
	v19 =	vadd.f32 v22, v0;
	v20 =	vmul.f32 v16, v1;
	v16 =	vld [tilespmem:s14+$0x30]  }
0x1f4: {  	(erf) = vpow2.f32 v17;
	_ =	sdelay $0x1  }
0x1f5: {  	v19 =	vmul.f32 $1.442695020e+00, v19  }
0x1f6: {  	v17 =	vadd.f32 v20, v0;
	_ =	sdelay $0x1  }
0x1f7: {  	(erf) = vpow2.f32 v18;
	v17 =	vmul.f32 $1.442695020e+00, v17;
	v18 =	vpop (erf)  }
0x1f8: {  	(erf) = vpow2.f32 v19;
	v19 =	vpop (erf)  }
0x1f9: {  	(erf) = vpow2.f32 v17;
	v17 =	vadd.f32 $1.000000000e+00, v18;
	v18 =	vpop (erf)  }
0x1fa: {  	v18 =	vadd.f32 $1.000000000e+00, v18;
	v20 =	vpop (erf)  }
0x1fb: {  	(erf) = vrcp.f32 v17;
	v17 =	vadd.f32 $1.000000000e+00, v20;
	v20 =	vpop (erf)  }
0x1fc: {  	(erf) = vrcp.f32 v18;
	v18 =	vadd.f32 $1.000000000e+00, v20  }
0x1fd: {  	(erf) = vrcp.f32 v17  }
0x1fe: {  	(erf) = vrcp.f32 v18;
	_ =	sdelay $0x1  }
0x1ff: {  	v8 =	vmul.f32 v8, v15;
	v6 =	vmul.f32 v6, v14;
	v17 =	vpop (erf)  }
0x200: {  	v5 =	vmul.f32 v5, v13;
	v4 =	vmul.f32 v4, v11;
	v15 =	vadd.f32 $1.000000000e+00, v17;
	v17 =	vpop (erf)  }
0x201: {  	[tilespmem:s19+$0xFFFFFFC0] =	vst v8;
	v13 =	vadd.f32 $1.000000000e+00, v17;
	v17 =	vpop (erf)  }
0x202: {  	v7 =	vmul.f32 v7, v12;
	[tilespmem:s19+$0xFFFFFFD0] =	vst v5;
	v5 =	vld [tilespmem:s14+$0xFFFFFFC0];
	(erf) = vrcp.f32 v15;
	v8 =	vadd.f32 $1.000000000e+00, v17  }
0x203: {  	v12 =	vld [tilespmem:s14+$0xFFFFFFE0];
	[tilespmem:s19+$0xFFFFFFE0] =	vst v6;
	(erf) = vrcp.f32 v13;
	v6 =	vpop (erf)  }
0x204: {  	[tilespmem:s15+$0xFFFFFFF0] =	vst v4;
	v11 =	vmul.f32 v19, v16;
	(erf) = vrcp.f32 v8;
	v8 =	vld [tilespmem:s14+$0xFFFFFFD0];
	v4 =	vpop (erf)  }
0x205: {  	s18 =	sadd.s32 $0x80, s19;
	v2 =	vmul.f32 v2, v10;
	[tilespmem:s15+$0x0] =	vst v7;
	v10 =	vpop (erf)  }
0x206: {  	[tilespmem:s18+$0x30] =	vst v11;
	v11 =	vld [tilespmem:s14+$0xFFFFFFF0];
	v7 =	vpop (erf)  }
0x207: {  	v3 =	vmul.f32 v3, v9;
	v9 =	vld [tilespmem:s14+$0x0];
	v5 =	vmul.f32 v7, v5  }
0x208: {  	[tilespmem:s15+$0x10] =	vst v2;
	v2 =	vld [tilespmem:s14+$0x10]  }
0x209: {  	[tilespmem:s15+$0x20] =	vst v3;
	v3 =	vld [tilespmem:s14+$0x20];
	v4 =	vmul.f32 v4, v12;
	v6 =	vmul.f32 v6, v8  }
0x20a: {  	[tilespmem:s18+$0xFFFFFFC0] =	vst v5  }
0x20b: {  	[tilespmem:s18+$0xFFFFFFD0] =	vst v6;
	v6 =	vmul.f32 v10, v11;
	v5 =	vpop (erf)  }
0x20c: {  	[tilespmem:s18+$0xFFFFFFE0] =	vst v4;
	v7 =	vpop (erf);
	v5 =	vmul.f32 v5, v9  }
0x20d: {  	s15 =	sadd.s32 s10, s17;
	[tilespmem:s18+$0xFFFFFFF0] =	vst v6;
	v4 =	vpop (erf);
	v2 =	vmul.f32 v7, v2  }
0x20e: {  	s14 =	smul.u32 $0x140, s15;
	v3 =	vmul.f32 v4, v3;
	[tilespmem:s18+$0x0] =	vst v5  }
0x20f: {  	s11 =	sadd.s32 $0x5, s11;
	[tilespmem:s18+$0x10] =	vst v2  }
0x210: {  	s14 =	sadd.s32 s5, s14;
	[tilespmem:s18+$0x20] =	vst v3;
	s18 =	smul.u32 $0x280, s11  }
0x211: {  	[hbm4b:s14+s6] =	stream.linear.scatter [tilespmem:s30], [sflag:$0x4], $0xA00, $0x38;
	[tilespmem:$0x1F600] =	vst v63  }
0x212: {  	s11 =	smul.u32 $0x140, s11;
	s19 =	sadd.s32 s3, s18  }
0x213: {  	[tilespmem:s26], [sflag:$0x3] =	stream.linear.gather [hbm4b:s19+s6], $0x1400, $0x38;
	[tilespmem:$0x1F600] =	vst v63  }
0x214: {  	s20 =	sadd.s32 s1, s11  }
0x215: {  	[tilespmem:s28], [sflag:$0x3] =	stream.linear.gather [hbm4b:s20+s6], $0xA00, $0x38;
	[tilespmem:$0x1F600] =	vst v63  }
0x216: {  	_ =	swait.ge [sflag:s29], $0x1400  }
0x217: {  	[sflag:s29] =	ssyncset.done $0x0  }
0x218: {  	[sflag:s29] =	ssyncadd.s32 $0xFFFFEC00  }
0x219: {  	_ =	swait.ge [sflag:s29], $0xA00  }
0x21a: {  	[sflag:s29] =	ssyncset.done $0x0  }
0x21b: {  	[sflag:s29] =	ssyncadd.s32 $0xFFFFF600  }
0x21c: {  	_ =	swait.ge [sflag:s21], $0xA00  }
0x21d: {  	[sflag:s21] =	ssyncset.done $0x0  }
0x21e: {  	s15 =	simm.s32 $0x18780;
	[sflag:s21] =	ssyncadd.s32 $0xFFFFF600  }
0x21f: {  	v2 =	vld [tilespmem:s15+$0xFFFFFFF0]  }
0x220: {  	v3 =	vld [tilespmem:s15+$0x70]  }
0x221: {  	v4 =	vld [tilespmem:s15+$0x0]  }
0x222: {  	v5 =	vld [tilespmem:s15+$0xFFFFFF90]  }
0x223: {  	v6 =	vld [tilespmem:s15+$0x10]  }
0x224: {  	v7 =	vld [tilespmem:s15+$0xFFFFFFA0]  }
0x225: {  	v8 =	vld [tilespmem:s15+$0x20]  }
0x226: {  	v9 =	vld [tilespmem:s15+$0xFFFFFFB0]  }
0x227: {  	v10 =	vld [tilespmem:s15+$0x30]  }
0x228: {  	v11 =	vld [tilespmem:s15+$0xFFFFFFC0]  }
0x229: {  	v12 =	vld [tilespmem:s15+$0x40]  }
0x22a: {  	v13 =	vld [tilespmem:s15+$0xFFFFFFD0]  }
0x22b: {  	v2 =	vld.idx.msk [tilespmem:v2+s6+$0x0], $0xffff  }
0x22c: {  	v3 =	vld.idx.msk [tilespmem:v3+s6+$0x0], $0xffff  }
0x22d: {  	v14 =	vld [tilespmem:s15+$0x50]  }
0x22e: {  	v15 =	vld [tilespmem:s15+$0xFFFFFFE0]  }
0x22f: {  	s20 =	simm.s32 $0x18880;
	v16 =	vld [tilespmem:s15+$0xFFFFFF80]  }
0x230: {  	v21 =	vld [tilespmem:s20+$0xFFFFFF80]  }
0x231: {  	v4 =	vld.idx.msk [tilespmem:v4+s6+$0x0], $0xffff;
	v2 =	vadd.f32 v3, v2  }
0x232: {  	v5 =	vld.idx.msk [tilespmem:v5+s6+$0x0], $0xffff  }
0x233: {  	v6 =	vld.idx.msk [tilespmem:v6+s6+$0x0], $0xffff;
	v2 =	vmul.f32 v2, v1  }
0x234: {  	v7 =	vld.idx.msk [tilespmem:v7+s6+$0x0], $0xffff  }
0x235: {  	v8 =	vld.idx.msk [tilespmem:v8+s6+$0x0], $0xffff;
	v2 =	vadd.f32 v2, v0  }
0x236: {  	v9 =	vld.idx.msk [tilespmem:v9+s6+$0x0], $0xffff  }
0x237: {  	v11 =	vld.idx.msk [tilespmem:v11+s6+$0x0], $0xffff;
	v2 =	vmul.f32 $1.442695020e+00, v2  }
0x238: {  	v3 =	vld [tilespmem:s15+$0x60]  }
0x239: {  	v5 =	vadd.f32 v6, v5;
	v6 =	vld.idx.msk [tilespmem:v12+s6+$0x0], $0xffff;
	(erf) = vpow2.f32 v2  }
0x23a: {  	v2 =	vld.idx.msk [tilespmem:v10+s6+$0x0], $0xffff  }
0x23b: {  	v10 =	vld.idx.msk [tilespmem:v16+s6+$0x0], $0xffff  }
0x23c: {  	v12 =	vld.idx.msk [tilespmem:v13+s6+$0x0], $0xffff;
	v7 =	vadd.f32 v8, v7  }
0x23d: {  	v8 =	vld.idx.msk [tilespmem:v14+s6+$0x0], $0xffff;
	v5 =	vmul.f32 v5, v1  }
0x23e: {  	v7 =	vmul.f32 v7, v1  }
0x23f: {  	v13 =	vld.idx.msk [tilespmem:v15+s6+$0x0], $0xffff;
	v5 =	vadd.f32 v5, v0;
	v2 =	vadd.f32 v2, v9  }
0x240: {  	v7 =	vadd.f32 v7, v0;
	v3 =	vld.idx.msk [tilespmem:v3+s6+$0x0], $0xffff;
	v4 =	vadd.f32 v4, v10  }
0x241: {  	v18 =	vld [tilespmem:s20+$0x50];
	v6 =	vadd.f32 v6, v11;
	v5 =	vmul.f32 $1.442695020e+00, v5;
	v2 =	vmul.f32 v2, v1  }
0x242: {  	v20 =	vld [tilespmem:s20+$0xFFFFFFE0];
	v8 =	vadd.f32 v8, v12;
	v7 =	vmul.f32 $1.442695020e+00, v7;
	v4 =	vmul.f32 v4, v1;
	v9 =	vpop (erf)  }
0x243: {  	v21 =	vld.idx.msk [tilespmem:v21+s6+$0x0], $0xffff;
	(erf) = vpow2.f32 v5;
	v2 =	vadd.f32 v2, v0;
	v9 =	vadd.f32 $1.000000000e+00, v9  }
0x244: {  	v12 =	vld [tilespmem:s20+$0x70];
	v8 =	vmul.f32 v8, v1;
	v5 =	vmul.f32 v6, v1;
	v4 =	vadd.f32 v4, v0  }
0x245: {  	v11 =	vld [tilespmem:s20+$0xFFFFFFF0];
	v3 =	vadd.f32 v3, v13;
	v2 =	vmul.f32 $1.442695020e+00, v2;
	(erf) = vrcp.f32 v9  }
0x246: {  	v14 =	vld [tilespmem:s20+$0x40];
	v4 =	vmul.f32 $1.442695020e+00, v4;
	(erf) = vpow2.f32 v7  }
0x247: {  	v16 =	vld [tilespmem:s20+$0xFFFFFFD0];
	v5 =	vadd.f32 v5, v0;
	v3 =	vmul.f32 v3, v1;
	(erf) = vpow2.f32 v2  }
0x248: {  	s18 =	simm.s32 $0x1C340;
	v6 =	vld [tilespmem:s20+$0x0];
	v7 =	vadd.f32 v8, v0;
	(erf) = vpow2.f32 v4  }
0x249: {  	v10 =	vld [tilespmem:s18+$0x30];
	v3 =	vadd.f32 v3, v0;
	v2 =	vmul.f32 $1.442695020e+00, v5  }
0x24a: {  	v13 =	vld [tilespmem:s20+$0x10];
	v4 =	vmul.f32 $1.442695020e+00, v7  }
0x24b: {  	v9 =	vld [tilespmem:s20+$0xFFFFFF90];
	(erf) = vpow2.f32 v2;
	v2 =	vmul.f32 $1.442695020e+00, v3  }
0x24c: {  	(erf) = vpow2.f32 v4;
	v4 =	vld.idx.msk [tilespmem:v12+s6+$0x0], $0xffff;
	v12 =	vpop (erf)  }
0x24d: {  	v3 =	vld.idx.msk [tilespmem:v11+s6+$0x0], $0xffff;
	(erf) = vpow2.f32 v2;
	v12 =	vadd.f32 $1.000000000e+00, v12  }
0x24e: {  	v5 =	vld [tilespmem:s20+$0x20];
	v15 =	vpop (erf)  }
0x24f: {  	v16 =	vld.idx.msk [tilespmem:v16+s6+$0x0], $0xffff;
	v17 =	vpop (erf)  }
0x250: {  	v8 =	vld [tilespmem:s20+$0xFFFFFFA0];
	v17 =	vadd.f32 $1.000000000e+00, v17;
	v19 =	vpop (erf)  }
0x251: {  	v7 =	vld [tilespmem:s20+$0xFFFFFFB0];
	(erf) = vrcp.f32 v12;
	v12 =	vpop (erf)  }
0x252: {  	v22 =	vld.idx.msk [tilespmem:v6+s6+$0x0], $0xffff;
	v3 =	vadd.f32 v4, v3;
	v12 =	vadd.f32 $1.000000000e+00, v12  }
0x253: {  	v2 =	vld [tilespmem:s20+$0x30];
	v4 =	vadd.f32 $1.000000000e+00, v19  }
0x254: {  	v11 =	vld [tilespmem:s20+$0xFFFFFFC0];
	v3 =	vmul.f32 v3, v1;
	(erf) = vrcp.f32 v17;
	v17 =	vpop (erf)  }
0x255: {  	v9 =	vld.idx.msk [tilespmem:v9+s6+$0x0], $0xffff;
	(erf) = vrcp.f32 v4;
	v4 =	vadd.f32 $1.000000000e+00, v17;
	v17 =	vpop (erf)  }
0x256: {  	v3 =	vadd.f32 v3, v0;
	(erf) = vrcp.f32 v12;
	v6 =	vadd.f32 $1.000000000e+00, v17;
	v12 =	vpop (erf);
	v17 =	vld.idx.msk [tilespmem:v5+s6+$0x0], $0xffff  }
0x257: {  	(erf) = vrcp.f32 v4;
	v4 =	vadd.f32 $1.000000000e+00, v12;
	v12 =	vld.idx.msk [tilespmem:v13+s6+$0x0], $0xffff  }
0x258: {  	v3 =	vmul.f32 $1.442695020e+00, v3;
	v13 =	vld.idx.msk [tilespmem:v8+s6+$0x0], $0xffff;
	(erf) = vrcp.f32 v6  }
0x259: {  	v23 =	vld.idx.msk [tilespmem:v7+s6+$0x0], $0xffff;
	(erf) = vrcp.f32 v4  }
0x25a: {  	v19 =	vld [tilespmem:s20+$0x60];
	(erf) = vpow2.f32 v3  }
0x25b: {  	v3 =	vld.idx.msk [tilespmem:v2+s6+$0x0], $0xffff  }
0x25c: {  	v5 =	vpop (erf);
	v2 =	vadd.f32 v12, v9;
	v9 =	vld.idx.msk [tilespmem:v11+s6+$0x0], $0xffff  }
0x25d: {  	v6 =	vpop (erf);
	v11 =	vld.idx.msk [tilespmem:v14+s6+$0x0], $0xffff;
	v13 =	vadd.f32 v17, v13  }
0x25e: {  	v4 =	vpop (erf);
	v17 =	vld.idx.msk [tilespmem:v18+s6+$0x0], $0xffff  }
0x25f: {  	v8 =	vpop (erf);
	v12 =	vmul.f32 v2, v1;
	v13 =	vmul.f32 v13, v1  }
0x260: {  	v18 =	vld.idx.msk [tilespmem:v20+s6+$0x0], $0xffff;
	v20 =	vmul.f32 v15, v10;
	v10 =	vadd.f32 v22, v21;
	v14 =	vadd.f32 v3, v23;
	v7 =	vpop (erf)  }
0x261: {  	v12 =	vadd.f32 v12, v0;
	v2 =	vpop (erf)  }
0x262: {  	v19 =	vld.idx.msk [tilespmem:v19+s6+$0x0], $0xffff;
	v10 =	vmul.f32 v10, v1;
	v21 =	vadd.f32 v13, v0;
	v14 =	vmul.f32 v14, v1;
	v3 =	vpop (erf)  }
0x263: {  	v15 =	vld [tilespmem:s18+$0xFFFFFFC0];
	v9 =	vadd.f32 v11, v9;
	v16 =	vadd.f32 v17, v16;
	v12 =	vmul.f32 $1.442695020e+00, v12;
	v13 =	vpop (erf)  }
0x264: {  	v17 =	vadd.f32 v10, v0;
	v10 =	vld [tilespmem:s18+$0x10];
	v21 =	vmul.f32 $1.442695020e+00, v21;
	v11 =	vadd.f32 $1.000000000e+00, v13  }
0x265: {  	v22 =	vadd.f32 v14, v0;
	v14 =	vld [tilespmem:s18+$0xFFFFFFE0];
	v9 =	vmul.f32 v9, v1;
	(erf) = vpow2.f32 v12  }
0x266: {  	v16 =	vmul.f32 v16, v1;
	v13 =	vld [tilespmem:s18+$0xFFFFFFD0];
	(erf) = vrcp.f32 v11  }
0x267: {  	s14 =	simm.s32 $0x1C3C0;
	v23 =	vadd.f32 v19, v18;
	v12 =	vld [tilespmem:s18+$0x0];
	v22 =	vmul.f32 $1.442695020e+00, v22;
	(erf) = vpow2.f32 v21  }
0x268: {  	v19 =	vadd.f32 v16, v0;
	v16 =	vld [tilespmem:s14+$0x30];
	v21 =	vadd.f32 v9, v0  }
0x269: {  	s19 =	simm.s32 $0x1EB40;
	v17 =	vmul.f32 $1.442695020e+00, v17;
	v11 =	vld [tilespmem:s18+$0xFFFFFFF0];
	(erf) = vpow2.f32 v22  }
0x26a: {  	s15 =	simm.s32 $0x1EB40;
	s20 =	simm.s32 $0x8;
	[tilespmem:s19+$0x30] =	vst v20;
	v20 =	vmul.f32 v23, v1;
	v9 =	vld [tilespmem:s18+$0x20];
	s18 =	simm.s32 $0x18980;
	v18 =	vmul.f32 $1.442695020e+00, v21  }
.LBB2_9:
0x26b: {  	v21 =	vld [tilespmem:s18+$0xFFFFFFF0];
	(erf) = vpow2.f32 v17;
	v8 =	vmul.f32 v8, v15  }
0x26c: {  	s20 =	sadd.s32 $0x8, s20;
	v15 =	vld [tilespmem:s18+$0x70];
	v17 =	vmul.f32 $1.442695020e+00, v19;
	v20 =	vadd.f32 v20, v0;
	(erf) = vpow2.f32 v18  }
0x26d: {  	v5 =	vmul.f32 v5, v13;
	v6 =	vmul.f32 v6, v14;
	p1 =	slt.u32 s20, $0x98;
	v18 =	vld [tilespmem:s18+$0x0];
	[tilespmem:s19+$0xFFFFFFC0] =	vst v8  }
0x26e: {  	v8 =	vld [tilespmem:s18+$0xFFFFFF90];
	v13 =	vmul.f32 $1.442695020e+00, v20;
	v14 =	vpop (erf);
	(erf) = vpow2.f32 v17  }
0x26f: {  	v20 =	vmul.f32 v4, v11;
	v17 =	vld [tilespmem:s18+$0x10];
	v14 =	vadd.f32 $1.000000000e+00, v14;
	v19 =	vpop (erf);
	[tilespmem:s19+$0xFFFFFFD0] =	vst v5;
	v5 =	vmul.f32 v7, v12  }
0x270: {  	v7 =	vld [tilespmem:s18+$0xFFFFFFA0];
	v11 =	vmul.f32 v19, v16;
	v12 =	vpop (erf);
	(erf) = vpow2.f32 v13;
	[tilespmem:s19+$0xFFFFFFE0] =	vst v6  }
0x271: {  	v2 =	vmul.f32 v2, v10;
	s19 =	sadd.s32 $0x80, s19;
	v13 =	vld [tilespmem:s18+$0x20];
	v12 =	vadd.f32 $1.000000000e+00, v12;
	(erf) = vrcp.f32 v14;
	[tilespmem:s15+$0xFFFFFFF0] =	vst v20  }
0x272: {  	v3 =	vmul.f32 v3, v9;
	v10 =	vld [tilespmem:s18+$0xFFFFFFB0];
	[tilespmem:s19+$0x30] =	vst v11;
	v4 =	vpop (erf)  }
0x273: {  	v9 =	vld.idx.msk [tilespmem:v21+s6+$0x0], $0xffff;
	v11 =	vadd.f32 $1.000000000e+00, v4;
	(erf) = vrcp.f32 v12;
	[tilespmem:s15+$0x0] =	vst v5  }
0x274: {  	v5 =	vld.idx.msk [tilespmem:v15+s6+$0x0], $0xffff;
	v6 =	vpop (erf);
	[tilespmem:s15+$0x10] =	vst v2  }
0x275: {  	v2 =	vld [tilespmem:s18+$0x30];
	v12 =	vadd.f32 $1.000000000e+00, v6;
	(erf) = vrcp.f32 v11;
	v4 =	vpop (erf);
	[tilespmem:s15+$0x20] =	vst v3;
	s15 =	smov.u32 s19  }
0x276: {  	v3 =	vld [tilespmem:s18+$0xFFFFFFC0];
	v15 =	vadd.f32 $1.000000000e+00, v4  }
0x277: {  	v11 =	vld [tilespmem:s18+$0x40];
	(erf) = vrcp.f32 v12;
	v6 =	vpop (erf)  }
0x278: {  	v12 =	vld [tilespmem:s18+$0xFFFFFFD0];
	v6 =	vadd.f32 $1.000000000e+00, v6;
	(erf) = vrcp.f32 v15  }
0x279: {  	v14 =	vld [tilespmem:s18+$0x50];
	v4 =	vpop (erf)  }
0x27a: {  	v9 =	vadd.f32 v5, v9;
	v15 =	vld [tilespmem:s18+$0xFFFFFFE0];
	v4 =	vadd.f32 $1.000000000e+00, v4;
	v5 =	vpop (erf);
	(erf) = vrcp.f32 v6  }
0x27b: {  	v16 =	vld [tilespmem:s18+$0x60]  }
0x27c: {  	v9 =	vmul.f32 v9, v1;
	v19 =	vld [tilespmem:s18+$0xFFFFFF80];
	v6 =	vpop (erf);
	(erf) = vrcp.f32 v4  }
0x27d: {  	v18 =	vld.idx.msk [tilespmem:v18+s6+$0x0], $0xffff  }
0x27e: {  	v22 =	vadd.f32 v9, v0;
	v20 =	vld.idx.msk [tilespmem:v8+s6+$0x0], $0xffff;
	v4 =	vpop (erf)  }
0x27f: {  	v9 =	vld.idx.msk [tilespmem:v17+s6+$0x0], $0xffff  }
0x280: {  	v21 =	vmul.f32 $1.442695020e+00, v22;
	v17 =	vld.idx.msk [tilespmem:v7+s6+$0x0], $0xffff;
	v8 =	vpop (erf)  }
0x281: {  	v13 =	vld.idx.msk [tilespmem:v13+s6+$0x0], $0xffff;
	v7 =	vpop (erf)  }
0x282: {  	v10 =	vld.idx.msk [tilespmem:v10+s6+$0x0], $0xffff;
	(erf) = vpow2.f32 v21  }
0x283: {  	v21 =	vld.idx.msk [tilespmem:v2+s6+$0x0], $0xffff;
	v2 =	vpop (erf)  }
0x284: {  	v19 =	vld.idx.msk [tilespmem:v19+s6+$0x0], $0xffff  }
0x285: {  	v9 =	vadd.f32 v9, v20;
	v20 =	vld.idx.msk [tilespmem:v3+s6+$0x0], $0xffff;
	v3 =	vpop (erf)  }
0x286: {  	v11 =	vld.idx.msk [tilespmem:v11+s6+$0x0], $0xffff  }
0x287: {  	v9 =	vmul.f32 v9, v1;
	v13 =	vadd.f32 v13, v17;
	v12 =	vld.idx.msk [tilespmem:v12+s6+$0x0], $0xffff  }
0x288: {  	v17 =	vld.idx.msk [tilespmem:v14+s6+$0x0], $0xffff  }
0x289: {  	v9 =	vadd.f32 v9, v0;
	v22 =	vmul.f32 v13, v1;
	v10 =	vadd.f32 v21, v10;
	v21 =	vld.idx.msk [tilespmem:v15+s6+$0x0], $0xffff  }
0x28a: {  	v14 =	vadd.f32 v18, v19;
	v16 =	vld.idx.msk [tilespmem:v16+s6+$0x0], $0xffff  }
0x28b: {  	v9 =	vmul.f32 $1.442695020e+00, v9;
	v18 =	vadd.f32 v22, v0;
	v10 =	vmul.f32 v10, v1;
	v13 =	vpop (erf);
	v15 =	vld [tilespmem:s14+$0xFFFFFFC0]  }
0x28c: {  	v19 =	vmul.f32 v14, v1;
	v11 =	vadd.f32 v11, v20;
	v20 =	vadd.f32 $1.000000000e+00, v13;
	v13 =	vld [tilespmem:s14+$0xFFFFFFD0]  }
0x28d: {  	v18 =	vmul.f32 $1.442695020e+00, v18;
	v10 =	vadd.f32 v10, v0;
	(erf) = vpow2.f32 v9;
	v14 =	vld [tilespmem:s14+$0xFFFFFFE0]  }
.Ltmp5:
0x28e: {  	v9 =	vmul.f32 v11, v1;
	v17 =	vadd.f32 v17, v12;
	(erf) = vrcp.f32 v20;
	v11 =	vld [tilespmem:s14+$0xFFFFFFF0];
	(pc) =	sbr.rel @p1 .LBB2_9-.Ltmp5, $4  }
0x28f: {  	v19 =	vadd.f32 v19, v0;
	v20 =	vmul.f32 $1.442695020e+00, v10;
	(erf) = vpow2.f32 v18;
	v12 =	vld [tilespmem:s14+$0x0]  }
0x290: {  	v18 =	vadd.f32 v9, v0;
	v22 =	vmul.f32 v17, v1;
	v16 =	vadd.f32 v16, v21;
	v10 =	vld [tilespmem:s14+$0x10]  }
0x291: {  	v17 =	vmul.f32 $1.442695020e+00, v19;
	(erf) = vpow2.f32 v20;
	v9 =	vld [tilespmem:s14+$0x20];
	s14 =	sadd.s32 $0x80, s14  }
0x292: {  	s18 =	sadd.s32 $0x100, s18;
	v18 =	vmul.f32 $1.442695020e+00, v18;
	v19 =	vadd.f32 v22, v0;
	v20 =	vmul.f32 v16, v1;
	v16 =	vld [tilespmem:s14+$0x30]  }
0x293: {  	(erf) = vpow2.f32 v17;
	_ =	sdelay $0x1  }
0x294: {  	v19 =	vmul.f32 $1.442695020e+00, v19  }
0x295: {  	v17 =	vadd.f32 v20, v0;
	_ =	sdelay $0x1  }
0x296: {  	(erf) = vpow2.f32 v18;
	v17 =	vmul.f32 $1.442695020e+00, v17;
	v18 =	vpop (erf)  }
0x297: {  	(erf) = vpow2.f32 v19;
	v19 =	vpop (erf)  }
0x298: {  	(erf) = vpow2.f32 v17;
	v17 =	vadd.f32 $1.000000000e+00, v18;
	v18 =	vpop (erf)  }
0x299: {  	v18 =	vadd.f32 $1.000000000e+00, v18;
	v20 =	vpop (erf)  }
0x29a: {  	(erf) = vrcp.f32 v17;
	v17 =	vadd.f32 $1.000000000e+00, v20;
	v20 =	vpop (erf)  }
0x29b: {  	(erf) = vrcp.f32 v18;
	v18 =	vadd.f32 $1.000000000e+00, v20  }
0x29c: {  	(erf) = vrcp.f32 v17  }
0x29d: {  	(erf) = vrcp.f32 v18;
	_ =	sdelay $0x1  }
0x29e: {  	v8 =	vmul.f32 v8, v15;
	v6 =	vmul.f32 v6, v14;
	v17 =	vpop (erf)  }
0x29f: {  	v5 =	vmul.f32 v5, v13;
	v4 =	vmul.f32 v4, v11;
	v15 =	vadd.f32 $1.000000000e+00, v17;
	v17 =	vpop (erf)  }
0x2a0: {  	[tilespmem:s19+$0xFFFFFFC0] =	vst v8;
	v13 =	vadd.f32 $1.000000000e+00, v17;
	v17 =	vpop (erf)  }
0x2a1: {  	v7 =	vmul.f32 v7, v12;
	[tilespmem:s19+$0xFFFFFFD0] =	vst v5;
	v5 =	vld [tilespmem:s14+$0xFFFFFFC0];
	(erf) = vrcp.f32 v15;
	v8 =	vadd.f32 $1.000000000e+00, v17  }
0x2a2: {  	v12 =	vld [tilespmem:s14+$0xFFFFFFE0];
	[tilespmem:s19+$0xFFFFFFE0] =	vst v6;
	(erf) = vrcp.f32 v13;
	v6 =	vpop (erf)  }
0x2a3: {  	[tilespmem:s15+$0xFFFFFFF0] =	vst v4;
	v11 =	vmul.f32 v19, v16;
	(erf) = vrcp.f32 v8;
	v8 =	vld [tilespmem:s14+$0xFFFFFFD0];
	v4 =	vpop (erf)  }
0x2a4: {  	s18 =	sadd.s32 $0x80, s19;
	v2 =	vmul.f32 v2, v10;
	[tilespmem:s15+$0x0] =	vst v7;
	v10 =	vpop (erf)  }
0x2a5: {  	[tilespmem:s18+$0x30] =	vst v11;
	v11 =	vld [tilespmem:s14+$0xFFFFFFF0];
	v7 =	vpop (erf)  }
0x2a6: {  	v3 =	vmul.f32 v3, v9;
	v9 =	vld [tilespmem:s14+$0x0];
	v5 =	vmul.f32 v7, v5  }
0x2a7: {  	[tilespmem:s15+$0x10] =	vst v2;
	v2 =	vld [tilespmem:s14+$0x10]  }
0x2a8: {  	[tilespmem:s15+$0x20] =	vst v3;
	v3 =	vld [tilespmem:s14+$0x20];
	v4 =	vmul.f32 v4, v12;
	v6 =	vmul.f32 v6, v8  }
0x2a9: {  	[tilespmem:s18+$0xFFFFFFC0] =	vst v5  }
0x2aa: {  	[tilespmem:s18+$0xFFFFFFD0] =	vst v6;
	v6 =	vmul.f32 v10, v11;
	v5 =	vpop (erf)  }
0x2ab: {  	s14 =	sadd.s32 $0x6, s10;
	[tilespmem:s18+$0xFFFFFFE0] =	vst v4;
	v7 =	vpop (erf);
	v5 =	vmul.f32 v5, v9  }
0x2ac: {  	p1 =	sge.u32 s14, s9;
	[tilespmem:s18+$0xFFFFFFF0] =	vst v6;
	v4 =	vpop (erf);
	v2 =	vmul.f32 v7, v2  }
0x2ad: {  	s14 =	sadd.s32 @!p1 s7, s14;
	v3 =	vmul.f32 v4, v3;
	[tilespmem:s18+$0x0] =	vst v5  }
0x2ae: {  	s15 =	smul.u32 @!p1 $0x280, s14;
	[tilespmem:s18+$0x10] =	vst v2  }
0x2af: {  	s13 =	sadd.s32 s5, s13;
	s14 =	smul.u32 @!p1 $0x140, s14;
	[tilespmem:s18+$0x20] =	vst v3  }
0x2b0: {  	[hbm4b:s13+s6] =	stream.linear.scatter [tilespmem:s4], [sflag:$0x5], $0xA00, $0x38;
	[tilespmem:$0x1F600] =	vst v63  }
0x2b1: {  	s18 =	simm.s32 @!p1 $0x18700;
	s13 =	sadd.s32 @!p1 s3, s15;
	s15 =	simm.s32 @!p1 $0x0  }
0x2b2: {  	[tilespmem:s18], [sflag:$0x1] =	stream.linear.gather @!p1 [hbm4b:s13+s15], $0x1400, $0x38;
	[tilespmem:$0x1F600] =	vst v63  }
0x2b3: {  	s13 =	sadd.s32 @!p1 s1, s14;
	s14 =	simm.s32 @!p1 $0x1C300  }
0x2b4: {  	[tilespmem:s14], [sflag:$0x1] =	stream.linear.gather @!p1 [hbm4b:s13+s15], $0xA00, $0x38;
	[tilespmem:$0x1F600] =	vst v63  }
0x2b5: {  	_ =	swait.ge [sflag:s31], $0x1400  }
0x2b6: {  	[sflag:s31] =	ssyncset.done $0x0  }
0x2b7: {  	[sflag:s31] =	ssyncadd.s32 $0xFFFFEC00  }
0x2b8: {  	_ =	swait.ge [sflag:s31], $0xA00  }
0x2b9: {  	[sflag:s31] =	ssyncset.done $0x0  }
0x2ba: {  	[sflag:s31] =	ssyncadd.s32 $0xFFFFF600  }
0x2bb: {  	_ =	swait.ge [sflag:s2], $0xA00  }
0x2bc: {  	[sflag:s2] =	ssyncset.done $0x0  }
0x2bd: {  	s18 =	simm.s32 $0x19B80;
	[sflag:s2] =	ssyncadd.s32 $0xFFFFF600  }
0x2be: {  	v2 =	vld [tilespmem:s18+$0xFFFFFFF0]  }
0x2bf: {  	v3 =	vld [tilespmem:s18+$0x70]  }
0x2c0: {  	v4 =	vld [tilespmem:s18+$0x0]  }
0x2c1: {  	v5 =	vld [tilespmem:s18+$0xFFFFFF90]  }
0x2c2: {  	v6 =	vld [tilespmem:s18+$0x10]  }
0x2c3: {  	v7 =	vld [tilespmem:s18+$0xFFFFFFA0]  }
0x2c4: {  	v8 =	vld [tilespmem:s18+$0x20]  }
0x2c5: {  	v9 =	vld [tilespmem:s18+$0xFFFFFFB0]  }
0x2c6: {  	v10 =	vld [tilespmem:s18+$0x30]  }
0x2c7: {  	v11 =	vld [tilespmem:s18+$0xFFFFFFC0]  }
0x2c8: {  	v12 =	vld [tilespmem:s18+$0x40]  }
0x2c9: {  	v13 =	vld [tilespmem:s18+$0xFFFFFFD0]  }
0x2ca: {  	v2 =	vld.idx.msk [tilespmem:v2+s6+$0x0], $0xffff  }
0x2cb: {  	v3 =	vld.idx.msk [tilespmem:v3+s6+$0x0], $0xffff  }
0x2cc: {  	v14 =	vld [tilespmem:s18+$0x50]  }
0x2cd: {  	v15 =	vld [tilespmem:s18+$0xFFFFFFE0]  }
0x2ce: {  	s20 =	simm.s32 $0x19C80;
	v16 =	vld [tilespmem:s18+$0xFFFFFF80]  }
0x2cf: {  	v21 =	vld [tilespmem:s20+$0xFFFFFF80]  }
0x2d0: {  	v4 =	vld.idx.msk [tilespmem:v4+s6+$0x0], $0xffff;
	v2 =	vadd.f32 v3, v2  }
0x2d1: {  	v5 =	vld.idx.msk [tilespmem:v5+s6+$0x0], $0xffff  }
0x2d2: {  	v6 =	vld.idx.msk [tilespmem:v6+s6+$0x0], $0xffff;
	v2 =	vmul.f32 v2, v1  }
0x2d3: {  	v7 =	vld.idx.msk [tilespmem:v7+s6+$0x0], $0xffff  }
0x2d4: {  	v8 =	vld.idx.msk [tilespmem:v8+s6+$0x0], $0xffff;
	v2 =	vadd.f32 v2, v0  }
0x2d5: {  	v9 =	vld.idx.msk [tilespmem:v9+s6+$0x0], $0xffff  }
0x2d6: {  	v11 =	vld.idx.msk [tilespmem:v11+s6+$0x0], $0xffff;
	v2 =	vmul.f32 $1.442695020e+00, v2  }
0x2d7: {  	v3 =	vld [tilespmem:s18+$0x60]  }
0x2d8: {  	v5 =	vadd.f32 v6, v5;
	v6 =	vld.idx.msk [tilespmem:v12+s6+$0x0], $0xffff;
	(erf) = vpow2.f32 v2  }
0x2d9: {  	v2 =	vld.idx.msk [tilespmem:v10+s6+$0x0], $0xffff  }
0x2da: {  	v10 =	vld.idx.msk [tilespmem:v16+s6+$0x0], $0xffff  }
0x2db: {  	v12 =	vld.idx.msk [tilespmem:v13+s6+$0x0], $0xffff;
	v7 =	vadd.f32 v8, v7  }
0x2dc: {  	v8 =	vld.idx.msk [tilespmem:v14+s6+$0x0], $0xffff;
	v5 =	vmul.f32 v5, v1  }
0x2dd: {  	v7 =	vmul.f32 v7, v1  }
0x2de: {  	v13 =	vld.idx.msk [tilespmem:v15+s6+$0x0], $0xffff;
	v5 =	vadd.f32 v5, v0;
	v2 =	vadd.f32 v2, v9  }
0x2df: {  	v7 =	vadd.f32 v7, v0;
	v3 =	vld.idx.msk [tilespmem:v3+s6+$0x0], $0xffff;
	v4 =	vadd.f32 v4, v10  }
0x2e0: {  	v18 =	vld [tilespmem:s20+$0x50];
	v6 =	vadd.f32 v6, v11;
	v5 =	vmul.f32 $1.442695020e+00, v5;
	v2 =	vmul.f32 v2, v1  }
0x2e1: {  	v20 =	vld [tilespmem:s20+$0xFFFFFFE0];
	v8 =	vadd.f32 v8, v12;
	v7 =	vmul.f32 $1.442695020e+00, v7;
	v4 =	vmul.f32 v4, v1;
	v9 =	vpop (erf)  }
0x2e2: {  	v21 =	vld.idx.msk [tilespmem:v21+s6+$0x0], $0xffff;
	(erf) = vpow2.f32 v5;
	v2 =	vadd.f32 v2, v0;
	v9 =	vadd.f32 $1.000000000e+00, v9  }
0x2e3: {  	v12 =	vld [tilespmem:s20+$0x70];
	v8 =	vmul.f32 v8, v1;
	v5 =	vmul.f32 v6, v1;
	v4 =	vadd.f32 v4, v0  }
0x2e4: {  	v11 =	vld [tilespmem:s20+$0xFFFFFFF0];
	v3 =	vadd.f32 v3, v13;
	v2 =	vmul.f32 $1.442695020e+00, v2;
	(erf) = vrcp.f32 v9  }
0x2e5: {  	v14 =	vld [tilespmem:s20+$0x40];
	v4 =	vmul.f32 $1.442695020e+00, v4;
	(erf) = vpow2.f32 v7  }
0x2e6: {  	v16 =	vld [tilespmem:s20+$0xFFFFFFD0];
	v5 =	vadd.f32 v5, v0;
	v3 =	vmul.f32 v3, v1;
	(erf) = vpow2.f32 v2  }
0x2e7: {  	s19 =	simm.s32 $0x1CD40;
	v6 =	vld [tilespmem:s20+$0x0];
	v7 =	vadd.f32 v8, v0;
	(erf) = vpow2.f32 v4  }
0x2e8: {  	v10 =	vld [tilespmem:s19+$0x30];
	v3 =	vadd.f32 v3, v0;
	v2 =	vmul.f32 $1.442695020e+00, v5  }
0x2e9: {  	v13 =	vld [tilespmem:s20+$0x10];
	v4 =	vmul.f32 $1.442695020e+00, v7  }
0x2ea: {  	v9 =	vld [tilespmem:s20+$0xFFFFFF90];
	(erf) = vpow2.f32 v2;
	v2 =	vmul.f32 $1.442695020e+00, v3  }
0x2eb: {  	(erf) = vpow2.f32 v4;
	v4 =	vld.idx.msk [tilespmem:v12+s6+$0x0], $0xffff;
	v12 =	vpop (erf)  }
0x2ec: {  	v3 =	vld.idx.msk [tilespmem:v11+s6+$0x0], $0xffff;
	(erf) = vpow2.f32 v2;
	v12 =	vadd.f32 $1.000000000e+00, v12  }
0x2ed: {  	v5 =	vld [tilespmem:s20+$0x20];
	v15 =	vpop (erf)  }
0x2ee: {  	v16 =	vld.idx.msk [tilespmem:v16+s6+$0x0], $0xffff;
	v17 =	vpop (erf)  }
0x2ef: {  	v8 =	vld [tilespmem:s20+$0xFFFFFFA0];
	v17 =	vadd.f32 $1.000000000e+00, v17;
	v19 =	vpop (erf)  }
0x2f0: {  	v7 =	vld [tilespmem:s20+$0xFFFFFFB0];
	(erf) = vrcp.f32 v12;
	v12 =	vpop (erf)  }
0x2f1: {  	v22 =	vld.idx.msk [tilespmem:v6+s6+$0x0], $0xffff;
	v3 =	vadd.f32 v4, v3;
	v12 =	vadd.f32 $1.000000000e+00, v12  }
0x2f2: {  	v2 =	vld [tilespmem:s20+$0x30];
	v4 =	vadd.f32 $1.000000000e+00, v19  }
0x2f3: {  	v11 =	vld [tilespmem:s20+$0xFFFFFFC0];
	v3 =	vmul.f32 v3, v1;
	(erf) = vrcp.f32 v17;
	v17 =	vpop (erf)  }
0x2f4: {  	v9 =	vld.idx.msk [tilespmem:v9+s6+$0x0], $0xffff;
	(erf) = vrcp.f32 v4;
	v4 =	vadd.f32 $1.000000000e+00, v17;
	v17 =	vpop (erf)  }
0x2f5: {  	v3 =	vadd.f32 v3, v0;
	(erf) = vrcp.f32 v12;
	v6 =	vadd.f32 $1.000000000e+00, v17;
	v12 =	vpop (erf);
	v17 =	vld.idx.msk [tilespmem:v5+s6+$0x0], $0xffff  }
0x2f6: {  	(erf) = vrcp.f32 v4;
	v4 =	vadd.f32 $1.000000000e+00, v12;
	v12 =	vld.idx.msk [tilespmem:v13+s6+$0x0], $0xffff  }
0x2f7: {  	v3 =	vmul.f32 $1.442695020e+00, v3;
	v13 =	vld.idx.msk [tilespmem:v8+s6+$0x0], $0xffff;
	(erf) = vrcp.f32 v6  }
0x2f8: {  	v23 =	vld.idx.msk [tilespmem:v7+s6+$0x0], $0xffff;
	(erf) = vrcp.f32 v4  }
0x2f9: {  	v19 =	vld [tilespmem:s20+$0x60];
	(erf) = vpow2.f32 v3  }
0x2fa: {  	v3 =	vld.idx.msk [tilespmem:v2+s6+$0x0], $0xffff  }
0x2fb: {  	v5 =	vpop (erf);
	v2 =	vadd.f32 v12, v9;
	v9 =	vld.idx.msk [tilespmem:v11+s6+$0x0], $0xffff  }
0x2fc: {  	v6 =	vpop (erf);
	v11 =	vld.idx.msk [tilespmem:v14+s6+$0x0], $0xffff;
	v13 =	vadd.f32 v17, v13  }
0x2fd: {  	v4 =	vpop (erf);
	v17 =	vld.idx.msk [tilespmem:v18+s6+$0x0], $0xffff  }
0x2fe: {  	v8 =	vpop (erf);
	v12 =	vmul.f32 v2, v1;
	v13 =	vmul.f32 v13, v1  }
0x2ff: {  	v18 =	vld.idx.msk [tilespmem:v20+s6+$0x0], $0xffff;
	v20 =	vmul.f32 v15, v10;
	v10 =	vadd.f32 v22, v21;
	v14 =	vadd.f32 v3, v23;
	v7 =	vpop (erf)  }
0x300: {  	v12 =	vadd.f32 v12, v0;
	v2 =	vpop (erf)  }
0x301: {  	v19 =	vld.idx.msk [tilespmem:v19+s6+$0x0], $0xffff;
	v10 =	vmul.f32 v10, v1;
	v21 =	vadd.f32 v13, v0;
	v14 =	vmul.f32 v14, v1;
	v3 =	vpop (erf)  }
0x302: {  	v15 =	vld [tilespmem:s19+$0xFFFFFFC0];
	v9 =	vadd.f32 v11, v9;
	v16 =	vadd.f32 v17, v16;
	v12 =	vmul.f32 $1.442695020e+00, v12;
	v13 =	vpop (erf)  }
0x303: {  	v17 =	vadd.f32 v10, v0;
	v10 =	vld [tilespmem:s19+$0x10];
	v21 =	vmul.f32 $1.442695020e+00, v21;
	v11 =	vadd.f32 $1.000000000e+00, v13  }
0x304: {  	v22 =	vadd.f32 v14, v0;
	v14 =	vld [tilespmem:s19+$0xFFFFFFE0];
	v9 =	vmul.f32 v9, v1;
	(erf) = vpow2.f32 v12  }
0x305: {  	v16 =	vmul.f32 v16, v1;
	v13 =	vld [tilespmem:s19+$0xFFFFFFD0];
	(erf) = vrcp.f32 v11  }
0x306: {  	s13 =	simm.s32 $0x1CDC0;
	v23 =	vadd.f32 v19, v18;
	v12 =	vld [tilespmem:s19+$0x0];
	v22 =	vmul.f32 $1.442695020e+00, v22;
	(erf) = vpow2.f32 v21  }
0x307: {  	v19 =	vadd.f32 v16, v0;
	v16 =	vld [tilespmem:s13+$0x30];
	v21 =	vadd.f32 v9, v0  }
0x308: {  	s15 =	simm.s32 $0x1E140;
	v17 =	vmul.f32 $1.442695020e+00, v17;
	v11 =	vld [tilespmem:s19+$0xFFFFFFF0];
	(erf) = vpow2.f32 v22  }
0x309: {  	s14 =	simm.s32 $0x1E140;
	s18 =	simm.s32 $0x19D80;
	[tilespmem:s15+$0x30] =	vst v20;
	v20 =	vmul.f32 v23, v1;
	v9 =	vld [tilespmem:s19+$0x20];
	s19 =	simm.s32 $0x8;
	v18 =	vmul.f32 $1.442695020e+00, v21  }
.LBB2_11:
0x30a: {  	v21 =	vld [tilespmem:s18+$0xFFFFFFF0];
	(erf) = vpow2.f32 v17;
	v8 =	vmul.f32 v8, v15  }
0x30b: {  	s19 =	sadd.s32 $0x8, s19;
	v15 =	vld [tilespmem:s18+$0x70];
	v17 =	vmul.f32 $1.442695020e+00, v19;
	v20 =	vadd.f32 v20, v0;
	(erf) = vpow2.f32 v18  }
0x30c: {  	v5 =	vmul.f32 v5, v13;
	v6 =	vmul.f32 v6, v14;
	p1 =	slt.u32 s19, $0x98;
	v18 =	vld [tilespmem:s18+$0x0];
	[tilespmem:s15+$0xFFFFFFC0] =	vst v8  }
0x30d: {  	v8 =	vld [tilespmem:s18+$0xFFFFFF90];
	v13 =	vmul.f32 $1.442695020e+00, v20;
	v14 =	vpop (erf);
	(erf) = vpow2.f32 v17  }
0x30e: {  	v20 =	vmul.f32 v4, v11;
	v17 =	vld [tilespmem:s18+$0x10];
	v14 =	vadd.f32 $1.000000000e+00, v14;
	v19 =	vpop (erf);
	[tilespmem:s15+$0xFFFFFFD0] =	vst v5;
	v5 =	vmul.f32 v7, v12  }
0x30f: {  	v7 =	vld [tilespmem:s18+$0xFFFFFFA0];
	v11 =	vmul.f32 v19, v16;
	v12 =	vpop (erf);
	(erf) = vpow2.f32 v13;
	[tilespmem:s15+$0xFFFFFFE0] =	vst v6  }
0x310: {  	v2 =	vmul.f32 v2, v10;
	s15 =	sadd.s32 $0x80, s15;
	v13 =	vld [tilespmem:s18+$0x20];
	v12 =	vadd.f32 $1.000000000e+00, v12;
	(erf) = vrcp.f32 v14;
	[tilespmem:s14+$0xFFFFFFF0] =	vst v20  }
0x311: {  	v3 =	vmul.f32 v3, v9;
	v10 =	vld [tilespmem:s18+$0xFFFFFFB0];
	[tilespmem:s15+$0x30] =	vst v11;
	v4 =	vpop (erf)  }
0x312: {  	v9 =	vld.idx.msk [tilespmem:v21+s6+$0x0], $0xffff;
	v11 =	vadd.f32 $1.000000000e+00, v4;
	(erf) = vrcp.f32 v12;
	[tilespmem:s14+$0x0] =	vst v5  }
0x313: {  	v5 =	vld.idx.msk [tilespmem:v15+s6+$0x0], $0xffff;
	v6 =	vpop (erf);
	[tilespmem:s14+$0x10] =	vst v2  }
0x314: {  	v2 =	vld [tilespmem:s18+$0x30];
	v12 =	vadd.f32 $1.000000000e+00, v6;
	(erf) = vrcp.f32 v11;
	v4 =	vpop (erf);
	[tilespmem:s14+$0x20] =	vst v3;
	s14 =	smov.u32 s15  }
0x315: {  	v3 =	vld [tilespmem:s18+$0xFFFFFFC0];
	v15 =	vadd.f32 $1.000000000e+00, v4  }
0x316: {  	v11 =	vld [tilespmem:s18+$0x40];
	(erf) = vrcp.f32 v12;
	v6 =	vpop (erf)  }
0x317: {  	v12 =	vld [tilespmem:s18+$0xFFFFFFD0];
	v6 =	vadd.f32 $1.000000000e+00, v6;
	(erf) = vrcp.f32 v15  }
0x318: {  	v14 =	vld [tilespmem:s18+$0x50];
	v4 =	vpop (erf)  }
0x319: {  	v9 =	vadd.f32 v5, v9;
	v15 =	vld [tilespmem:s18+$0xFFFFFFE0];
	v4 =	vadd.f32 $1.000000000e+00, v4;
	v5 =	vpop (erf);
	(erf) = vrcp.f32 v6  }
0x31a: {  	v16 =	vld [tilespmem:s18+$0x60]  }
0x31b: {  	v9 =	vmul.f32 v9, v1;
	v19 =	vld [tilespmem:s18+$0xFFFFFF80];
	v6 =	vpop (erf);
	(erf) = vrcp.f32 v4  }
0x31c: {  	v18 =	vld.idx.msk [tilespmem:v18+s6+$0x0], $0xffff  }
0x31d: {  	v22 =	vadd.f32 v9, v0;
	v20 =	vld.idx.msk [tilespmem:v8+s6+$0x0], $0xffff;
	v4 =	vpop (erf)  }
0x31e: {  	v9 =	vld.idx.msk [tilespmem:v17+s6+$0x0], $0xffff  }
0x31f: {  	v21 =	vmul.f32 $1.442695020e+00, v22;
	v17 =	vld.idx.msk [tilespmem:v7+s6+$0x0], $0xffff;
	v8 =	vpop (erf)  }
0x320: {  	v13 =	vld.idx.msk [tilespmem:v13+s6+$0x0], $0xffff;
	v7 =	vpop (erf)  }
0x321: {  	v10 =	vld.idx.msk [tilespmem:v10+s6+$0x0], $0xffff;
	(erf) = vpow2.f32 v21  }
0x322: {  	v21 =	vld.idx.msk [tilespmem:v2+s6+$0x0], $0xffff;
	v2 =	vpop (erf)  }
0x323: {  	v19 =	vld.idx.msk [tilespmem:v19+s6+$0x0], $0xffff  }
0x324: {  	v9 =	vadd.f32 v9, v20;
	v20 =	vld.idx.msk [tilespmem:v3+s6+$0x0], $0xffff;
	v3 =	vpop (erf)  }
0x325: {  	v11 =	vld.idx.msk [tilespmem:v11+s6+$0x0], $0xffff  }
0x326: {  	v9 =	vmul.f32 v9, v1;
	v13 =	vadd.f32 v13, v17;
	v12 =	vld.idx.msk [tilespmem:v12+s6+$0x0], $0xffff  }
0x327: {  	v17 =	vld.idx.msk [tilespmem:v14+s6+$0x0], $0xffff  }
0x328: {  	v9 =	vadd.f32 v9, v0;
	v22 =	vmul.f32 v13, v1;
	v10 =	vadd.f32 v21, v10;
	v21 =	vld.idx.msk [tilespmem:v15+s6+$0x0], $0xffff  }
0x329: {  	v14 =	vadd.f32 v18, v19;
	v16 =	vld.idx.msk [tilespmem:v16+s6+$0x0], $0xffff  }
0x32a: {  	v9 =	vmul.f32 $1.442695020e+00, v9;
	v18 =	vadd.f32 v22, v0;
	v10 =	vmul.f32 v10, v1;
	v13 =	vpop (erf);
	v15 =	vld [tilespmem:s13+$0xFFFFFFC0]  }
0x32b: {  	v19 =	vmul.f32 v14, v1;
	v11 =	vadd.f32 v11, v20;
	v20 =	vadd.f32 $1.000000000e+00, v13;
	v13 =	vld [tilespmem:s13+$0xFFFFFFD0]  }
0x32c: {  	v18 =	vmul.f32 $1.442695020e+00, v18;
	v10 =	vadd.f32 v10, v0;
	(erf) = vpow2.f32 v9;
	v14 =	vld [tilespmem:s13+$0xFFFFFFE0]  }
.Ltmp6:
0x32d: {  	v9 =	vmul.f32 v11, v1;
	v17 =	vadd.f32 v17, v12;
	(erf) = vrcp.f32 v20;
	v11 =	vld [tilespmem:s13+$0xFFFFFFF0];
	(pc) =	sbr.rel @p1 .LBB2_11-.Ltmp6, $4  }
0x32e: {  	v19 =	vadd.f32 v19, v0;
	v20 =	vmul.f32 $1.442695020e+00, v10;
	(erf) = vpow2.f32 v18;
	v12 =	vld [tilespmem:s13+$0x0]  }
0x32f: {  	v18 =	vadd.f32 v9, v0;
	v22 =	vmul.f32 v17, v1;
	v16 =	vadd.f32 v16, v21;
	v10 =	vld [tilespmem:s13+$0x10]  }
0x330: {  	v17 =	vmul.f32 $1.442695020e+00, v19;
	(erf) = vpow2.f32 v20;
	v9 =	vld [tilespmem:s13+$0x20];
	s13 =	sadd.s32 $0x80, s13  }
0x331: {  	s18 =	sadd.s32 $0x100, s18;
	v18 =	vmul.f32 $1.442695020e+00, v18;
	v19 =	vadd.f32 v22, v0;
	v20 =	vmul.f32 v16, v1;
	v16 =	vld [tilespmem:s13+$0x30]  }
0x332: {  	(erf) = vpow2.f32 v17;
	_ =	sdelay $0x1  }
0x333: {  	v19 =	vmul.f32 $1.442695020e+00, v19  }
0x334: {  	v17 =	vadd.f32 v20, v0;
	_ =	sdelay $0x1  }
0x335: {  	(erf) = vpow2.f32 v18;
	v17 =	vmul.f32 $1.442695020e+00, v17;
	v18 =	vpop (erf)  }
0x336: {  	(erf) = vpow2.f32 v19;
	v19 =	vpop (erf)  }
0x337: {  	(erf) = vpow2.f32 v17;
	v17 =	vadd.f32 $1.000000000e+00, v18;
	v18 =	vpop (erf)  }
0x338: {  	v18 =	vadd.f32 $1.000000000e+00, v18;
	v20 =	vpop (erf)  }
0x339: {  	(erf) = vrcp.f32 v17;
	v17 =	vadd.f32 $1.000000000e+00, v20;
	v20 =	vpop (erf)  }
0x33a: {  	(erf) = vrcp.f32 v18;
	v18 =	vadd.f32 $1.000000000e+00, v20  }
0x33b: {  	(erf) = vrcp.f32 v17  }
0x33c: {  	(erf) = vrcp.f32 v18;
	_ =	sdelay $0x1  }
0x33d: {  	v8 =	vmul.f32 v8, v15;
	v6 =	vmul.f32 v6, v14;
	v17 =	vpop (erf)  }
0x33e: {  	v5 =	vmul.f32 v5, v13;
	v4 =	vmul.f32 v4, v11;
	v15 =	vadd.f32 $1.000000000e+00, v17;
	v17 =	vpop (erf)  }
0x33f: {  	[tilespmem:s15+$0xFFFFFFC0] =	vst v8;
	v13 =	vadd.f32 $1.000000000e+00, v17;
	v17 =	vpop (erf)  }
0x340: {  	v7 =	vmul.f32 v7, v12;
	[tilespmem:s15+$0xFFFFFFD0] =	vst v5;
	v5 =	vld [tilespmem:s13+$0xFFFFFFC0];
	(erf) = vrcp.f32 v15;
	v8 =	vadd.f32 $1.000000000e+00, v17  }
0x341: {  	v12 =	vld [tilespmem:s13+$0xFFFFFFE0];
	[tilespmem:s15+$0xFFFFFFE0] =	vst v6;
	(erf) = vrcp.f32 v13;
	v6 =	vpop (erf)  }
0x342: {  	[tilespmem:s14+$0xFFFFFFF0] =	vst v4;
	v11 =	vmul.f32 v19, v16;
	(erf) = vrcp.f32 v8;
	v8 =	vld [tilespmem:s13+$0xFFFFFFD0];
	v4 =	vpop (erf)  }
0x343: {  	s20 =	sadd.s32 $0x80, s15;
	v2 =	vmul.f32 v2, v10;
	[tilespmem:s14+$0x0] =	vst v7;
	v10 =	vpop (erf)  }
0x344: {  	[tilespmem:s20+$0x30] =	vst v11;
	v11 =	vld [tilespmem:s13+$0xFFFFFFF0];
	v7 =	vpop (erf)  }
0x345: {  	v3 =	vmul.f32 v3, v9;
	v9 =	vld [tilespmem:s13+$0x0];
	v5 =	vmul.f32 v7, v5  }
0x346: {  	[tilespmem:s14+$0x10] =	vst v2;
	v2 =	vld [tilespmem:s13+$0x10]  }
0x347: {  	[tilespmem:s14+$0x20] =	vst v3;
	v3 =	vld [tilespmem:s13+$0x20];
	v4 =	vmul.f32 v4, v12;
	v6 =	vmul.f32 v6, v8  }
0x348: {  	[tilespmem:s20+$0xFFFFFFC0] =	vst v5  }
0x349: {  	[tilespmem:s20+$0xFFFFFFD0] =	vst v6;
	v6 =	vmul.f32 v10, v11;
	v5 =	vpop (erf)  }
0x34a: {  	[tilespmem:s20+$0xFFFFFFE0] =	vst v4;
	v7 =	vpop (erf);
	v5 =	vmul.f32 v5, v9  }
0x34b: {  	s13 =	sadd.s32 $0x7, s10;
	[tilespmem:s20+$0xFFFFFFF0] =	vst v6;
	v4 =	vpop (erf);
	v2 =	vmul.f32 v7, v2  }
0x34c: {  	p1 =	sge.u32 s13, s9;
	v3 =	vmul.f32 v4, v3;
	[tilespmem:s20+$0x0] =	vst v5  }
0x34d: {  	s13 =	sadd.s32 @!p1 s7, s13;
	[tilespmem:s20+$0x10] =	vst v2  }
0x34e: {  	s12 =	sadd.s32 s5, s12;
	s15 =	simm.s32 @!p1 $0x19B00;
	s14 =	smul.u32 @!p1 $0x280, s13;
	[tilespmem:s20+$0x20] =	vst v3  }
0x34f: {  	[hbm4b:s12+s6] =	stream.linear.scatter [tilespmem:s30], [sflag:$0x4], $0xA00, $0x38;
	[tilespmem:$0x1F600] =	vst v63  }
0x350: {  	s13 =	smul.u32 @!p1 $0x140, s13;
	s12 =	sadd.s32 @!p1 s3, s14;
	s14 =	simm.s32 @!p1 $0x0  }
0x351: {  	[tilespmem:s15], [sflag:$0x2] =	stream.linear.gather @!p1 [hbm4b:s12+s14], $0x1400, $0x38;
	[tilespmem:$0x1F600] =	vst v63  }
0x352: {  	s12 =	sadd.s32 @!p1 s1, s13;
	s13 =	simm.s32 @!p1 $0x1CD00  }
0x353: {  	[tilespmem:s13], [sflag:$0x2] =	stream.linear.gather @!p1 [hbm4b:s12+s14], $0xA00, $0x38;
	[tilespmem:$0x1F600] =	vst v63  }
0x354: {  	_ =	swait.ge [sflag:s0], $0x1400  }
0x355: {  	[sflag:s0] =	ssyncset.done $0x0  }
0x356: {  	[sflag:s0] =	ssyncadd.s32 $0xFFFFEC00  }
0x357: {  	_ =	swait.ge [sflag:s0], $0xA00  }
0x358: {  	[sflag:s0] =	ssyncset.done $0x0  }
0x359: {  	[sflag:s0] =	ssyncadd.s32 $0xFFFFF600  }
0x35a: {  	_ =	swait.ge [sflag:s21], $0xA00  }
0x35b: {  	[sflag:s21] =	ssyncset.done $0x0  }
0x35c: {  	s18 =	simm.s32 $0x1AF80;
	[sflag:s21] =	ssyncadd.s32 $0xFFFFF600  }
0x35d: {  	v2 =	vld [tilespmem:s18+$0xFFFFFFF0]  }
0x35e: {  	v3 =	vld [tilespmem:s18+$0x70]  }
0x35f: {  	v4 =	vld [tilespmem:s18+$0x0]  }
0x360: {  	v5 =	vld [tilespmem:s18+$0xFFFFFF90]  }
0x361: {  	v6 =	vld [tilespmem:s18+$0x10]  }
0x362: {  	v7 =	vld [tilespmem:s18+$0xFFFFFFA0]  }
0x363: {  	v8 =	vld [tilespmem:s18+$0x20]  }
0x364: {  	v9 =	vld [tilespmem:s18+$0xFFFFFFB0]  }
0x365: {  	v10 =	vld [tilespmem:s18+$0x30]  }
0x366: {  	v11 =	vld [tilespmem:s18+$0xFFFFFFC0]  }
0x367: {  	v12 =	vld [tilespmem:s18+$0x40]  }
0x368: {  	v13 =	vld [tilespmem:s18+$0xFFFFFFD0]  }
0x369: {  	v2 =	vld.idx.msk [tilespmem:v2+s6+$0x0], $0xffff  }
0x36a: {  	v3 =	vld.idx.msk [tilespmem:v3+s6+$0x0], $0xffff  }
0x36b: {  	v14 =	vld [tilespmem:s18+$0x50]  }
0x36c: {  	v15 =	vld [tilespmem:s18+$0xFFFFFFE0]  }
0x36d: {  	s20 =	simm.s32 $0x1B080;
	v16 =	vld [tilespmem:s18+$0xFFFFFF80]  }
0x36e: {  	v21 =	vld [tilespmem:s20+$0xFFFFFF80]  }
0x36f: {  	v4 =	vld.idx.msk [tilespmem:v4+s6+$0x0], $0xffff;
	v2 =	vadd.f32 v3, v2  }
0x370: {  	v5 =	vld.idx.msk [tilespmem:v5+s6+$0x0], $0xffff  }
0x371: {  	v6 =	vld.idx.msk [tilespmem:v6+s6+$0x0], $0xffff;
	v2 =	vmul.f32 v2, v1  }
0x372: {  	v7 =	vld.idx.msk [tilespmem:v7+s6+$0x0], $0xffff  }
0x373: {  	v8 =	vld.idx.msk [tilespmem:v8+s6+$0x0], $0xffff;
	v2 =	vadd.f32 v2, v0  }
0x374: {  	v9 =	vld.idx.msk [tilespmem:v9+s6+$0x0], $0xffff  }
0x375: {  	v11 =	vld.idx.msk [tilespmem:v11+s6+$0x0], $0xffff;
	v2 =	vmul.f32 $1.442695020e+00, v2  }
0x376: {  	v3 =	vld [tilespmem:s18+$0x60]  }
0x377: {  	v5 =	vadd.f32 v6, v5;
	v6 =	vld.idx.msk [tilespmem:v12+s6+$0x0], $0xffff;
	(erf) = vpow2.f32 v2  }
0x378: {  	v2 =	vld.idx.msk [tilespmem:v10+s6+$0x0], $0xffff  }
0x379: {  	v10 =	vld.idx.msk [tilespmem:v16+s6+$0x0], $0xffff  }
0x37a: {  	v12 =	vld.idx.msk [tilespmem:v13+s6+$0x0], $0xffff;
	v7 =	vadd.f32 v8, v7  }
0x37b: {  	v8 =	vld.idx.msk [tilespmem:v14+s6+$0x0], $0xffff;
	v5 =	vmul.f32 v5, v1  }
0x37c: {  	v7 =	vmul.f32 v7, v1  }
0x37d: {  	v13 =	vld.idx.msk [tilespmem:v15+s6+$0x0], $0xffff;
	v5 =	vadd.f32 v5, v0;
	v2 =	vadd.f32 v2, v9  }
0x37e: {  	v7 =	vadd.f32 v7, v0;
	v3 =	vld.idx.msk [tilespmem:v3+s6+$0x0], $0xffff;
	v4 =	vadd.f32 v4, v10  }
0x37f: {  	v18 =	vld [tilespmem:s20+$0x50];
	v6 =	vadd.f32 v6, v11;
	v5 =	vmul.f32 $1.442695020e+00, v5;
	v2 =	vmul.f32 v2, v1  }
0x380: {  	v20 =	vld [tilespmem:s20+$0xFFFFFFE0];
	v8 =	vadd.f32 v8, v12;
	v7 =	vmul.f32 $1.442695020e+00, v7;
	v4 =	vmul.f32 v4, v1;
	v9 =	vpop (erf)  }
0x381: {  	v21 =	vld.idx.msk [tilespmem:v21+s6+$0x0], $0xffff;
	(erf) = vpow2.f32 v5;
	v2 =	vadd.f32 v2, v0;
	v9 =	vadd.f32 $1.000000000e+00, v9  }
0x382: {  	v12 =	vld [tilespmem:s20+$0x70];
	v8 =	vmul.f32 v8, v1;
	v5 =	vmul.f32 v6, v1;
	v4 =	vadd.f32 v4, v0  }
0x383: {  	v11 =	vld [tilespmem:s20+$0xFFFFFFF0];
	v3 =	vadd.f32 v3, v13;
	v2 =	vmul.f32 $1.442695020e+00, v2;
	(erf) = vrcp.f32 v9  }
0x384: {  	v14 =	vld [tilespmem:s20+$0x40];
	v4 =	vmul.f32 $1.442695020e+00, v4;
	(erf) = vpow2.f32 v7  }
0x385: {  	v16 =	vld [tilespmem:s20+$0xFFFFFFD0];
	v5 =	vadd.f32 v5, v0;
	v3 =	vmul.f32 v3, v1;
	(erf) = vpow2.f32 v2  }
0x386: {  	s19 =	simm.s32 $0x1D740;
	v6 =	vld [tilespmem:s20+$0x0];
	v7 =	vadd.f32 v8, v0;
	(erf) = vpow2.f32 v4  }
0x387: {  	v10 =	vld [tilespmem:s19+$0x30];
	v3 =	vadd.f32 v3, v0;
	v2 =	vmul.f32 $1.442695020e+00, v5  }
0x388: {  	v13 =	vld [tilespmem:s20+$0x10];
	v4 =	vmul.f32 $1.442695020e+00, v7  }
0x389: {  	v9 =	vld [tilespmem:s20+$0xFFFFFF90];
	(erf) = vpow2.f32 v2;
	v2 =	vmul.f32 $1.442695020e+00, v3  }
0x38a: {  	(erf) = vpow2.f32 v4;
	v4 =	vld.idx.msk [tilespmem:v12+s6+$0x0], $0xffff;
	v12 =	vpop (erf)  }
0x38b: {  	v3 =	vld.idx.msk [tilespmem:v11+s6+$0x0], $0xffff;
	(erf) = vpow2.f32 v2;
	v12 =	vadd.f32 $1.000000000e+00, v12  }
0x38c: {  	v5 =	vld [tilespmem:s20+$0x20];
	v15 =	vpop (erf)  }
0x38d: {  	v16 =	vld.idx.msk [tilespmem:v16+s6+$0x0], $0xffff;
	v17 =	vpop (erf)  }
0x38e: {  	v8 =	vld [tilespmem:s20+$0xFFFFFFA0];
	v17 =	vadd.f32 $1.000000000e+00, v17;
	v19 =	vpop (erf)  }
0x38f: {  	v7 =	vld [tilespmem:s20+$0xFFFFFFB0];
	(erf) = vrcp.f32 v12;
	v12 =	vpop (erf)  }
0x390: {  	v22 =	vld.idx.msk [tilespmem:v6+s6+$0x0], $0xffff;
	v3 =	vadd.f32 v4, v3;
	v12 =	vadd.f32 $1.000000000e+00, v12  }
0x391: {  	v2 =	vld [tilespmem:s20+$0x30];
	v4 =	vadd.f32 $1.000000000e+00, v19  }
0x392: {  	v11 =	vld [tilespmem:s20+$0xFFFFFFC0];
	v3 =	vmul.f32 v3, v1;
	(erf) = vrcp.f32 v17;
	v17 =	vpop (erf)  }
0x393: {  	v9 =	vld.idx.msk [tilespmem:v9+s6+$0x0], $0xffff;
	(erf) = vrcp.f32 v4;
	v4 =	vadd.f32 $1.000000000e+00, v17;
	v17 =	vpop (erf)  }
0x394: {  	v3 =	vadd.f32 v3, v0;
	(erf) = vrcp.f32 v12;
	v6 =	vadd.f32 $1.000000000e+00, v17;
	v12 =	vpop (erf);
	v17 =	vld.idx.msk [tilespmem:v5+s6+$0x0], $0xffff  }
0x395: {  	(erf) = vrcp.f32 v4;
	v4 =	vadd.f32 $1.000000000e+00, v12;
	v12 =	vld.idx.msk [tilespmem:v13+s6+$0x0], $0xffff  }
0x396: {  	v3 =	vmul.f32 $1.442695020e+00, v3;
	v13 =	vld.idx.msk [tilespmem:v8+s6+$0x0], $0xffff;
	(erf) = vrcp.f32 v6  }
0x397: {  	v23 =	vld.idx.msk [tilespmem:v7+s6+$0x0], $0xffff;
	(erf) = vrcp.f32 v4  }
0x398: {  	v19 =	vld [tilespmem:s20+$0x60];
	(erf) = vpow2.f32 v3  }
0x399: {  	v3 =	vld.idx.msk [tilespmem:v2+s6+$0x0], $0xffff  }
0x39a: {  	v5 =	vpop (erf);
	v2 =	vadd.f32 v12, v9;
	v9 =	vld.idx.msk [tilespmem:v11+s6+$0x0], $0xffff  }
0x39b: {  	v6 =	vpop (erf);
	v11 =	vld.idx.msk [tilespmem:v14+s6+$0x0], $0xffff;
	v13 =	vadd.f32 v17, v13  }
0x39c: {  	v4 =	vpop (erf);
	v17 =	vld.idx.msk [tilespmem:v18+s6+$0x0], $0xffff  }
0x39d: {  	v8 =	vpop (erf);
	v12 =	vmul.f32 v2, v1;
	v13 =	vmul.f32 v13, v1  }
0x39e: {  	v18 =	vld.idx.msk [tilespmem:v20+s6+$0x0], $0xffff;
	v20 =	vmul.f32 v15, v10;
	v10 =	vadd.f32 v22, v21;
	v14 =	vadd.f32 v3, v23;
	v7 =	vpop (erf)  }
0x39f: {  	v12 =	vadd.f32 v12, v0;
	v2 =	vpop (erf)  }
0x3a0: {  	v19 =	vld.idx.msk [tilespmem:v19+s6+$0x0], $0xffff;
	v10 =	vmul.f32 v10, v1;
	v21 =	vadd.f32 v13, v0;
	v14 =	vmul.f32 v14, v1;
	v3 =	vpop (erf)  }
0x3a1: {  	v15 =	vld [tilespmem:s19+$0xFFFFFFC0];
	v9 =	vadd.f32 v11, v9;
	v16 =	vadd.f32 v17, v16;
	v12 =	vmul.f32 $1.442695020e+00, v12;
	v13 =	vpop (erf)  }
0x3a2: {  	v17 =	vadd.f32 v10, v0;
	v10 =	vld [tilespmem:s19+$0x10];
	v21 =	vmul.f32 $1.442695020e+00, v21;
	v11 =	vadd.f32 $1.000000000e+00, v13  }
0x3a3: {  	v22 =	vadd.f32 v14, v0;
	v14 =	vld [tilespmem:s19+$0xFFFFFFE0];
	v9 =	vmul.f32 v9, v1;
	(erf) = vpow2.f32 v12  }
0x3a4: {  	v16 =	vmul.f32 v16, v1;
	v13 =	vld [tilespmem:s19+$0xFFFFFFD0];
	(erf) = vrcp.f32 v11  }
0x3a5: {  	s12 =	simm.s32 $0x1D7C0;
	v23 =	vadd.f32 v19, v18;
	v12 =	vld [tilespmem:s19+$0x0];
	v22 =	vmul.f32 $1.442695020e+00, v22;
	(erf) = vpow2.f32 v21  }
0x3a6: {  	v19 =	vadd.f32 v16, v0;
	v16 =	vld [tilespmem:s12+$0x30];
	v21 =	vadd.f32 v9, v0  }
0x3a7: {  	s14 =	simm.s32 $0x1EB40;
	v17 =	vmul.f32 $1.442695020e+00, v17;
	v11 =	vld [tilespmem:s19+$0xFFFFFFF0];
	(erf) = vpow2.f32 v22  }
0x3a8: {  	s15 =	simm.s32 $0x8;
	s13 =	simm.s32 $0x1EB40;
	s18 =	simm.s32 $0x1B180;
	[tilespmem:s14+$0x30] =	vst v20;
	v20 =	vmul.f32 v23, v1;
	v9 =	vld [tilespmem:s19+$0x20];
	v18 =	vmul.f32 $1.442695020e+00, v21  }
.LBB2_13:
0x3a9: {  	v21 =	vld [tilespmem:s18+$0xFFFFFFF0];
	(erf) = vpow2.f32 v17;
	v8 =	vmul.f32 v8, v15  }
0x3aa: {  	s15 =	sadd.s32 $0x8, s15;
	v15 =	vld [tilespmem:s18+$0x70];
	v17 =	vmul.f32 $1.442695020e+00, v19;
	v20 =	vadd.f32 v20, v0;
	(erf) = vpow2.f32 v18  }
0x3ab: {  	v5 =	vmul.f32 v5, v13;
	v6 =	vmul.f32 v6, v14;
	p1 =	slt.u32 s15, $0x98;
	v18 =	vld [tilespmem:s18+$0x0];
	[tilespmem:s14+$0xFFFFFFC0] =	vst v8  }
0x3ac: {  	v8 =	vld [tilespmem:s18+$0xFFFFFF90];
	v13 =	vmul.f32 $1.442695020e+00, v20;
	v14 =	vpop (erf);
	(erf) = vpow2.f32 v17  }
0x3ad: {  	v20 =	vmul.f32 v4, v11;
	v17 =	vld [tilespmem:s18+$0x10];
	v14 =	vadd.f32 $1.000000000e+00, v14;
	v19 =	vpop (erf);
	[tilespmem:s14+$0xFFFFFFD0] =	vst v5;
	v5 =	vmul.f32 v7, v12  }
0x3ae: {  	v7 =	vld [tilespmem:s18+$0xFFFFFFA0];
	v11 =	vmul.f32 v19, v16;
	v12 =	vpop (erf);
	(erf) = vpow2.f32 v13;
	[tilespmem:s14+$0xFFFFFFE0] =	vst v6  }
0x3af: {  	v2 =	vmul.f32 v2, v10;
	s14 =	sadd.s32 $0x80, s14;
	v13 =	vld [tilespmem:s18+$0x20];
	v12 =	vadd.f32 $1.000000000e+00, v12;
	(erf) = vrcp.f32 v14;
	[tilespmem:s13+$0xFFFFFFF0] =	vst v20  }
0x3b0: {  	v3 =	vmul.f32 v3, v9;
	v10 =	vld [tilespmem:s18+$0xFFFFFFB0];
	[tilespmem:s14+$0x30] =	vst v11;
	v4 =	vpop (erf)  }
0x3b1: {  	v9 =	vld.idx.msk [tilespmem:v21+s6+$0x0], $0xffff;
	v11 =	vadd.f32 $1.000000000e+00, v4;
	(erf) = vrcp.f32 v12;
	[tilespmem:s13+$0x0] =	vst v5  }
0x3b2: {  	v5 =	vld.idx.msk [tilespmem:v15+s6+$0x0], $0xffff;
	v6 =	vpop (erf);
	[tilespmem:s13+$0x10] =	vst v2  }
0x3b3: {  	v2 =	vld [tilespmem:s18+$0x30];
	v12 =	vadd.f32 $1.000000000e+00, v6;
	(erf) = vrcp.f32 v11;
	v4 =	vpop (erf);
	[tilespmem:s13+$0x20] =	vst v3;
	s13 =	smov.u32 s14  }
0x3b4: {  	v3 =	vld [tilespmem:s18+$0xFFFFFFC0];
	v15 =	vadd.f32 $1.000000000e+00, v4  }
0x3b5: {  	v11 =	vld [tilespmem:s18+$0x40];
	(erf) = vrcp.f32 v12;
	v6 =	vpop (erf)  }
0x3b6: {  	v12 =	vld [tilespmem:s18+$0xFFFFFFD0];
	v6 =	vadd.f32 $1.000000000e+00, v6;
	(erf) = vrcp.f32 v15  }
0x3b7: {  	v14 =	vld [tilespmem:s18+$0x50];
	v4 =	vpop (erf)  }
0x3b8: {  	v9 =	vadd.f32 v5, v9;
	v15 =	vld [tilespmem:s18+$0xFFFFFFE0];
	v4 =	vadd.f32 $1.000000000e+00, v4;
	v5 =	vpop (erf);
	(erf) = vrcp.f32 v6  }
0x3b9: {  	v16 =	vld [tilespmem:s18+$0x60]  }
0x3ba: {  	v9 =	vmul.f32 v9, v1;
	v19 =	vld [tilespmem:s18+$0xFFFFFF80];
	v6 =	vpop (erf);
	(erf) = vrcp.f32 v4  }
0x3bb: {  	v18 =	vld.idx.msk [tilespmem:v18+s6+$0x0], $0xffff  }
0x3bc: {  	v22 =	vadd.f32 v9, v0;
	v20 =	vld.idx.msk [tilespmem:v8+s6+$0x0], $0xffff;
	v4 =	vpop (erf)  }
0x3bd: {  	v9 =	vld.idx.msk [tilespmem:v17+s6+$0x0], $0xffff  }
0x3be: {  	v21 =	vmul.f32 $1.442695020e+00, v22;
	v17 =	vld.idx.msk [tilespmem:v7+s6+$0x0], $0xffff;
	v8 =	vpop (erf)  }
0x3bf: {  	v13 =	vld.idx.msk [tilespmem:v13+s6+$0x0], $0xffff;
	v7 =	vpop (erf)  }
0x3c0: {  	v10 =	vld.idx.msk [tilespmem:v10+s6+$0x0], $0xffff;
	(erf) = vpow2.f32 v21  }
0x3c1: {  	v21 =	vld.idx.msk [tilespmem:v2+s6+$0x0], $0xffff;
	v2 =	vpop (erf)  }
0x3c2: {  	v19 =	vld.idx.msk [tilespmem:v19+s6+$0x0], $0xffff  }
0x3c3: {  	v9 =	vadd.f32 v9, v20;
	v20 =	vld.idx.msk [tilespmem:v3+s6+$0x0], $0xffff;
	v3 =	vpop (erf)  }
0x3c4: {  	v11 =	vld.idx.msk [tilespmem:v11+s6+$0x0], $0xffff  }
0x3c5: {  	v9 =	vmul.f32 v9, v1;
	v13 =	vadd.f32 v13, v17;
	v12 =	vld.idx.msk [tilespmem:v12+s6+$0x0], $0xffff  }
0x3c6: {  	v17 =	vld.idx.msk [tilespmem:v14+s6+$0x0], $0xffff  }
0x3c7: {  	v9 =	vadd.f32 v9, v0;
	v22 =	vmul.f32 v13, v1;
	v10 =	vadd.f32 v21, v10;
	v21 =	vld.idx.msk [tilespmem:v15+s6+$0x0], $0xffff  }
0x3c8: {  	v14 =	vadd.f32 v18, v19;
	v16 =	vld.idx.msk [tilespmem:v16+s6+$0x0], $0xffff  }
0x3c9: {  	v9 =	vmul.f32 $1.442695020e+00, v9;
	v18 =	vadd.f32 v22, v0;
	v10 =	vmul.f32 v10, v1;
	v13 =	vpop (erf);
	v15 =	vld [tilespmem:s12+$0xFFFFFFC0]  }
0x3ca: {  	v19 =	vmul.f32 v14, v1;
	v11 =	vadd.f32 v11, v20;
	v20 =	vadd.f32 $1.000000000e+00, v13;
	v13 =	vld [tilespmem:s12+$0xFFFFFFD0]  }
0x3cb: {  	v18 =	vmul.f32 $1.442695020e+00, v18;
	v10 =	vadd.f32 v10, v0;
	(erf) = vpow2.f32 v9;
	v14 =	vld [tilespmem:s12+$0xFFFFFFE0]  }
.Ltmp7:
0x3cc: {  	v9 =	vmul.f32 v11, v1;
	v17 =	vadd.f32 v17, v12;
	(erf) = vrcp.f32 v20;
	v11 =	vld [tilespmem:s12+$0xFFFFFFF0];
	(pc) =	sbr.rel @p1 .LBB2_13-.Ltmp7, $4  }
0x3cd: {  	v19 =	vadd.f32 v19, v0;
	v20 =	vmul.f32 $1.442695020e+00, v10;
	(erf) = vpow2.f32 v18;
	v12 =	vld [tilespmem:s12+$0x0]  }
0x3ce: {  	v18 =	vadd.f32 v9, v0;
	v22 =	vmul.f32 v17, v1;
	v16 =	vadd.f32 v16, v21;
	v10 =	vld [tilespmem:s12+$0x10]  }
0x3cf: {  	v17 =	vmul.f32 $1.442695020e+00, v19;
	(erf) = vpow2.f32 v20;
	v9 =	vld [tilespmem:s12+$0x20];
	s12 =	sadd.s32 $0x80, s12  }
0x3d0: {  	s18 =	sadd.s32 $0x100, s18;
	v18 =	vmul.f32 $1.442695020e+00, v18;
	v19 =	vadd.f32 v22, v0;
	v20 =	vmul.f32 v16, v1;
	v16 =	vld [tilespmem:s12+$0x30]  }
0x3d1: {  	_ = 	snop  }
0x3d2: {  	(erf) = vpow2.f32 v17;
	v35 =	vadd.f32 v20, v0  }
0x3d3: {  	v19 =	vmul.f32 $1.442695020e+00, v19  }
0x3d4: {  	(erf) = vpow2.f32 v18;
	v17 =	vmul.f32 $1.442695020e+00, v35  }
0x3d5: {  	v36 =	vpop (erf);
	(erf) = vpow2.f32 v19  }
0x3d6: {  	v37 =	vpop (erf);
	(erf) = vpow2.f32 v17  }
0x3d7: {  	v38 =	vadd.f32 $1.000000000e+00, v36;
	_ =	sdelay $0x1  }
0x3d8: {  	v39 =	vpop (erf);
	(erf) = vrcp.f32 v38  }
0x3d9: {  	v18 =	vadd.f32 $1.000000000e+00, v39;
	v40 =	vpop (erf)  }
0x3da: {  	v41 =	vadd.f32 $1.000000000e+00, v40;
	v42 =	vpop (erf)  }
0x3db: {  	(erf) = vrcp.f32 v18;
	v43 =	vadd.f32 $1.000000000e+00, v42  }
0x3dc: {  	(erf) = vrcp.f32 v41;
	v44 =	vpop (erf)  }
0x3dd: {  	v8 =	vmul.f32 v8, v15;
	v45 =	vadd.f32 $1.000000000e+00, v44;
	(erf) = vrcp.f32 v43;
	v46 =	vpop (erf)  }
0x3de: {  	v5 =	vmul.f32 v5, v13;
	v47 =	vadd.f32 $1.000000000e+00, v46;
	v48 =	vpop (erf)  }
0x3df: {  	v6 =	vmul.f32 v6, v14;
	[tilespmem:s14+$0xFFFFFFC0] =	vst v8;
	(erf) = vrcp.f32 v45;
	v49 =	vadd.f32 $1.000000000e+00, v48  }
0x3e0: {  	v4 =	vmul.f32 v4, v11;
	v53 =	vld [tilespmem:s12+$0xFFFFFFD0];
	[tilespmem:s14+$0xFFFFFFD0] =	vst v5;
	(erf) = vrcp.f32 v47  }
0x3e1: {  	v55 =	vld [tilespmem:s12+$0xFFFFFFE0];
	v7 =	vmul.f32 v7, v12;
	[tilespmem:s14+$0xFFFFFFE0] =	vst v6;
	v52 =	vpop (erf);
	(erf) = vrcp.f32 v49  }
0x3e2: {  	v50 =	vld [tilespmem:s12+$0xFFFFFFC0];
	[tilespmem:s13+$0xFFFFFFF0] =	vst v4;
	v2 =	vmul.f32 v2, v10  }
0x3e3: {  	v57 =	vld [tilespmem:s12+$0xFFFFFFF0];
	v3 =	vmul.f32 v3, v9;
	[tilespmem:s13+$0x0] =	vst v7  }
0x3e4: {  	v59 =	vld [tilespmem:s12+$0x0];
	[tilespmem:s13+$0x10] =	vst v2;
	v51 =	vmul.f32 v37, v16;
	v54 =	vpop (erf)  }
0x3e5: {  	s20 =	sadd.s32 $0x80, s14;
	v2 =	vld [tilespmem:s12+$0x10];
	[tilespmem:s13+$0x20] =	vst v3;
	v6 =	vmul.f32 v52, v53;
	v56 =	vpop (erf)  }
0x3e6: {  	v3 =	vld [tilespmem:s12+$0x20];
	[tilespmem:s20+$0x30] =	vst v51;
	v4 =	vmul.f32 v54, v55;
	v58 =	vpop (erf)  }
0x3e7: {  	[tilespmem:s20+$0xFFFFFFD0] =	vst v6;
	v5 =	vmul.f32 v58, v50  }
0x3e8: {  	v61 =	vmul.f32 v56, v57;
	[tilespmem:s20+$0xFFFFFFE0] =	vst v4;
	v60 =	vpop (erf)  }
0x3e9: {  	[tilespmem:s20+$0xFFFFFFC0] =	vst v5;
	v62 =	vpop (erf);
	v5 =	vmul.f32 v60, v59  }
0x3ea: {  	s10 =	sadd.s32 $0x8, s10;
	[tilespmem:s20+$0xFFFFFFF0] =	vst v61;
	v2 =	vmul.f32 v62, v2;
	v63 =	vpop (erf)  }
0x3eb: {  	p1 =	sge.u32 s10, s9;
	[tilespmem:s20+$0x0] =	vst v5;
	v3 =	vmul.f32 v63, v3  }
0x3ec: {  	s10 =	sadd.s32 @!p1 s7, s10;
	[tilespmem:s20+$0x10] =	vst v2  }
0x3ed: {  	s11 =	sadd.s32 s5, s11;
	s12 =	smul.u32 @!p1 $0x280, s10;
	s13 =	simm.s32 @!p1 $0x1AF00;
	[tilespmem:s20+$0x20] =	vst v3  }
0x3ee: {  	[hbm4b:s11+s6] =	stream.linear.scatter [tilespmem:s4], [sflag:$0x5], $0xA00, $0x38;
	[tilespmem:$0x1F600] =	vst v63  }
0x3ef: {  	s10 =	smul.u32 @!p1 $0x140, s10;
	s11 =	sadd.s32 @!p1 s3, s12;
	s12 =	simm.s32 @!p1 $0x0  }
0x3f0: {  	[tilespmem:s13], [sflag:$0x3] =	stream.linear.gather @!p1 [hbm4b:s11+s12], $0x1400, $0x38;
	[tilespmem:$0x1F600] =	vst v63  }
0x3f1: {  	s8 =	sadd.s32 $0x1, s8;
	s10 =	sadd.s32 @!p1 s1, s10;
	s11 =	simm.s32 @!p1 $0x1D700  }
0x3f2: {  	[tilespmem:s11], [sflag:$0x3] =	stream.linear.gather @!p1 [hbm4b:s10+s12], $0xA00, $0x38;
	[tilespmem:$0x1F600] =	vst v63  }
0x3f3: {  	p1 =	sne.s32 s8, $0xD  }
.Ltmp8:
0x3f4: {  	_ = 	snop;
	(pc) =	sbr.rel @p1 .LBB2_2-.Ltmp8, $1  }
0x3f5: {  	_ =	sdelay $0x3  }
.Ltmp9:
0x3f6: {  	(pc) =	sbr.rel @p0 .LBB2_19-.Ltmp9, $2  }
0x3f7: {  	_ =	sdelay $0x2  }
0x3f8: {  	s10 =	rddreg [dreg:$0xf]  }
0x3f9: {  	_ =	swait.ge [sflag:s29], $0x1400  }
0x3fa: {  	[sflag:s29] =	ssyncset.done $0x0  }
0x3fb: {  	[sflag:s29] =	ssyncadd.s32 $0xFFFFEC00  }
0x3fc: {  	_ =	swait.ge [sflag:s29], $0xA00  }
0x3fd: {  	[sflag:s29] =	ssyncset.done $0x0  }
0x3fe: {  	[sflag:s29] =	ssyncadd.s32 $0xFFFFF600  }
0x3ff: {  	_ =	swait.ge [sflag:s2], $0xA00  }
0x400: {  	[sflag:s2] =	ssyncset.done $0x0  }
0x401: {  	s8 =	simm.s32 $0x18780;
	[sflag:s2] =	ssyncadd.s32 $0xFFFFF600  }
0x402: {  	v2 =	vld [tilespmem:s8+$0xFFFFFFF0]  }
0x403: {  	v3 =	vld [tilespmem:s8+$0x70]  }
0x404: {  	v4 =	vld [tilespmem:s8+$0x0]  }
0x405: {  	v5 =	vld [tilespmem:s8+$0xFFFFFF90]  }
0x406: {  	v6 =	vld [tilespmem:s8+$0x10]  }
0x407: {  	v7 =	vld [tilespmem:s8+$0xFFFFFFA0]  }
0x408: {  	v8 =	vld [tilespmem:s8+$0x20]  }
0x409: {  	v9 =	vld [tilespmem:s8+$0xFFFFFFB0]  }
0x40a: {  	v10 =	vld [tilespmem:s8+$0x30]  }
0x40b: {  	v11 =	vld [tilespmem:s8+$0xFFFFFFC0]  }
0x40c: {  	v12 =	vld [tilespmem:s8+$0x40]  }
0x40d: {  	v13 =	vld [tilespmem:s8+$0xFFFFFFD0]  }
0x40e: {  	v2 =	vld.idx.msk [tilespmem:v2+s6+$0x0], $0xffff  }
0x40f: {  	v3 =	vld.idx.msk [tilespmem:v3+s6+$0x0], $0xffff  }
0x410: {  	v14 =	vld [tilespmem:s8+$0x50]  }
0x411: {  	v15 =	vld [tilespmem:s8+$0xFFFFFFE0]  }
0x412: {  	s10 =	simm.s32 $0x18880;
	v16 =	vld [tilespmem:s8+$0xFFFFFF80]  }
0x413: {  	v21 =	vld [tilespmem:s10+$0xFFFFFF80]  }
0x414: {  	v4 =	vld.idx.msk [tilespmem:v4+s6+$0x0], $0xffff;
	v2 =	vadd.f32 v3, v2  }
0x415: {  	v5 =	vld.idx.msk [tilespmem:v5+s6+$0x0], $0xffff  }
0x416: {  	v6 =	vld.idx.msk [tilespmem:v6+s6+$0x0], $0xffff;
	v2 =	vmul.f32 v2, v1  }
0x417: {  	v7 =	vld.idx.msk [tilespmem:v7+s6+$0x0], $0xffff  }
0x418: {  	v8 =	vld.idx.msk [tilespmem:v8+s6+$0x0], $0xffff;
	v2 =	vadd.f32 v2, v0  }
0x419: {  	v9 =	vld.idx.msk [tilespmem:v9+s6+$0x0], $0xffff  }
0x41a: {  	v11 =	vld.idx.msk [tilespmem:v11+s6+$0x0], $0xffff;
	v2 =	vmul.f32 $1.442695020e+00, v2  }
0x41b: {  	v3 =	vld [tilespmem:s8+$0x60]  }
0x41c: {  	v5 =	vadd.f32 v6, v5;
	v6 =	vld.idx.msk [tilespmem:v12+s6+$0x0], $0xffff;
	(erf) = vpow2.f32 v2  }
0x41d: {  	v2 =	vld.idx.msk [tilespmem:v10+s6+$0x0], $0xffff  }
0x41e: {  	v10 =	vld.idx.msk [tilespmem:v16+s6+$0x0], $0xffff  }
0x41f: {  	v12 =	vld.idx.msk [tilespmem:v13+s6+$0x0], $0xffff;
	v7 =	vadd.f32 v8, v7  }
0x420: {  	v8 =	vld.idx.msk [tilespmem:v14+s6+$0x0], $0xffff;
	v5 =	vmul.f32 v5, v1  }
0x421: {  	v7 =	vmul.f32 v7, v1  }
0x422: {  	v13 =	vld.idx.msk [tilespmem:v15+s6+$0x0], $0xffff;
	v5 =	vadd.f32 v5, v0;
	v2 =	vadd.f32 v2, v9  }
0x423: {  	v7 =	vadd.f32 v7, v0;
	v3 =	vld.idx.msk [tilespmem:v3+s6+$0x0], $0xffff;
	v4 =	vadd.f32 v4, v10  }
0x424: {  	v18 =	vld [tilespmem:s10+$0x50];
	v6 =	vadd.f32 v6, v11;
	v5 =	vmul.f32 $1.442695020e+00, v5;
	v2 =	vmul.f32 v2, v1  }
0x425: {  	v20 =	vld [tilespmem:s10+$0xFFFFFFE0];
	v8 =	vadd.f32 v8, v12;
	v7 =	vmul.f32 $1.442695020e+00, v7;
	v4 =	vmul.f32 v4, v1;
	v9 =	vpop (erf)  }
0x426: {  	v21 =	vld.idx.msk [tilespmem:v21+s6+$0x0], $0xffff;
	v2 =	vadd.f32 v2, v0;
	(erf) = vpow2.f32 v5;
	v9 =	vadd.f32 $1.000000000e+00, v9  }
0x427: {  	v12 =	vld [tilespmem:s10+$0x70];
	v8 =	vmul.f32 v8, v1;
	v5 =	vmul.f32 v6, v1;
	v4 =	vadd.f32 v4, v0  }
0x428: {  	v11 =	vld [tilespmem:s10+$0xFFFFFFF0];
	v3 =	vadd.f32 v3, v13;
	v2 =	vmul.f32 $1.442695020e+00, v2;
	(erf) = vrcp.f32 v9  }
0x429: {  	v14 =	vld [tilespmem:s10+$0x40];
	v4 =	vmul.f32 $1.442695020e+00, v4;
	(erf) = vpow2.f32 v7  }
0x42a: {  	s20 =	simm.s32 $0x1C340;
	v16 =	vld [tilespmem:s10+$0xFFFFFFD0];
	v3 =	vmul.f32 v3, v1;
	v5 =	vadd.f32 v5, v0;
	(erf) = vpow2.f32 v2  }
0x42b: {  	v10 =	vld [tilespmem:s20+$0x30];
	v7 =	vadd.f32 v8, v0;
	(erf) = vpow2.f32 v4  }
0x42c: {  	v13 =	vld [tilespmem:s10+$0x10];
	v3 =	vadd.f32 v3, v0;
	v2 =	vmul.f32 $1.442695020e+00, v5  }
0x42d: {  	v6 =	vld [tilespmem:s10+$0x0];
	v4 =	vmul.f32 $1.442695020e+00, v7  }
0x42e: {  	v9 =	vld [tilespmem:s10+$0xFFFFFF90];
	(erf) = vpow2.f32 v2;
	v2 =	vmul.f32 $1.442695020e+00, v3  }
0x42f: {  	(erf) = vpow2.f32 v4;
	v4 =	vld.idx.msk [tilespmem:v12+s6+$0x0], $0xffff;
	v12 =	vpop (erf)  }
0x430: {  	v3 =	vld.idx.msk [tilespmem:v11+s6+$0x0], $0xffff;
	(erf) = vpow2.f32 v2;
	v12 =	vadd.f32 $1.000000000e+00, v12  }
0x431: {  	v5 =	vld [tilespmem:s10+$0x20];
	v15 =	vpop (erf)  }
0x432: {  	v16 =	vld.idx.msk [tilespmem:v16+s6+$0x0], $0xffff;
	v17 =	vpop (erf)  }
0x433: {  	v8 =	vld [tilespmem:s10+$0xFFFFFFA0];
	v17 =	vadd.f32 $1.000000000e+00, v17;
	v19 =	vpop (erf)  }
0x434: {  	v7 =	vld [tilespmem:s10+$0xFFFFFFB0];
	(erf) = vrcp.f32 v12;
	v12 =	vpop (erf)  }
0x435: {  	v11 =	vld [tilespmem:s10+$0xFFFFFFC0];
	v3 =	vadd.f32 v4, v3;
	v12 =	vadd.f32 $1.000000000e+00, v12  }
0x436: {  	v2 =	vld [tilespmem:s10+$0x30];
	v4 =	vadd.f32 $1.000000000e+00, v19  }
0x437: {  	v22 =	vld.idx.msk [tilespmem:v6+s6+$0x0], $0xffff;
	v3 =	vmul.f32 v3, v1;
	(erf) = vrcp.f32 v17;
	v17 =	vpop (erf)  }
0x438: {  	v9 =	vld.idx.msk [tilespmem:v9+s6+$0x0], $0xffff;
	(erf) = vrcp.f32 v4;
	v4 =	vadd.f32 $1.000000000e+00, v17;
	v17 =	vpop (erf)  }
0x439: {  	v3 =	vadd.f32 v3, v0;
	(erf) = vrcp.f32 v12;
	v6 =	vadd.f32 $1.000000000e+00, v17;
	v12 =	vpop (erf);
	v17 =	vld.idx.msk [tilespmem:v5+s6+$0x0], $0xffff  }
0x43a: {  	(erf) = vrcp.f32 v4;
	v4 =	vadd.f32 $1.000000000e+00, v12;
	v12 =	vld.idx.msk [tilespmem:v13+s6+$0x0], $0xffff  }
0x43b: {  	v3 =	vmul.f32 $1.442695020e+00, v3;
	v13 =	vld.idx.msk [tilespmem:v8+s6+$0x0], $0xffff;
	(erf) = vrcp.f32 v6  }
0x43c: {  	v23 =	vld.idx.msk [tilespmem:v7+s6+$0x0], $0xffff;
	(erf) = vrcp.f32 v4  }
0x43d: {  	v19 =	vld [tilespmem:s10+$0x60];
	(erf) = vpow2.f32 v3  }
0x43e: {  	v3 =	vld.idx.msk [tilespmem:v2+s6+$0x0], $0xffff  }
0x43f: {  	v5 =	vpop (erf);
	v2 =	vadd.f32 v12, v9;
	v9 =	vld.idx.msk [tilespmem:v11+s6+$0x0], $0xffff  }
0x440: {  	v6 =	vpop (erf);
	v11 =	vld.idx.msk [tilespmem:v14+s6+$0x0], $0xffff;
	v13 =	vadd.f32 v17, v13  }
0x441: {  	v4 =	vpop (erf);
	v17 =	vld.idx.msk [tilespmem:v18+s6+$0x0], $0xffff  }
0x442: {  	v8 =	vpop (erf);
	v12 =	vmul.f32 v2, v1;
	v13 =	vmul.f32 v13, v1  }
0x443: {  	v18 =	vld.idx.msk [tilespmem:v20+s6+$0x0], $0xffff;
	v20 =	vmul.f32 v15, v10;
	v10 =	vadd.f32 v22, v21;
	v14 =	vadd.f32 v3, v23;
	v7 =	vpop (erf)  }
0x444: {  	v12 =	vadd.f32 v12, v0;
	v2 =	vpop (erf)  }
0x445: {  	v19 =	vld.idx.msk [tilespmem:v19+s6+$0x0], $0xffff;
	v10 =	vmul.f32 v10, v1;
	v21 =	vadd.f32 v13, v0;
	v14 =	vmul.f32 v14, v1;
	v3 =	vpop (erf)  }
0x446: {  	v15 =	vld [tilespmem:s20+$0xFFFFFFC0];
	v9 =	vadd.f32 v11, v9;
	v16 =	vadd.f32 v17, v16;
	v12 =	vmul.f32 $1.442695020e+00, v12;
	v13 =	vpop (erf)  }
0x447: {  	v17 =	vadd.f32 v10, v0;
	v10 =	vld [tilespmem:s20+$0x10];
	v21 =	vmul.f32 $1.442695020e+00, v21;
	v11 =	vadd.f32 $1.000000000e+00, v13  }
0x448: {  	v22 =	vadd.f32 v14, v0;
	v14 =	vld [tilespmem:s20+$0xFFFFFFE0];
	v9 =	vmul.f32 v9, v1;
	(erf) = vpow2.f32 v12  }
0x449: {  	v16 =	vmul.f32 v16, v1;
	v13 =	vld [tilespmem:s20+$0xFFFFFFD0];
	(erf) = vrcp.f32 v11  }
0x44a: {  	s8 =	simm.s32 $0x1C3C0;
	v23 =	vadd.f32 v19, v18;
	v12 =	vld [tilespmem:s20+$0x0];
	v22 =	vmul.f32 $1.442695020e+00, v22;
	(erf) = vpow2.f32 v21  }
0x44b: {  	v19 =	vadd.f32 v16, v0;
	v16 =	vld [tilespmem:s8+$0x30];
	v21 =	vadd.f32 v9, v0  }
0x44c: {  	s11 =	simm.s32 $0x1E140;
	v17 =	vmul.f32 $1.442695020e+00, v17;
	v11 =	vld [tilespmem:s20+$0xFFFFFFF0];
	(erf) = vpow2.f32 v22  }
0x44d: {  	s12 =	simm.s32 $0x8;
	s13 =	simm.s32 $0x18980;
	s10 =	simm.s32 $0x1E140;
	[tilespmem:s11+$0x30] =	vst v20;
	v20 =	vmul.f32 v23, v1;
	v9 =	vld [tilespmem:s20+$0x20];
	v18 =	vmul.f32 $1.442695020e+00, v21  }
.LBB2_17:
0x44e: {  	v21 =	vld [tilespmem:s13+$0xFFFFFFF0];
	(erf) = vpow2.f32 v17;
	v8 =	vmul.f32 v8, v15  }
0x44f: {  	s12 =	sadd.s32 $0x8, s12;
	v15 =	vld [tilespmem:s13+$0x70];
	v17 =	vmul.f32 $1.442695020e+00, v19;
	v20 =	vadd.f32 v20, v0;
	(erf) = vpow2.f32 v18  }
0x450: {  	v5 =	vmul.f32 v5, v13;
	v6 =	vmul.f32 v6, v14;
	p1 =	slt.u32 s12, $0x98;
	v18 =	vld [tilespmem:s13+$0x0];
	[tilespmem:s11+$0xFFFFFFC0] =	vst v8  }
0x451: {  	v8 =	vld [tilespmem:s13+$0xFFFFFF90];
	v13 =	vmul.f32 $1.442695020e+00, v20;
	v14 =	vpop (erf);
	(erf) = vpow2.f32 v17  }
0x452: {  	v20 =	vmul.f32 v4, v11;
	v17 =	vld [tilespmem:s13+$0x10];
	v14 =	vadd.f32 $1.000000000e+00, v14;
	v19 =	vpop (erf);
	[tilespmem:s11+$0xFFFFFFD0] =	vst v5;
	v5 =	vmul.f32 v7, v12  }
0x453: {  	v7 =	vld [tilespmem:s13+$0xFFFFFFA0];
	v11 =	vmul.f32 v19, v16;
	v12 =	vpop (erf);
	(erf) = vpow2.f32 v13;
	[tilespmem:s11+$0xFFFFFFE0] =	vst v6  }
0x454: {  	v2 =	vmul.f32 v2, v10;
	s11 =	sadd.s32 $0x80, s11;
	v13 =	vld [tilespmem:s13+$0x20];
	v12 =	vadd.f32 $1.000000000e+00, v12;
	(erf) = vrcp.f32 v14;
	[tilespmem:s10+$0xFFFFFFF0] =	vst v20  }
0x455: {  	v3 =	vmul.f32 v3, v9;
	v10 =	vld [tilespmem:s13+$0xFFFFFFB0];
	[tilespmem:s11+$0x30] =	vst v11;
	v4 =	vpop (erf)  }
0x456: {  	v9 =	vld.idx.msk [tilespmem:v21+s6+$0x0], $0xffff;
	v11 =	vadd.f32 $1.000000000e+00, v4;
	(erf) = vrcp.f32 v12;
	[tilespmem:s10+$0x0] =	vst v5  }
0x457: {  	v5 =	vld.idx.msk [tilespmem:v15+s6+$0x0], $0xffff;
	v6 =	vpop (erf);
	[tilespmem:s10+$0x10] =	vst v2  }
0x458: {  	v2 =	vld [tilespmem:s13+$0x30];
	v12 =	vadd.f32 $1.000000000e+00, v6;
	(erf) = vrcp.f32 v11;
	v4 =	vpop (erf);
	[tilespmem:s10+$0x20] =	vst v3;
	s10 =	smov.u32 s11  }
0x459: {  	v3 =	vld [tilespmem:s13+$0xFFFFFFC0];
	v15 =	vadd.f32 $1.000000000e+00, v4  }
0x45a: {  	v11 =	vld [tilespmem:s13+$0x40];
	(erf) = vrcp.f32 v12;
	v6 =	vpop (erf)  }
0x45b: {  	v12 =	vld [tilespmem:s13+$0xFFFFFFD0];
	v6 =	vadd.f32 $1.000000000e+00, v6;
	(erf) = vrcp.f32 v15  }
0x45c: {  	v14 =	vld [tilespmem:s13+$0x50];
	v4 =	vpop (erf)  }
0x45d: {  	v9 =	vadd.f32 v5, v9;
	v15 =	vld [tilespmem:s13+$0xFFFFFFE0];
	v4 =	vadd.f32 $1.000000000e+00, v4;
	v5 =	vpop (erf);
	(erf) = vrcp.f32 v6  }
0x45e: {  	v16 =	vld [tilespmem:s13+$0x60]  }
0x45f: {  	v9 =	vmul.f32 v9, v1;
	v19 =	vld [tilespmem:s13+$0xFFFFFF80];
	v6 =	vpop (erf);
	(erf) = vrcp.f32 v4  }
0x460: {  	v18 =	vld.idx.msk [tilespmem:v18+s6+$0x0], $0xffff  }
0x461: {  	v22 =	vadd.f32 v9, v0;
	v20 =	vld.idx.msk [tilespmem:v8+s6+$0x0], $0xffff;
	v4 =	vpop (erf)  }
0x462: {  	v9 =	vld.idx.msk [tilespmem:v17+s6+$0x0], $0xffff  }
0x463: {  	v21 =	vmul.f32 $1.442695020e+00, v22;
	v17 =	vld.idx.msk [tilespmem:v7+s6+$0x0], $0xffff;
	v8 =	vpop (erf)  }
0x464: {  	v13 =	vld.idx.msk [tilespmem:v13+s6+$0x0], $0xffff;
	v7 =	vpop (erf)  }
0x465: {  	v10 =	vld.idx.msk [tilespmem:v10+s6+$0x0], $0xffff;
	(erf) = vpow2.f32 v21  }
0x466: {  	v21 =	vld.idx.msk [tilespmem:v2+s6+$0x0], $0xffff;
	v2 =	vpop (erf)  }
0x467: {  	v19 =	vld.idx.msk [tilespmem:v19+s6+$0x0], $0xffff  }
0x468: {  	v9 =	vadd.f32 v9, v20;
	v20 =	vld.idx.msk [tilespmem:v3+s6+$0x0], $0xffff;
	v3 =	vpop (erf)  }
0x469: {  	v11 =	vld.idx.msk [tilespmem:v11+s6+$0x0], $0xffff  }
0x46a: {  	v9 =	vmul.f32 v9, v1;
	v13 =	vadd.f32 v13, v17;
	v12 =	vld.idx.msk [tilespmem:v12+s6+$0x0], $0xffff  }
0x46b: {  	v17 =	vld.idx.msk [tilespmem:v14+s6+$0x0], $0xffff  }
0x46c: {  	v9 =	vadd.f32 v9, v0;
	v22 =	vmul.f32 v13, v1;
	v10 =	vadd.f32 v21, v10;
	v21 =	vld.idx.msk [tilespmem:v15+s6+$0x0], $0xffff  }
0x46d: {  	v14 =	vadd.f32 v18, v19;
	v16 =	vld.idx.msk [tilespmem:v16+s6+$0x0], $0xffff  }
0x46e: {  	v9 =	vmul.f32 $1.442695020e+00, v9;
	v18 =	vadd.f32 v22, v0;
	v10 =	vmul.f32 v10, v1;
	v13 =	vpop (erf);
	v15 =	vld [tilespmem:s8+$0xFFFFFFC0]  }
0x46f: {  	v19 =	vmul.f32 v14, v1;
	v11 =	vadd.f32 v11, v20;
	v20 =	vadd.f32 $1.000000000e+00, v13;
	v13 =	vld [tilespmem:s8+$0xFFFFFFD0]  }
0x470: {  	v18 =	vmul.f32 $1.442695020e+00, v18;
	v10 =	vadd.f32 v10, v0;
	(erf) = vpow2.f32 v9;
	v14 =	vld [tilespmem:s8+$0xFFFFFFE0]  }
.Ltmp10:
0x471: {  	v9 =	vmul.f32 v11, v1;
	v17 =	vadd.f32 v17, v12;
	(erf) = vrcp.f32 v20;
	v11 =	vld [tilespmem:s8+$0xFFFFFFF0];
	(pc) =	sbr.rel @p1 .LBB2_17-.Ltmp10, $4  }
0x472: {  	v19 =	vadd.f32 v19, v0;
	v20 =	vmul.f32 $1.442695020e+00, v10;
	(erf) = vpow2.f32 v18;
	v12 =	vld [tilespmem:s8+$0x0]  }
0x473: {  	v18 =	vadd.f32 v9, v0;
	v22 =	vmul.f32 v17, v1;
	v16 =	vadd.f32 v16, v21;
	v10 =	vld [tilespmem:s8+$0x10]  }
0x474: {  	v17 =	vmul.f32 $1.442695020e+00, v19;
	(erf) = vpow2.f32 v20;
	v9 =	vld [tilespmem:s8+$0x20];
	s8 =	sadd.s32 $0x80, s8  }
0x475: {  	s13 =	sadd.s32 $0x100, s13;
	v18 =	vmul.f32 $1.442695020e+00, v18;
	v19 =	vadd.f32 v22, v0;
	v20 =	vmul.f32 v16, v1;
	v16 =	vld [tilespmem:s8+$0x30]  }
0x476: {  	_ = 	snop  }
0x477: {  	(erf) = vpow2.f32 v17;
	v0 =	vadd.f32 v20, v0  }
0x478: {  	v1 =	vmul.f32 $1.442695020e+00, v19  }
0x479: {  	(erf) = vpow2.f32 v18;
	v0 =	vmul.f32 $1.442695020e+00, v0  }
0x47a: {  	v34 =	vpop (erf);
	(erf) = vpow2.f32 v1  }
0x47b: {  	v35 =	vpop (erf);
	(erf) = vpow2.f32 v0  }
0x47c: {  	v36 =	vadd.f32 $1.000000000e+00, v34;
	_ =	sdelay $0x1  }
0x47d: {  	v37 =	vpop (erf);
	(erf) = vrcp.f32 v36  }
0x47e: {  	v17 =	vadd.f32 $1.000000000e+00, v37;
	v38 =	vpop (erf)  }
0x47f: {  	v39 =	vadd.f32 $1.000000000e+00, v38;
	v40 =	vpop (erf)  }
0x480: {  	(erf) = vrcp.f32 v17;
	v41 =	vadd.f32 $1.000000000e+00, v40  }
0x481: {  	(erf) = vrcp.f32 v39;
	v42 =	vpop (erf)  }
0x482: {  	v8 =	vmul.f32 v8, v15;
	v0 =	vadd.f32 $1.000000000e+00, v42;
	(erf) = vrcp.f32 v41;
	v43 =	vpop (erf)  }
0x483: {  	v5 =	vmul.f32 v5, v13;
	v44 =	vadd.f32 $1.000000000e+00, v43;
	v45 =	vpop (erf)  }
0x484: {  	v6 =	vmul.f32 v6, v14;
	[tilespmem:s11+$0xFFFFFFC0] =	vst v8;
	(erf) = vrcp.f32 v0;
	v46 =	vadd.f32 $1.000000000e+00, v45  }
0x485: {  	v4 =	vmul.f32 v4, v11;
	v49 =	vld [tilespmem:s8+$0xFFFFFFD0];
	[tilespmem:s11+$0xFFFFFFD0] =	vst v5;
	(erf) = vrcp.f32 v44  }
0x486: {  	v51 =	vld [tilespmem:s8+$0xFFFFFFE0];
	v7 =	vmul.f32 v7, v12;
	[tilespmem:s11+$0xFFFFFFE0] =	vst v6;
	v48 =	vpop (erf);
	(erf) = vrcp.f32 v46  }
0x487: {  	v47 =	vld [tilespmem:s8+$0xFFFFFFC0];
	[tilespmem:s10+$0xFFFFFFF0] =	vst v4;
	v2 =	vmul.f32 v2, v10  }
0x488: {  	v53 =	vld [tilespmem:s8+$0xFFFFFFF0];
	v3 =	vmul.f32 v3, v9;
	[tilespmem:s10+$0x0] =	vst v7  }
0x489: {  	v55 =	vld [tilespmem:s8+$0x0];
	[tilespmem:s10+$0x10] =	vst v2;
	v1 =	vmul.f32 v35, v16;
	v50 =	vpop (erf)  }
0x48a: {  	s19 =	sadd.s32 $0x80, s11;
	v56 =	vld [tilespmem:s8+$0x10];
	[tilespmem:s10+$0x20] =	vst v3;
	v0 =	vmul.f32 v48, v49;
	v52 =	vpop (erf)  }
0x48b: {  	v57 =	vld [tilespmem:s8+$0x20];
	[tilespmem:s19+$0x30] =	vst v1;
	v4 =	vmul.f32 v50, v51;
	v54 =	vpop (erf)  }
0x48c: {  	[tilespmem:s19+$0xFFFFFFD0] =	vst v0;
	v5 =	vmul.f32 v54, v47  }
0x48d: {  	v59 =	vmul.f32 v52, v53;
	[tilespmem:s19+$0xFFFFFFE0] =	vst v4;
	v58 =	vpop (erf)  }
0x48e: {  	[tilespmem:s19+$0xFFFFFFC0] =	vst v5;
	v60 =	vpop (erf);
	v5 =	vmul.f32 v58, v55  }
0x48f: {  	[tilespmem:s19+$0xFFFFFFF0] =	vst v59;
	v62 =	vmul.f32 v60, v56;
	v61 =	vpop (erf)  }
0x490: {  	[tilespmem:s19+$0x0] =	vst v5;
	v63 =	vmul.f32 v61, v57  }
.Ltmp11:
0x491: {  	[tilespmem:s19+$0x10] =	vst v62;
	(pc) =	sbr.rel .LBB2_19-.Ltmp11, $4  }
0x492: {  	[tilespmem:s19+$0x20] =	vst v63  }
0x493: {  	s20 =	rddreg [dreg:$0xd]  }
0x494: {  	s10 =	rddreg [dreg:$0xf]  }
0x495: {  	[hbm4b:s20+s6] =	stream.linear.scatter [tilespmem:s30], [sflag:$0x4], $0xA00, $0x38;
	[tilespmem:$0x1F600] =	vst v63  }
.LBB2_20:
0x496: {  	_ =	sfence.sel $0x180000  }
0x497: {  	[bflag:$0x0] =	sbarrier.arrive $0xFFFF  }
0x498: {  	_ =	strace $0x90000047  }
0x499: {  	s0 =	stileid.u32;
	[bflag:$0x2] =	sbarrier.arrive $0xFFFF  }
0x49a: {  	p0 =	sne.s32 s0, $0x0;
	s0 =	rddreg [dreg:$0x5]  }
0x49b: {  	s0 =	sadd.s32 @!p0 $0x100000, s0  }
0x49c: {  	[sflag:s0] =	ssyncadd.tile.s32 @!p0 $0x1;
	_ =	shalt  }
.Lfunc_end2:
_tile_overlayer_lowered:
.L_overlay_start_2:
0x49d: {  	(tag) =	ssettag $0x2  }
0x49e: {  	s0 =	rddreg [dreg:$0x0];
	s2 =	stileid.u32  }
0x49f: {  	s1 =	rddreg [dreg:$0x1];
	p0 =	sne.s32 s2, $0x0  }
0x4a0: {  	s3 =	rddreg [dreg:$0x2];
	[bflag:$0x3] =	sbarrier.arrive $0xFFFF;
	s2 =	simm.s32 @!p0 $0x1C06  }
0x4a1: {  	[timem:s3], [sflag:s2] =	dma.local @!p0 [hbm:s0], s1  }
0x4a2: {  	s0 =	simm.s32 @!p0 $0x6  }
0x4a3: {  	_ =	swait.ge @!p0 [sflag:s0], s1  }
0x4a4: {  	s1 =	ssub.s32 @!p0 $0x0, s1;
	[sflag:s0] =	ssyncset.done @!p0 $0x0  }
0x4a5: {  	[sflag:s0] =	ssyncadd.s32 @!p0 s1  }
0x4a6: {  	[bflag:$0x3] =	sbarrier.arrive $0xFFFF  }
0x4a7: {  	_ =	shalt  }

</sc_bundles>
